<compile_context>
chip_gen: v7x
topology: tpu7x:2x2x1
jax: 0.10.2.dev20260603
libtpu: 0.0.44.dev20260713+nightly
codegen_flags: <defaults>
</compile_context>

<pallas_src>
import functools

import jax
import jax.numpy as jnp
from jax import lax
from jax.experimental import pallas as pl
from jax.experimental.pallas import tpu as pltpu
from jax.experimental.pallas import tpu_sc as plsc

N = 10000
E = 320000
D = 128
NC = 2
NS = 16
NW = NC * NS
L = 16

K = 128
EPW = -(-E // NW)
NCHUNK = -(-EPW // K)
E_PAD = NW * NCHUNK * K
N_ACC = 10240
RPT = N_ACC // NS
RCH = RPT // K

_mesh = plsc.VectorSubcoreMesh(core_axis_name="c", subcore_axis_name="s")


def _zero_rows_buf(buf):
    zz = jnp.zeros((L,), jnp.float32)

    def zb(i, _):
        for c in range(D // L):
            buf[i, pl.ds(c * L, L)] = zz
        return 0

    lax.fori_loop(0, K, zb, 0, unroll=False)


@functools.partial(
    pl.kernel,
    out_type=jax.ShapeDtypeStruct((NC, N_ACC), jnp.float32),
    mesh=_mesh,
    scratch_types=[
        pltpu.VMEM((K,), jnp.int32),
        pltpu.VMEM((K,), jnp.float32),
        pltpu.VMEM((RPT,), jnp.float32),
        pltpu.VMEM_SHARED((N_ACC,), jnp.float32),
    ],
)
def _deg_kernel(col_hbm, w_hbm, out_hbm, col_v, w_v, zbuf, acc_sh):
    cid = lax.axis_index("c")
    sid = lax.axis_index("s")
    wid = sid * NC + cid

    zz = jnp.zeros((L,), jnp.float32)

    def zb(i, _):
        zbuf[pl.ds(i * L, L)] = zz
        return 0

    lax.fori_loop(0, RPT // L, zb, 0, unroll=False)
    pltpu.sync_copy(zbuf, acc_sh.at[pl.ds(sid * RPT, RPT)])
    plsc.subcore_barrier()

    def body(j, _):
        pltpu.sync_copy(col_hbm.at[wid, j], col_v)
        pltpu.sync_copy(w_hbm.at[wid, j], w_v)
        pltpu.sync_copy(w_v, acc_sh.at[col_v], add=True)
        return 0

    lax.fori_loop(0, NCHUNK, body, 0, unroll=False)
    plsc.subcore_barrier()
    pltpu.sync_copy(acc_sh.at[pl.ds(sid * RPT, RPT)],
                    out_hbm.at[cid, pl.ds(sid * RPT, RPT)])


def _make_agg(with_dis):
    scratch = [
        pltpu.VMEM((K,), jnp.int32),
        pltpu.VMEM((K,), jnp.int32),
        pltpu.VMEM((K,), jnp.float32),
        pltpu.VMEM((K, D), jnp.float32),
        pltpu.VMEM_SHARED((N_ACC, D), jnp.float32),
        pltpu.SemaphoreType.DMA,
    ]
    if with_dis:
        scratch.append(pltpu.VMEM((N_ACC,), jnp.float32))

    def body(*refs):
        if with_dis:
            (row_hbm, col_hbm, w_hbm, dis_hbm, src_hbm, out_hbm,
             row_v, col_v, w_v, rows_v, acc_sh, sem, dis_v) = refs
        else:
            (row_hbm, col_hbm, w_hbm, src_hbm, out_hbm,
             row_v, col_v, w_v, rows_v, acc_sh, sem) = refs

        cid = lax.axis_index("c")
        sid = lax.axis_index("s")
        wid = sid * NC + cid

        if with_dis:
            pltpu.sync_copy(dis_hbm, dis_v)

        _zero_rows_buf(rows_v)
        for i in range(RCH):
            pltpu.sync_copy(rows_v, acc_sh.at[pl.ds(sid * RPT + i * K, K)])
        plsc.subcore_barrier()

        def chunk(j, _):
            pltpu.sync_copy(row_hbm.at[wid, j], row_v)
            pltpu.sync_copy(col_hbm.at[wid, j], col_v)
            pltpu.sync_copy(w_hbm.at[wid, j], w_v)
            if with_dis:
                for g in range(K // L):
                    sl = pl.ds(g * L, L)
                    dr = plsc.load_gather(dis_v, [row_v[sl]])
                    dc = plsc.load_gather(dis_v, [col_v[sl]])
                    w_v[sl] = w_v[sl] * dr * dc
            pltpu.async_copy(src_hbm.at[row_v], rows_v, sem).wait()

            def scale(e, _):
                wv = plsc.load_gather(w_v, [jnp.full((L,), e, jnp.int32)])
                for c in range(D // L):
                    sl = pl.ds(c * L, L)
                    rows_v[e, sl] = rows_v[e, sl] * wv
                return 0

            lax.fori_loop(0, K, scale, 0, unroll=False)
            pltpu.sync_copy(rows_v, acc_sh.at[col_v], add=True)
            return 0

        lax.fori_loop(0, NCHUNK, chunk, 0, unroll=False)
        plsc.subcore_barrier()
        for i in range(RCH):
            r0 = sid * RPT + i * K
            pltpu.sync_copy(acc_sh.at[pl.ds(r0, K)],
                            out_hbm.at[cid, pl.ds(r0, K)])

    return pl.kernel(
        body,
        out_type=jax.ShapeDtypeStruct((NC, N_ACC, D), jnp.float32),
        mesh=_mesh,
        scratch_types=scratch,
        compiler_params=pltpu.CompilerParams(needs_layout_passes=False),
    )


_agg_plain = _make_agg(False)
_agg_gcn = _make_agg(True)



def _bn(h, gamma, beta):
    m = jnp.mean(h, axis=0)
    v = jnp.mean(h * h, axis=0) - m * m
    return (h - m) * lax.rsqrt(v + 1e-5) * gamma + beta


def _tc_call(fn, out_shapes, *args):
    return pl.pallas_call(
        fn,
        out_shape=[jax.ShapeDtypeStruct(s, jnp.float32) for s in out_shapes],
    )(*args)


def _bn0_mm_body(x_ref, g_ref, b_ref, w_ref, h1_ref):
    xn = _bn(x_ref[...], g_ref[...], b_ref[...])
    h1_ref[...] = jnp.dot(xn, w_ref[...], preferred_element_type=jnp.float32)


def _dis_body(degp_ref, dis_ref):
    deg = degp_ref[0] + degp_ref[1] + 1.0
    dis_ref[...] = lax.rsqrt(jnp.maximum(deg, 1e-12))


def _layer1_body(p0_ref, p1_ref, h1_ref, dis_ref, b1_ref, g1_ref, be1_ref,
                 wr_ref, br_ref, wo_ref, t_ref, r_ref):
    dis = dis_ref[...]
    o1 = (p0_ref[...] + p1_ref[...] + h1_ref[...] * (dis * dis)
          + b1_ref[...])
    h2 = _bn(jnp.maximum(o1, 0.0), g1_ref[...], be1_ref[...])
    t_ref[...] = jnp.dot(h2, wr_ref[...], preferred_element_type=jnp.float32)
    r_ref[...] = (jnp.dot(h2, wo_ref[...], preferred_element_type=jnp.float32)
                  + br_ref[...])


def _layer2_body(p0_ref, p1_ref, r_in_ref, g_ref, be_ref,
                 wr_ref, br_ref, wo_ref, t_ref, r_ref):
    o = p0_ref[...] + p1_ref[...] + r_in_ref[...]
    h = _bn(jnp.maximum(o, 0.0), g_ref[...], be_ref[...])
    t_ref[...] = jnp.dot(h, wr_ref[...], preferred_element_type=jnp.float32)
    r_ref[...] = (jnp.dot(h, wo_ref[...], preferred_element_type=jnp.float32)
                  + br_ref[...])


def _final_body(p0_ref, p1_ref, r_in_ref, g_ref, be_ref, out_ref):
    o = p0_ref[...] + p1_ref[...] + r_in_ref[...]
    out_ref[...] = _bn(jnp.maximum(o, 0.0), g_ref[...], be_ref[...])


def kernel(x, edge_index, edge_weight, gamma0, beta0, W1, b1, gamma1, beta1,
           Wrel2, brel2, Wroot2, gamma2, beta2,
           Wrel3, brel3, Wroot3, gamma3, beta3):
    pad = E_PAD - E
    row = jnp.pad(edge_index[0].astype(jnp.int32), (0, pad))
    col = jnp.pad(edge_index[1].astype(jnp.int32), (0, pad))
    w = jnp.pad(edge_weight, (0, pad))
    row3 = row.reshape(NW, NCHUNK, K)
    col3 = col.reshape(NW, NCHUNK, K)
    w3 = w.reshape(NW, NCHUNK, K)

    degp = _deg_kernel(col3, w3)
    h1, = _tc_call(_bn0_mm_body, [(N, D)], x, gamma0, beta0, W1)

    dis, = _tc_call(_dis_body, [(N_ACC,)], degp)
    dis_col = dis[:N].reshape(N, 1)

    agg1 = _agg_gcn(row3, col3, w3, dis, h1)
    t2, r2 = _tc_call(_layer1_body, [(N, D), (N, D)],
                      agg1[0, :N], agg1[1, :N], h1, dis_col,
                      b1, gamma1, beta1, Wrel2, brel2, Wroot2)

    agg2 = _agg_plain(row3, col3, w3, t2)
    t3, r3 = _tc_call(_layer2_body, [(N, D), (N, D)],
                      agg2[0, :N], agg2[1, :N], r2, gamma2, beta2,
                      Wrel3, brel3, Wroot3)

    agg3 = _agg_plain(row3, col3, w3, t3)
    out, = _tc_call(_final_body, [(N, D)],
                    agg3[0, :N], agg3[1, :N], r3, gamma3, beta3)
    return out

# --- scband reference (transcript-rebuilt; emitter-appended) ---
"""Pipeline reference for scband-full-graph-conv-48215302865680 (READ-ONLY COPY).

The authoritative reference and input builder live on the scoring server;
editing this copy changes nothing except your own understanding.
"""

import jax, jax.numpy as jnp
import numpy as np

N = 10000
E = 320000
C_IN = 128
H1 = 128
H2 = 128


def setup_inputs(seed: int = 0) -> dict:
    key = jax.random.key(seed)
    ks = jax.random.split(key, 20)
    x = jax.random.normal(ks[0], (N, C_IN), dtype=jnp.float32)
    edge_index = jax.random.randint(ks[1], (2, E), 0, N)
    edge_weight = jax.random.uniform(ks[2], (E,), dtype=jnp.float32)
    inp = {
        'x': x,
        'edge_index': edge_index,
        'edge_weight': edge_weight,
        'gamma0': jnp.ones((C_IN,), dtype=jnp.float32),
        'beta0': jnp.zeros((C_IN,), dtype=jnp.float32),
        'W1': jax.random.normal(ks[3], (C_IN, H1), dtype=jnp.float32) * 0.05,
        'b1': jnp.zeros((H1,), dtype=jnp.float32),
        'gamma1': jnp.ones((H1,), dtype=jnp.float32),
        'beta1': jnp.zeros((H1,), dtype=jnp.float32),
        'Wrel2': jax.random.normal(ks[4], (H1, H1), dtype=jnp.float32) * 0.05,
        'brel2': jnp.zeros((H1,), dtype=jnp.float32),
        'Wroot2': jax.random.normal(ks[5], (H1, H1), dtype=jnp.float32) * 0.05,
        'gamma2': jnp.ones((H1,), dtype=jnp.float32),
        'beta2': jnp.zeros((H1,), dtype=jnp.float32),
        'Wrel3': jax.random.normal(ks[6], (H1, H2), dtype=jnp.float32) * 0.05,
        'brel3': jnp.zeros((H2,), dtype=jnp.float32),
        'Wroot3': jax.random.normal(ks[7], (H1, H2), dtype=jnp.float32) * 0.05,
        'gamma3': jnp.ones((H2,), dtype=jnp.float32),
        'beta3': jnp.zeros((H2,), dtype=jnp.float32),
    }
    return inp


def _batch_norm(h, gamma, beta):
    m = jnp.mean(h, axis=0)
    v = jnp.var(h, axis=0)
    return (h - m) * jax.lax.rsqrt(v + 1e-5) * gamma + beta


def _gcn_conv(h, row, col, ew, W, b):
    # GCNConv: linear, add self-loops (weight 1), symmetric normalization, sum-aggregate
    h = h @ W
    loop = jnp.arange(N)
    r = jnp.concatenate([row, loop])
    c = jnp.concatenate([col, loop])
    w = jnp.concatenate([ew, jnp.ones((N,), dtype=ew.dtype)])
    deg = jax.ops.segment_sum(w, c, num_segments=N)
    dis = jax.lax.rsqrt(jnp.maximum(deg, 1e-12))
    norm = dis[r] * w * dis[c]
    out = jax.ops.segment_sum(h[r] * norm[:, None], c, num_segments=N)
    return out + b


def _graph_conv(h, row, col, ew, Wrel, brel, Wroot):
    # GraphConv: out = lin_rel(sum_j ew_ij * x_j) + lin_root(x_i)
    agg = jax.ops.segment_sum(h[row] * ew[:, None], col, num_segments=N)
    return agg @ Wrel + brel + h @ Wroot


def reference(x, edge_index, edge_weight, gamma0, beta0, W1, b1, gamma1, beta1,
              Wrel2, brel2, Wroot2, gamma2, beta2,
              Wrel3, brel3, Wroot3, gamma3, beta3):
    row = edge_index[0]
    col = edge_index[1]
    xn = _batch_norm(x, gamma0, beta0)
    h = _batch_norm(jax.nn.relu(_gcn_conv(xn, row, col, edge_weight, W1, b1)), gamma1, beta1)
    h = _batch_norm(jax.nn.relu(_graph_conv(h, row, col, edge_weight, Wrel2, brel2, Wroot2)), gamma2, beta2)
    h = _batch_norm(jax.nn.relu(_graph_conv(h, row, col, edge_weight, Wrel3, brel3, Wroot3)), gamma3, beta3)
    return h

if __name__ == "__main__":
    import jax
    _d = setup_inputs()
    print(jax.jit(kernel)(*tuple(_d.values())))

</pallas_src>

<mosaic_0001>
#map = affine_map<(d0, d1) -> (0, 0, 0)>
#map1 = affine_map<(d0, d1) -> (0, 0)>
module attributes {stable_mosaic.version = 14 : i64} {
  func.func @body(%arg0: i32, %arg1: i32, %arg2: memref<32x79x128xi32, #tpu.memory_space<hbm>>, %arg3: memref<32x79x128xi32, #tpu.memory_space<hbm>>, %arg4: memref<32x79x128xf32, #tpu.memory_space<hbm>>, %arg5: memref<10000x128xf32, #tpu.memory_space<hbm>>, %arg6: memref<2x10240x128xf32, #tpu.memory_space<hbm>>, %arg7: memref<128xi32, #tpu.memory_space<vmem>>, %arg8: memref<128xi32, #tpu.memory_space<vmem>>, %arg9: memref<128xf32, #tpu.memory_space<vmem>>, %arg10: memref<128x128xf32, #tpu.memory_space<vmem>>, %arg11: memref<10240x128xf32, #tpu.memory_space<vmem_shared>>, %arg12: memref<!tpu.dma_semaphore, #tpu.memory_space<semaphore_mem>>) attributes {dimension_semantics = [#tpu.dimension_semantics<core_parallel>, #tpu.dimension_semantics<subcore_parallel>], iteration_bounds = array<i64: 2, 16>, scalar_prefetch = 0 : i64, scratch_operands = 6 : i64, tpu.core_type = #tpu.core_type<sc_vector_subcore>, window_params = [{transform_indices = #map}, {transform_indices = #map}, {transform_indices = #map}, {transform_indices = #map1}, {transform_indices = #map}]} {
    %mul3A = arith.constant 2 : i32
    %mul3A_0 = arith.muli %arg1, %mul3A : i32
    %add3A = arith.addi %mul3A_0, %arg0 : i32
    %broadcast_in_dim3A = arith.constant 0.000000e+00 : f32
    %broadcast_in_dim3A_1 = vector.broadcast %broadcast_in_dim3A : f32 to vector<16xf32>
    %scan3A = arith.constant 0 : i32
    %scan3A_2 = arith.constant 0 : i32
    %scan3A_3 = arith.constant 128 : i32
    %scan3A_4 = arith.addi %scan3A_2, %scan3A_3 : i32
    %scan3A_5 = arith.constant 1 : i32
    %scan3A_6 = scf.for %scan3A_56 = %scan3A_2 to %scan3A_4 step %scan3A_5 iter_args(%scan3A_57 = %scan3A) -> (i32)  : i32 {
      %swap3A = arith.index_cast %scan3A_56 : i32 to index
      %swap3A_58 = arith.constant 0 : index
      %swap3A_59 = tpu.vector_load %arg10[%swap3A, %swap3A_58] {strides = array<i32>} : memref<128x128xf32, #tpu.memory_space<vmem>>, vector<16xf32>,
      tpu.vector_store %arg10[%swap3A, %swap3A_58], %broadcast_in_dim3A_1 {strides = array<i32>} : memref<128x128xf32, #tpu.memory_space<vmem>>, vector<16xf32>,
      %swap3A_60 = arith.index_cast %scan3A_56 : i32 to index
      %swap3A_61 = arith.constant 16 : index
      %swap3A_62 = tpu.vector_load %arg10[%swap3A_60, %swap3A_61] {strides = array<i32>} : memref<128x128xf32, #tpu.memory_space<vmem>>, vector<16xf32>,
      tpu.vector_store %arg10[%swap3A_60, %swap3A_61], %broadcast_in_dim3A_1 {strides = array<i32>} : memref<128x128xf32, #tpu.memory_space<vmem>>, vector<16xf32>,
      %swap3A_63 = arith.index_cast %scan3A_56 : i32 to index
      %swap3A_64 = arith.constant 32 : index
      %swap3A_65 = tpu.vector_load %arg10[%swap3A_63, %swap3A_64] {strides = array<i32>} : memref<128x128xf32, #tpu.memory_space<vmem>>, vector<16xf32>,
      tpu.vector_store %arg10[%swap3A_63, %swap3A_64], %broadcast_in_dim3A_1 {strides = array<i32>} : memref<128x128xf32, #tpu.memory_space<vmem>>, vector<16xf32>,
      %swap3A_66 = arith.index_cast %scan3A_56 : i32 to index
      %swap3A_67 = arith.constant 48 : index
      %swap3A_68 = tpu.vector_load %arg10[%swap3A_66, %swap3A_67] {strides = array<i32>} : memref<128x128xf32, #tpu.memory_space<vmem>>, vector<16xf32>,
      tpu.vector_store %arg10[%swap3A_66, %swap3A_67], %broadcast_in_dim3A_1 {strides = array<i32>} : memref<128x128xf32, #tpu.memory_space<vmem>>, vector<16xf32>,
      %swap3A_69 = arith.index_cast %scan3A_56 : i32 to index
      %swap3A_70 = arith.constant 64 : index
      %swap3A_71 = tpu.vector_load %arg10[%swap3A_69, %swap3A_70] {strides = array<i32>} : memref<128x128xf32, #tpu.memory_space<vmem>>, vector<16xf32>,
      tpu.vector_store %arg10[%swap3A_69, %swap3A_70], %broadcast_in_dim3A_1 {strides = array<i32>} : memref<128x128xf32, #tpu.memory_space<vmem>>, vector<16xf32>,
      %swap3A_72 = arith.index_cast %scan3A_56 : i32 to index
      %swap3A_73 = arith.constant 80 : index
      %swap3A_74 = tpu.vector_load %arg10[%swap3A_72, %swap3A_73] {strides = array<i32>} : memref<128x128xf32, #tpu.memory_space<vmem>>, vector<16xf32>,
      tpu.vector_store %arg10[%swap3A_72, %swap3A_73], %broadcast_in_dim3A_1 {strides = array<i32>} : memref<128x128xf32, #tpu.memory_space<vmem>>, vector<16xf32>,
      %swap3A_75 = arith.index_cast %scan3A_56 : i32 to index
      %swap3A_76 = arith.constant 96 : index
      %swap3A_77 = tpu.vector_load %arg10[%swap3A_75, %swap3A_76] {strides = array<i32>} : memref<128x128xf32, #tpu.memory_space<vmem>>, vector<16xf32>,
      tpu.vector_store %arg10[%swap3A_75, %swap3A_76], %broadcast_in_dim3A_1 {strides = array<i32>} : memref<128x128xf32, #tpu.memory_space<vmem>>, vector<16xf32>,
      %swap3A_78 = arith.index_cast %scan3A_56 : i32 to index
      %swap3A_79 = arith.constant 112 : index
      %swap3A_80 = tpu.vector_load %arg10[%swap3A_78, %swap3A_79] {strides = array<i32>} : memref<128x128xf32, #tpu.memory_space<vmem>>, vector<16xf32>,
      tpu.vector_store %arg10[%swap3A_78, %swap3A_79], %broadcast_in_dim3A_1 {strides = array<i32>} : memref<128x128xf32, #tpu.memory_space<vmem>>, vector<16xf32>,
      %scan3A_81 = arith.constant 0 : i32
      scf.yield %scan3A_81 : i32
    }
    %scan3A_7 = arith.constant 128 : i32
    %mul3A_8 = arith.constant 640 : i32
    %mul3A_9 = arith.muli %arg1, %mul3A_8 : i32
    %add3A_10 = arith.constant 0 : i32
    %add3A_11 = arith.addi %mul3A_9, %add3A_10 : i32
    "tpu.region"() ({
      %run_scoped3A = tpu.sem_alloc : memref<!tpu.dma_semaphore, #tpu.memory_space<semaphore_mem>>
      %dma_start3A = arith.constant 0 : i32
      %dma_start3A_56 = tpu.memref_slice %arg11[%add3A_11, %dma_start3A] : memref<10240x128xf32, #tpu.memory_space<vmem_shared>> -> memref<128x128xf32, #tpu.memory_space<vmem_shared>>
      %dma_start3A_57 = arith.constant 0 : i32
      %dma_start3A_58 = tpu.memref_slice %arg11[%add3A_11, %dma_start3A_57] : memref<10240x128xf32, #tpu.memory_space<vmem_shared>> -> memref<128x128xf32, #tpu.memory_space<vmem_shared>>
      tpu.enqueue_dma source(%arg10 : memref<128x128xf32, #tpu.memory_space<vmem>>) target(%dma_start3A_58 : memref<128x128xf32, #tpu.memory_space<vmem_shared>>) target_semaphore(%run_scoped3A : memref<!tpu.dma_semaphore, #tpu.memory_space<semaphore_mem>>)
      %dma_wait3A = arith.constant 0 : i32
      %dma_wait3A_59 = tpu.memref_slice %arg11[%add3A_11, %dma_wait3A] : memref<10240x128xf32, #tpu.memory_space<vmem_shared>> -> memref<128x128xf32, #tpu.memory_space<vmem_shared>>
      %dma_wait3A_60 = arith.constant 0 : i32
      %dma_wait3A_61 = tpu.memref_slice %arg11[%add3A_11, %dma_wait3A_60] : memref<10240x128xf32, #tpu.memory_space<vmem_shared>> -> memref<128x128xf32, #tpu.memory_space<vmem_shared>>
      tpu.wait_dma2 semaphore(%run_scoped3A : memref<!tpu.dma_semaphore, #tpu.memory_space<semaphore_mem>>) src(%arg10 : memref<128x128xf32, #tpu.memory_space<vmem>>) dst(%dma_wait3A_61 : memref<128x128xf32, #tpu.memory_space<vmem_shared>>)
      tpu.yield
    }) : () -> ()
    %mul3A_12 = arith.constant 640 : i32
    %mul3A_13 = arith.muli %arg1, %mul3A_12 : i32
    %add3A_14 = arith.constant 128 : i32
    %add3A_15 = arith.addi %mul3A_13, %add3A_14 : i32
    "tpu.region"() ({
      %run_scoped3A = tpu.sem_alloc : memref<!tpu.dma_semaphore, #tpu.memory_space<semaphore_mem>>
      %dma_start3A = arith.constant 0 : i32
      %dma_start3A_56 = tpu.memref_slice %arg11[%add3A_15, %dma_start3A] : memref<10240x128xf32, #tpu.memory_space<vmem_shared>> -> memref<128x128xf32, #tpu.memory_space<vmem_shared>>
      %dma_start3A_57 = arith.constant 0 : i32
      %dma_start3A_58 = tpu.memref_slice %arg11[%add3A_15, %dma_start3A_57] : memref<10240x128xf32, #tpu.memory_space<vmem_shared>> -> memref<128x128xf32, #tpu.memory_space<vmem_shared>>
      tpu.enqueue_dma source(%arg10 : memref<128x128xf32, #tpu.memory_space<vmem>>) target(%dma_start3A_58 : memref<128x128xf32, #tpu.memory_space<vmem_shared>>) target_semaphore(%run_scoped3A : memref<!tpu.dma_semaphore, #tpu.memory_space<semaphore_mem>>)
      %dma_wait3A = arith.constant 0 : i32
      %dma_wait3A_59 = tpu.memref_slice %arg11[%add3A_15, %dma_wait3A] : memref<10240x128xf32, #tpu.memory_space<vmem_shared>> -> memref<128x128xf32, #tpu.memory_space<vmem_shared>>
      %dma_wait3A_60 = arith.constant 0 : i32
      %dma_wait3A_61 = tpu.memref_slice %arg11[%add3A_15, %dma_wait3A_60] : memref<10240x128xf32, #tpu.memory_space<vmem_shared>> -> memref<128x128xf32, #tpu.memory_space<vmem_shared>>
      tpu.wait_dma2 semaphore(%run_scoped3A : memref<!tpu.dma_semaphore, #tpu.memory_space<semaphore_mem>>) src(%arg10 : memref<128x128xf32, #tpu.memory_space<vmem>>) dst(%dma_wait3A_61 : memref<128x128xf32, #tpu.memory_space<vmem_shared>>)
      tpu.yield
    }) : () -> ()
    %mul3A_16 = arith.constant 640 : i32
    %mul3A_17 = arith.muli %arg1, %mul3A_16 : i32
    %add3A_18 = arith.constant 256 : i32
    %add3A_19 = arith.addi %mul3A_17, %add3A_18 : i32
    "tpu.region"() ({
      %run_scoped3A = tpu.sem_alloc : memref<!tpu.dma_semaphore, #tpu.memory_space<semaphore_mem>>
      %dma_start3A = arith.constant 0 : i32
      %dma_start3A_56 = tpu.memref_slice %arg11[%add3A_19, %dma_start3A] : memref<10240x128xf32, #tpu.memory_space<vmem_shared>> -> memref<128x128xf32, #tpu.memory_space<vmem_shared>>
      %dma_start3A_57 = arith.constant 0 : i32
      %dma_start3A_58 = tpu.memref_slice %arg11[%add3A_19, %dma_start3A_57] : memref<10240x128xf32, #tpu.memory_space<vmem_shared>> -> memref<128x128xf32, #tpu.memory_space<vmem_shared>>
      tpu.enqueue_dma source(%arg10 : memref<128x128xf32, #tpu.memory_space<vmem>>) target(%dma_start3A_58 : memref<128x128xf32, #tpu.memory_space<vmem_shared>>) target_semaphore(%run_scoped3A : memref<!tpu.dma_semaphore, #tpu.memory_space<semaphore_mem>>)
      %dma_wait3A = arith.constant 0 : i32
      %dma_wait3A_59 = tpu.memref_slice %arg11[%add3A_19, %dma_wait3A] : memref<10240x128xf32, #tpu.memory_space<vmem_shared>> -> memref<128x128xf32, #tpu.memory_space<vmem_shared>>
      %dma_wait3A_60 = arith.constant 0 : i32
      %dma_wait3A_61 = tpu.memref_slice %arg11[%add3A_19, %dma_wait3A_60] : memref<10240x128xf32, #tpu.memory_space<vmem_shared>> -> memref<128x128xf32, #tpu.memory_space<vmem_shared>>
      tpu.wait_dma2 semaphore(%run_scoped3A : memref<!tpu.dma_semaphore, #tpu.memory_space<semaphore_mem>>) src(%arg10 : memref<128x128xf32, #tpu.memory_space<vmem>>) dst(%dma_wait3A_61 : memref<128x128xf32, #tpu.memory_space<vmem_shared>>)
      tpu.yield
    }) : () -> ()
    %mul3A_20 = arith.constant 640 : i32
    %mul3A_21 = arith.muli %arg1, %mul3A_20 : i32
    %add3A_22 = arith.constant 384 : i32
    %add3A_23 = arith.addi %mul3A_21, %add3A_22 : i32
    "tpu.region"() ({
      %run_scoped3A = tpu.sem_alloc : memref<!tpu.dma_semaphore, #tpu.memory_space<semaphore_mem>>
      %dma_start3A = arith.constant 0 : i32
      %dma_start3A_56 = tpu.memref_slice %arg11[%add3A_23, %dma_start3A] : memref<10240x128xf32, #tpu.memory_space<vmem_shared>> -> memref<128x128xf32, #tpu.memory_space<vmem_shared>>
      %dma_start3A_57 = arith.constant 0 : i32
      %dma_start3A_58 = tpu.memref_slice %arg11[%add3A_23, %dma_start3A_57] : memref<10240x128xf32, #tpu.memory_space<vmem_shared>> -> memref<128x128xf32, #tpu.memory_space<vmem_shared>>
      tpu.enqueue_dma source(%arg10 : memref<128x128xf32, #tpu.memory_space<vmem>>) target(%dma_start3A_58 : memref<128x128xf32, #tpu.memory_space<vmem_shared>>) target_semaphore(%run_scoped3A : memref<!tpu.dma_semaphore, #tpu.memory_space<semaphore_mem>>)
      %dma_wait3A = arith.constant 0 : i32
      %dma_wait3A_59 = tpu.memref_slice %arg11[%add3A_23, %dma_wait3A] : memref<10240x128xf32, #tpu.memory_space<vmem_shared>> -> memref<128x128xf32, #tpu.memory_space<vmem_shared>>
      %dma_wait3A_60 = arith.constant 0 : i32
      %dma_wait3A_61 = tpu.memref_slice %arg11[%add3A_23, %dma_wait3A_60] : memref<10240x128xf32, #tpu.memory_space<vmem_shared>> -> memref<128x128xf32, #tpu.memory_space<vmem_shared>>
      tpu.wait_dma2 semaphore(%run_scoped3A : memref<!tpu.dma_semaphore, #tpu.memory_space<semaphore_mem>>) src(%arg10 : memref<128x128xf32, #tpu.memory_space<vmem>>) dst(%dma_wait3A_61 : memref<128x128xf32, #tpu.memory_space<vmem_shared>>)
      tpu.yield
    }) : () -> ()
    %mul3A_24 = arith.constant 640 : i32
    %mul3A_25 = arith.muli %arg1, %mul3A_24 : i32
    %add3A_26 = arith.constant 512 : i32
    %add3A_27 = arith.addi %mul3A_25, %add3A_26 : i32
    "tpu.region"() ({
      %run_scoped3A = tpu.sem_alloc : memref<!tpu.dma_semaphore, #tpu.memory_space<semaphore_mem>>
      %dma_start3A = arith.constant 0 : i32
      %dma_start3A_56 = tpu.memref_slice %arg11[%add3A_27, %dma_start3A] : memref<10240x128xf32, #tpu.memory_space<vmem_shared>> -> memref<128x128xf32, #tpu.memory_space<vmem_shared>>
      %dma_start3A_57 = arith.constant 0 : i32
      %dma_start3A_58 = tpu.memref_slice %arg11[%add3A_27, %dma_start3A_57] : memref<10240x128xf32, #tpu.memory_space<vmem_shared>> -> memref<128x128xf32, #tpu.memory_space<vmem_shared>>
      tpu.enqueue_dma source(%arg10 : memref<128x128xf32, #tpu.memory_space<vmem>>) target(%dma_start3A_58 : memref<128x128xf32, #tpu.memory_space<vmem_shared>>) target_semaphore(%run_scoped3A : memref<!tpu.dma_semaphore, #tpu.memory_space<semaphore_mem>>)
      %dma_wait3A = arith.constant 0 : i32
      %dma_wait3A_59 = tpu.memref_slice %arg11[%add3A_27, %dma_wait3A] : memref<10240x128xf32, #tpu.memory_space<vmem_shared>> -> memref<128x128xf32, #tpu.memory_space<vmem_shared>>
      %dma_wait3A_60 = arith.constant 0 : i32
      %dma_wait3A_61 = tpu.memref_slice %arg11[%add3A_27, %dma_wait3A_60] : memref<10240x128xf32, #tpu.memory_space<vmem_shared>> -> memref<128x128xf32, #tpu.memory_space<vmem_shared>>
      tpu.wait_dma2 semaphore(%run_scoped3A : memref<!tpu.dma_semaphore, #tpu.memory_space<semaphore_mem>>) src(%arg10 : memref<128x128xf32, #tpu.memory_space<vmem>>) dst(%dma_wait3A_61 : memref<128x128xf32, #tpu.memory_space<vmem_shared>>)
      tpu.yield
    }) : () -> ()
    %barrier3A = arith.constant 0 : index
    tpu.barrier barrier_id(%barrier3A)
    %scan3A_28 = arith.constant 0 : i32
    %scan3A_29 = arith.constant 0 : i32
    %scan3A_30 = arith.constant 79 : i32
    %scan3A_31 = arith.addi %scan3A_29, %scan3A_30 : i32
    %scan3A_32 = arith.constant 1 : i32
    %scan3A_33 = scf.for %scan3A_56 = %scan3A_29 to %scan3A_31 step %scan3A_32 iter_args(%scan3A_57 = %scan3A_28) -> (i32)  : i32 {
      "tpu.region"() ({
        %run_scoped3A = tpu.sem_alloc : memref<!tpu.dma_semaphore, #tpu.memory_space<semaphore_mem>>
        %dma_start3A_70 = arith.constant 0 : i32
        %dma_start3A_71 = tpu.memref_slice %arg2[%add3A, %scan3A_56, %dma_start3A_70] : memref<32x79x128xi32, #tpu.memory_space<hbm>> -> memref<1x1x128xi32, #tpu.memory_space<hbm>>
        %dma_start3A_72 = tpu.memref_squeeze %dma_start3A_71 : memref<1x1x128xi32, #tpu.memory_space<hbm>> -> memref<128xi32, #tpu.memory_space<hbm>>
        %dma_start3A_73 = arith.constant 0 : i32
        %dma_start3A_74 = tpu.memref_slice %arg2[%add3A, %scan3A_56, %dma_start3A_73] : memref<32x79x128xi32, #tpu.memory_space<hbm>> -> memref<1x1x128xi32, #tpu.memory_space<hbm>>
        %dma_start3A_75 = tpu.memref_squeeze %dma_start3A_74 : memref<1x1x128xi32, #tpu.memory_space<hbm>> -> memref<128xi32, #tpu.memory_space<hbm>>
        tpu.enqueue_dma source(%dma_start3A_75 : memref<128xi32, #tpu.memory_space<hbm>>) target(%arg7 : memref<128xi32, #tpu.memory_space<vmem>>) target_semaphore(%run_scoped3A : memref<!tpu.dma_semaphore, #tpu.memory_space<semaphore_mem>>)
        %dma_wait3A_76 = arith.constant 0 : i32
        %dma_wait3A_77 = tpu.memref_slice %arg2[%add3A, %scan3A_56, %dma_wait3A_76] : memref<32x79x128xi32, #tpu.memory_space<hbm>> -> memref<1x1x128xi32, #tpu.memory_space<hbm>>
        %dma_wait3A_78 = tpu.memref_squeeze %dma_wait3A_77 : memref<1x1x128xi32, #tpu.memory_space<hbm>> -> memref<128xi32, #tpu.memory_space<hbm>>
        %dma_wait3A_79 = arith.constant 0 : i32
        %dma_wait3A_80 = tpu.memref_slice %arg2[%add3A, %scan3A_56, %dma_wait3A_79] : memref<32x79x128xi32, #tpu.memory_space<hbm>> -> memref<1x1x128xi32, #tpu.memory_space<hbm>>
        %dma_wait3A_81 = tpu.memref_squeeze %dma_wait3A_80 : memref<1x1x128xi32, #tpu.memory_space<hbm>> -> memref<128xi32, #tpu.memory_space<hbm>>
        tpu.wait_dma2 semaphore(%run_scoped3A : memref<!tpu.dma_semaphore, #tpu.memory_space<semaphore_mem>>) src(%dma_wait3A_81 : memref<128xi32, #tpu.memory_space<hbm>>) dst(%arg7 : memref<128xi32, #tpu.memory_space<vmem>>)
        tpu.yield
      }) : () -> ()
      "tpu.region"() ({
        %run_scoped3A = tpu.sem_alloc : memref<!tpu.dma_semaphore, #tpu.memory_space<semaphore_mem>>
        %dma_start3A_70 = arith.constant 0 : i32
        %dma_start3A_71 = tpu.memref_slice %arg3[%add3A, %scan3A_56, %dma_start3A_70] : memref<32x79x128xi32, #tpu.memory_space<hbm>> -> memref<1x1x128xi32, #tpu.memory_space<hbm>>
        %dma_start3A_72 = tpu.memref_squeeze %dma_start3A_71 : memref<1x1x128xi32, #tpu.memory_space<hbm>> -> memref<128xi32, #tpu.memory_space<hbm>>
        %dma_start3A_73 = arith.constant 0 : i32
        %dma_start3A_74 = tpu.memref_slice %arg3[%add3A, %scan3A_56, %dma_start3A_73] : memref<32x79x128xi32, #tpu.memory_space<hbm>> -> memref<1x1x128xi32, #tpu.memory_space<hbm>>
        %dma_start3A_75 = tpu.memref_squeeze %dma_start3A_74 : memref<1x1x128xi32, #tpu.memory_space<hbm>> -> memref<128xi32, #tpu.memory_space<hbm>>
        tpu.enqueue_dma source(%dma_start3A_75 : memref<128xi32, #tpu.memory_space<hbm>>) target(%arg8 : memref<128xi32, #tpu.memory_space<vmem>>) target_semaphore(%run_scoped3A : memref<!tpu.dma_semaphore, #tpu.memory_space<semaphore_mem>>)
        %dma_wait3A_76 = arith.constant 0 : i32
        %dma_wait3A_77 = tpu.memref_slice %arg3[%add3A, %scan3A_56, %dma_wait3A_76] : memref<32x79x128xi32, #tpu.memory_space<hbm>> -> memref<1x1x128xi32, #tpu.memory_space<hbm>>
        %dma_wait3A_78 = tpu.memref_squeeze %dma_wait3A_77 : memref<1x1x128xi32, #tpu.memory_space<hbm>> -> memref<128xi32, #tpu.memory_space<hbm>>
        %dma_wait3A_79 = arith.constant 0 : i32
        %dma_wait3A_80 = tpu.memref_slice %arg3[%add3A, %scan3A_56, %dma_wait3A_79] : memref<32x79x128xi32, #tpu.memory_space<hbm>> -> memref<1x1x128xi32, #tpu.memory_space<hbm>>
        %dma_wait3A_81 = tpu.memref_squeeze %dma_wait3A_80 : memref<1x1x128xi32, #tpu.memory_space<hbm>> -> memref<128xi32, #tpu.memory_space<hbm>>
        tpu.wait_dma2 semaphore(%run_scoped3A : memref<!tpu.dma_semaphore, #tpu.memory_space<semaphore_mem>>) src(%dma_wait3A_81 : memref<128xi32, #tpu.memory_space<hbm>>) dst(%arg8 : memref<128xi32, #tpu.memory_space<vmem>>)
        tpu.yield
      }) : () -> ()
      "tpu.region"() ({
        %run_scoped3A = tpu.sem_alloc : memref<!tpu.dma_semaphore, #tpu.memory_space<semaphore_mem>>
        %dma_start3A_70 = arith.constant 0 : i32
        %dma_start3A_71 = tpu.memref_slice %arg4[%add3A, %scan3A_56, %dma_start3A_70] : memref<32x79x128xf32, #tpu.memory_space<hbm>> -> memref<1x1x128xf32, #tpu.memory_space<hbm>>
        %dma_start3A_72 = tpu.memref_squeeze %dma_start3A_71 : memref<1x1x128xf32, #tpu.memory_space<hbm>> -> memref<128xf32, #tpu.memory_space<hbm>>
        %dma_start3A_73 = arith.constant 0 : i32
        %dma_start3A_74 = tpu.memref_slice %arg4[%add3A, %scan3A_56, %dma_start3A_73] : memref<32x79x128xf32, #tpu.memory_space<hbm>> -> memref<1x1x128xf32, #tpu.memory_space<hbm>>
        %dma_start3A_75 = tpu.memref_squeeze %dma_start3A_74 : memref<1x1x128xf32, #tpu.memory_space<hbm>> -> memref<128xf32, #tpu.memory_space<hbm>>
        tpu.enqueue_dma source(%dma_start3A_75 : memref<128xf32, #tpu.memory_space<hbm>>) target(%arg9 : memref<128xf32, #tpu.memory_space<vmem>>) target_semaphore(%run_scoped3A : memref<!tpu.dma_semaphore, #tpu.memory_space<semaphore_mem>>)
        %dma_wait3A_76 = arith.constant 0 : i32
        %dma_wait3A_77 = tpu.memref_slice %arg4[%add3A, %scan3A_56, %dma_wait3A_76] : memref<32x79x128xf32, #tpu.memory_space<hbm>> -> memref<1x1x128xf32, #tpu.memory_space<hbm>>
        %dma_wait3A_78 = tpu.memref_squeeze %dma_wait3A_77 : memref<1x1x128xf32, #tpu.memory_space<hbm>> -> memref<128xf32, #tpu.memory_space<hbm>>
        %dma_wait3A_79 = arith.constant 0 : i32
        %dma_wait3A_80 = tpu.memref_slice %arg4[%add3A, %scan3A_56, %dma_wait3A_79] : memref<32x79x128xf32, #tpu.memory_space<hbm>> -> memref<1x1x128xf32, #tpu.memory_space<hbm>>
        %dma_wait3A_81 = tpu.memref_squeeze %dma_wait3A_80 : memref<1x1x128xf32, #tpu.memory_space<hbm>> -> memref<128xf32, #tpu.memory_space<hbm>>
        tpu.wait_dma2 semaphore(%run_scoped3A : memref<!tpu.dma_semaphore, #tpu.memory_space<semaphore_mem>>) src(%dma_wait3A_81 : memref<128xf32, #tpu.memory_space<hbm>>) dst(%arg9 : memref<128xf32, #tpu.memory_space<vmem>>)
        tpu.yield
      }) : () -> ()
      %dma_start3A = arith.constant 0 : i32
      %dma_start3A_58 = arith.constant 0 : i32
      %dma_start3A_59 = tpu.memref_slice %arg5[%dma_start3A, %dma_start3A_58] : memref<10000x128xf32, #tpu.memory_space<hbm>> -> memref<10000x128xf32, #tpu.memory_space<hbm>>
      tpu.enqueue_indirect_dma source(%dma_start3A_59 : memref<10000x128xf32, #tpu.memory_space<hbm>>) target(%arg10 : memref<128x128xf32, #tpu.memory_space<vmem>>) offsets(%arg7 : memref<128xi32, #tpu.memory_space<vmem>>) semaphore(%arg12 : memref<!tpu.dma_semaphore, #tpu.memory_space<semaphore_mem>>)
      %dma_wait3A = arith.constant 0 : i32
      %dma_wait3A_60 = arith.constant 0 : i32
      %dma_wait3A_61 = tpu.memref_slice %arg5[%dma_wait3A, %dma_wait3A_60] : memref<10000x128xf32, #tpu.memory_space<hbm>> -> memref<10000x128xf32, #tpu.memory_space<hbm>>
      tpu.wait_indirect_dma semaphore(%arg12 : memref<!tpu.dma_semaphore, #tpu.memory_space<semaphore_mem>>) src(%dma_wait3A_61 : memref<10000x128xf32, #tpu.memory_space<hbm>>) dst(%arg10 : memref<128x128xf32, #tpu.memory_space<vmem>>)
      %scan3A_62 = arith.constant 0 : i32
      %scan3A_63 = arith.constant 0 : i32
      %scan3A_64 = arith.constant 128 : i32
      %scan3A_65 = arith.addi %scan3A_63, %scan3A_64 : i32
      %scan3A_66 = arith.constant 1 : i32
      %scan3A_67 = scf.for %scan3A_70 = %scan3A_63 to %scan3A_65 step %scan3A_66 iter_args(%scan3A_71 = %scan3A_62) -> (i32)  : i32 {
        %broadcast_in_dim3A_72 = vector.broadcast %scan3A_70 : i32 to vector<16xi32>
        %gather3A = tpu.vector_load_idx %arg9[%broadcast_in_dim3A_72] : memref<128xf32, #tpu.memory_space<vmem>>[vector<16xi32>], vector<16xf32>,
        %get3A = arith.index_cast %scan3A_70 : i32 to index
        %get3A_73 = arith.constant 0 : index
        %get3A_74 = tpu.vector_load %arg10[%get3A, %get3A_73] {strides = array<i32>} : memref<128x128xf32, #tpu.memory_space<vmem>>, vector<16xf32>,
        %mul3A_75 = arith.mulf %get3A_74, %gather3A : vector<16xf32>
        %swap3A = arith.index_cast %scan3A_70 : i32 to index
        %swap3A_76 = arith.constant 0 : index
        %swap3A_77 = tpu.vector_load %arg10[%swap3A, %swap3A_76] {strides = array<i32>} : memref<128x128xf32, #tpu.memory_space<vmem>>, vector<16xf32>,
        tpu.vector_store %arg10[%swap3A, %swap3A_76], %mul3A_75 {strides = array<i32>} : memref<128x128xf32, #tpu.memory_space<vmem>>, vector<16xf32>,
        %get3A_78 = arith.index_cast %scan3A_70 : i32 to index
        %get3A_79 = arith.constant 16 : index
        %get3A_80 = tpu.vector_load %arg10[%get3A_78, %get3A_79] {strides = array<i32>} : memref<128x128xf32, #tpu.memory_space<vmem>>, vector<16xf32>,
        %mul3A_81 = arith.mulf %get3A_80, %gather3A : vector<16xf32>
        %swap3A_82 = arith.index_cast %scan3A_70 : i32 to index
        %swap3A_83 = arith.constant 16 : index
        %swap3A_84 = tpu.vector_load %arg10[%swap3A_82, %swap3A_83] {strides = array<i32>} : memref<128x128xf32, #tpu.memory_space<vmem>>, vector<16xf32>,
        tpu.vector_store %arg10[%swap3A_82, %swap3A_83], %mul3A_81 {strides = array<i32>} : memref<128x128xf32, #tpu.memory_space<vmem>>, vector<16xf32>,
        %get3A_85 = arith.index_cast %scan3A_70 : i32 to index
        %get3A_86 = arith.constant 32 : index
        %get3A_87 = tpu.vector_load %arg10[%get3A_85, %get3A_86] {strides = array<i32>} : memref<128x128xf32, #tpu.memory_space<vmem>>, vector<16xf32>,
        %mul3A_88 = arith.mulf %get3A_87, %gather3A : vector<16xf32>
        %swap3A_89 = arith.index_cast %scan3A_70 : i32 to index
        %swap3A_90 = arith.constant 32 : index
        %swap3A_91 = tpu.vector_load %arg10[%swap3A_89, %swap3A_90] {strides = array<i32>} : memref<128x128xf32, #tpu.memory_space<vmem>>, vector<16xf32>,
        tpu.vector_store %arg10[%swap3A_89, %swap3A_90], %mul3A_88 {strides = array<i32>} : memref<128x128xf32, #tpu.memory_space<vmem>>, vector<16xf32>,
        %get3A_92 = arith.index_cast %scan3A_70 : i32 to index
        %get3A_93 = arith.constant 48 : index
        %get3A_94 = tpu.vector_load %arg10[%get3A_92, %get3A_93] {strides = array<i32>} : memref<128x128xf32, #tpu.memory_space<vmem>>, vector<16xf32>,
        %mul3A_95 = arith.mulf %get3A_94, %gather3A : vector<16xf32>
        %swap3A_96 = arith.index_cast %scan3A_70 : i32 to index
        %swap3A_97 = arith.constant 48 : index
        %swap3A_98 = tpu.vector_load %arg10[%swap3A_96, %swap3A_97] {strides = array<i32>} : memref<128x128xf32, #tpu.memory_space<vmem>>, vector<16xf32>,
        tpu.vector_store %arg10[%swap3A_96, %swap3A_97], %mul3A_95 {strides = array<i32>} : memref<128x128xf32, #tpu.memory_space<vmem>>, vector<16xf32>,
        %get3A_99 = arith.index_cast %scan3A_70 : i32 to index
        %get3A_100 = arith.constant 64 : index
        %get3A_101 = tpu.vector_load %arg10[%get3A_99, %get3A_100] {strides = array<i32>} : memref<128x128xf32, #tpu.memory_space<vmem>>, vector<16xf32>,
        %mul3A_102 = arith.mulf %get3A_101, %gather3A : vector<16xf32>
        %swap3A_103 = arith.index_cast %scan3A_70 : i32 to index
        %swap3A_104 = arith.constant 64 : index
        %swap3A_105 = tpu.vector_load %arg10[%swap3A_103, %swap3A_104] {strides = array<i32>} : memref<128x128xf32, #tpu.memory_space<vmem>>, vector<16xf32>,
        tpu.vector_store %arg10[%swap3A_103, %swap3A_104], %mul3A_102 {strides = array<i32>} : memref<128x128xf32, #tpu.memory_space<vmem>>, vector<16xf32>,
        %get3A_106 = arith.index_cast %scan3A_70 : i32 to index
        %get3A_107 = arith.constant 80 : index
        %get3A_108 = tpu.vector_load %arg10[%get3A_106, %get3A_107] {strides = array<i32>} : memref<128x128xf32, #tpu.memory_space<vmem>>, vector<16xf32>,
        %mul3A_109 = arith.mulf %get3A_108, %gather3A : vector<16xf32>
        %swap3A_110 = arith.index_cast %scan3A_70 : i32 to index
        %swap3A_111 = arith.constant 80 : index
        %swap3A_112 = tpu.vector_load %arg10[%swap3A_110, %swap3A_111] {strides = array<i32>} : memref<128x128xf32, #tpu.memory_space<vmem>>, vector<16xf32>,
        tpu.vector_store %arg10[%swap3A_110, %swap3A_111], %mul3A_109 {strides = array<i32>} : memref<128x128xf32, #tpu.memory_space<vmem>>, vector<16xf32>,
        %get3A_113 = arith.index_cast %scan3A_70 : i32 to index
        %get3A_114 = arith.constant 96 : index
        %get3A_115 = tpu.vector_load %arg10[%get3A_113, %get3A_114] {strides = array<i32>} : memref<128x128xf32, #tpu.memory_space<vmem>>, vector<16xf32>,
        %mul3A_116 = arith.mulf %get3A_115, %gather3A : vector<16xf32>
        %swap3A_117 = arith.index_cast %scan3A_70 : i32 to index
        %swap3A_118 = arith.constant 96 : index
        %swap3A_119 = tpu.vector_load %arg10[%swap3A_117, %swap3A_118] {strides = array<i32>} : memref<128x128xf32, #tpu.memory_space<vmem>>, vector<16xf32>,
        tpu.vector_store %arg10[%swap3A_117, %swap3A_118], %mul3A_116 {strides = array<i32>} : memref<128x128xf32, #tpu.memory_space<vmem>>, vector<16xf32>,
        %get3A_120 = arith.index_cast %scan3A_70 : i32 to index
        %get3A_121 = arith.constant 112 : index
        %get3A_122 = tpu.vector_load %arg10[%get3A_120, %get3A_121] {strides = array<i32>} : memref<128x128xf32, #tpu.memory_space<vmem>>, vector<16xf32>,
        %mul3A_123 = arith.mulf %get3A_122, %gather3A : vector<16xf32>
        %swap3A_124 = arith.index_cast %scan3A_70 : i32 to index
        %swap3A_125 = arith.constant 112 : index
        %swap3A_126 = tpu.vector_load %arg10[%swap3A_124, %swap3A_125] {strides = array<i32>} : memref<128x128xf32, #tpu.memory_space<vmem>>, vector<16xf32>,
        tpu.vector_store %arg10[%swap3A_124, %swap3A_125], %mul3A_123 {strides = array<i32>} : memref<128x128xf32, #tpu.memory_space<vmem>>, vector<16xf32>,
        %scan3A_127 = arith.constant 0 : i32
        scf.yield %scan3A_127 : i32
      }
      %scan3A_68 = arith.constant 128 : i32
      "tpu.region"() ({
        %run_scoped3A = tpu.sem_alloc : memref<!tpu.dma_semaphore, #tpu.memory_space<semaphore_mem>>
        %dma_start3A_70 = arith.constant 0 : i32
        %dma_start3A_71 = arith.constant 0 : i32
        %dma_start3A_72 = tpu.memref_slice %arg11[%dma_start3A_70, %dma_start3A_71] : memref<10240x128xf32, #tpu.memory_space<vmem_shared>> -> memref<10240x128xf32, #tpu.memory_space<vmem_shared>>
        tpu.enqueue_indirect_dma source(%arg10 : memref<128x128xf32, #tpu.memory_space<vmem>>) target(%dma_start3A_72 : memref<10240x128xf32, #tpu.memory_space<vmem_shared>>) offsets(%arg8 : memref<128xi32, #tpu.memory_space<vmem>>) semaphore(%run_scoped3A : memref<!tpu.dma_semaphore, #tpu.memory_space<semaphore_mem>>) {add = true}
        %dma_wait3A_73 = arith.constant 0 : i32
        %dma_wait3A_74 = arith.constant 0 : i32
        %dma_wait3A_75 = tpu.memref_slice %arg11[%dma_wait3A_73, %dma_wait3A_74] : memref<10240x128xf32, #tpu.memory_space<vmem_shared>> -> memref<10240x128xf32, #tpu.memory_space<vmem_shared>>
        tpu.wait_indirect_dma semaphore(%run_scoped3A : memref<!tpu.dma_semaphore, #tpu.memory_space<semaphore_mem>>) src(%arg10 : memref<128x128xf32, #tpu.memory_space<vmem>>) dst(%dma_wait3A_75 : memref<10240x128xf32, #tpu.memory_space<vmem_shared>>)
        tpu.yield
      }) : () -> ()
      %scan3A_69 = arith.constant 0 : i32
      scf.yield %scan3A_69 : i32
    }
    %scan3A_34 = arith.constant 79 : i32
    %barrier3A_35 = arith.constant 0 : index
    tpu.barrier barrier_id(%barrier3A_35)
    %mul3A_36 = arith.constant 640 : i32
    %mul3A_37 = arith.muli %arg1, %mul3A_36 : i32
    %add3A_38 = arith.constant 0 : i32
    %add3A_39 = arith.addi %mul3A_37, %add3A_38 : i32
    "tpu.region"() ({
      %run_scoped3A = tpu.sem_alloc : memref<!tpu.dma_semaphore, #tpu.memory_space<semaphore_mem>>
      %dma_start3A = arith.constant 0 : i32
      %dma_start3A_56 = tpu.memref_slice %arg6[%arg0, %add3A_39, %dma_start3A] : memref<2x10240x128xf32, #tpu.memory_space<hbm>> -> memref<1x128x128xf32, #tpu.memory_space<hbm>>
      %dma_start3A_57 = tpu.memref_squeeze %dma_start3A_56 : memref<1x128x128xf32, #tpu.memory_space<hbm>> -> memref<128x128xf32, #tpu.memory_space<hbm>>
      %dma_start3A_58 = arith.constant 0 : i32
      %dma_start3A_59 = tpu.memref_slice %arg11[%add3A_39, %dma_start3A_58] : memref<10240x128xf32, #tpu.memory_space<vmem_shared>> -> memref<128x128xf32, #tpu.memory_space<vmem_shared>>
      tpu.enqueue_dma source(%dma_start3A_59 : memref<128x128xf32, #tpu.memory_space<vmem_shared>>) target(%dma_start3A_57 : memref<128x128xf32, #tpu.memory_space<hbm>>) target_semaphore(%run_scoped3A : memref<!tpu.dma_semaphore, #tpu.memory_space<semaphore_mem>>)
      %dma_wait3A = arith.constant 0 : i32
      %dma_wait3A_60 = tpu.memref_slice %arg6[%arg0, %add3A_39, %dma_wait3A] : memref<2x10240x128xf32, #tpu.memory_space<hbm>> -> memref<1x128x128xf32, #tpu.memory_space<hbm>>
      %dma_wait3A_61 = tpu.memref_squeeze %dma_wait3A_60 : memref<1x128x128xf32, #tpu.memory_space<hbm>> -> memref<128x128xf32, #tpu.memory_space<hbm>>
      %dma_wait3A_62 = arith.constant 0 : i32
      %dma_wait3A_63 = tpu.memref_slice %arg11[%add3A_39, %dma_wait3A_62] : memref<10240x128xf32, #tpu.memory_space<vmem_shared>> -> memref<128x128xf32, #tpu.memory_space<vmem_shared>>
      tpu.wait_dma2 semaphore(%run_scoped3A : memref<!tpu.dma_semaphore, #tpu.memory_space<semaphore_mem>>) src(%dma_wait3A_63 : memref<128x128xf32, #tpu.memory_space<vmem_shared>>) dst(%dma_wait3A_61 : memref<128x128xf32, #tpu.memory_space<hbm>>)
      tpu.yield
    }) : () -> ()
    %mul3A_40 = arith.constant 640 : i32
    %mul3A_41 = arith.muli %arg1, %mul3A_40 : i32
    %add3A_42 = arith.constant 128 : i32
    %add3A_43 = arith.addi %mul3A_41, %add3A_42 : i32
    "tpu.region"() ({
      %run_scoped3A = tpu.sem_alloc : memref<!tpu.dma_semaphore, #tpu.memory_space<semaphore_mem>>
      %dma_start3A = arith.constant 0 : i32
      %dma_start3A_56 = tpu.memref_slice %arg6[%arg0, %add3A_43, %dma_start3A] : memref<2x10240x128xf32, #tpu.memory_space<hbm>> -> memref<1x128x128xf32, #tpu.memory_space<hbm>>
      %dma_start3A_57 = tpu.memref_squeeze %dma_start3A_56 : memref<1x128x128xf32, #tpu.memory_space<hbm>> -> memref<128x128xf32, #tpu.memory_space<hbm>>
      %dma_start3A_58 = arith.constant 0 : i32
      %dma_start3A_59 = tpu.memref_slice %arg11[%add3A_43, %dma_start3A_58] : memref<10240x128xf32, #tpu.memory_space<vmem_shared>> -> memref<128x128xf32, #tpu.memory_space<vmem_shared>>
      tpu.enqueue_dma source(%dma_start3A_59 : memref<128x128xf32, #tpu.memory_space<vmem_shared>>) target(%dma_start3A_57 : memref<128x128xf32, #tpu.memory_space<hbm>>) target_semaphore(%run_scoped3A : memref<!tpu.dma_semaphore, #tpu.memory_space<semaphore_mem>>)
      %dma_wait3A = arith.constant 0 : i32
      %dma_wait3A_60 = tpu.memref_slice %arg6[%arg0, %add3A_43, %dma_wait3A] : memref<2x10240x128xf32, #tpu.memory_space<hbm>> -> memref<1x128x128xf32, #tpu.memory_space<hbm>>
      %dma_wait3A_61 = tpu.memref_squeeze %dma_wait3A_60 : memref<1x128x128xf32, #tpu.memory_space<hbm>> -> memref<128x128xf32, #tpu.memory_space<hbm>>
      %dma_wait3A_62 = arith.constant 0 : i32
      %dma_wait3A_63 = tpu.memref_slice %arg11[%add3A_43, %dma_wait3A_62] : memref<10240x128xf32, #tpu.memory_space<vmem_shared>> -> memref<128x128xf32, #tpu.memory_space<vmem_shared>>
      tpu.wait_dma2 semaphore(%run_scoped3A : memref<!tpu.dma_semaphore, #tpu.memory_space<semaphore_mem>>) src(%dma_wait3A_63 : memref<128x128xf32, #tpu.memory_space<vmem_shared>>) dst(%dma_wait3A_61 : memref<128x128xf32, #tpu.memory_space<hbm>>)
      tpu.yield
    }) : () -> ()
    %mul3A_44 = arith.constant 640 : i32
    %mul3A_45 = arith.muli %arg1, %mul3A_44 : i32
    %add3A_46 = arith.constant 256 : i32
    %add3A_47 = arith.addi %mul3A_45, %add3A_46 : i32
    "tpu.region"() ({
      %run_scoped3A = tpu.sem_alloc : memref<!tpu.dma_semaphore, #tpu.memory_space<semaphore_mem>>
      %dma_start3A = arith.constant 0 : i32
      %dma_start3A_56 = tpu.memref_slice %arg6[%arg0, %add3A_47, %dma_start3A] : memref<2x10240x128xf32, #tpu.memory_space<hbm>> -> memref<1x128x128xf32, #tpu.memory_space<hbm>>
      %dma_start3A_57 = tpu.memref_squeeze %dma_start3A_56 : memref<1x128x128xf32, #tpu.memory_space<hbm>> -> memref<128x128xf32, #tpu.memory_space<hbm>>
      %dma_start3A_58 = arith.constant 0 : i32
      %dma_start3A_59 = tpu.memref_slice %arg11[%add3A_47, %dma_start3A_58] : memref<10240x128xf32, #tpu.memory_space<vmem_shared>> -> memref<128x128xf32, #tpu.memory_space<vmem_shared>>
      tpu.enqueue_dma source(%dma_start3A_59 : memref<128x128xf32, #tpu.memory_space<vmem_shared>>) target(%dma_start3A_57 : memref<128x128xf32, #tpu.memory_space<hbm>>) target_semaphore(%run_scoped3A : memref<!tpu.dma_semaphore, #tpu.memory_space<semaphore_mem>>)
      %dma_wait3A = arith.constant 0 : i32
      %dma_wait3A_60 = tpu.memref_slice %arg6[%arg0, %add3A_47, %dma_wait3A] : memref<2x10240x128xf32, #tpu.memory_space<hbm>> -> memref<1x128x128xf32, #tpu.memory_space<hbm>>
      %dma_wait3A_61 = tpu.memref_squeeze %dma_wait3A_60 : memref<1x128x128xf32, #tpu.memory_space<hbm>> -> memref<128x128xf32, #tpu.memory_space<hbm>>
      %dma_wait3A_62 = arith.constant 0 : i32
      %dma_wait3A_63 = tpu.memref_slice %arg11[%add3A_47, %dma_wait3A_62] : memref<10240x128xf32, #tpu.memory_space<vmem_shared>> -> memref<128x128xf32, #tpu.memory_space<vmem_shared>>
      tpu.wait_dma2 semaphore(%run_scoped3A : memref<!tpu.dma_semaphore, #tpu.memory_space<semaphore_mem>>) src(%dma_wait3A_63 : memref<128x128xf32, #tpu.memory_space<vmem_shared>>) dst(%dma_wait3A_61 : memref<128x128xf32, #tpu.memory_space<hbm>>)
      tpu.yield
    }) : () -> ()
    %mul3A_48 = arith.constant 640 : i32
    %mul3A_49 = arith.muli %arg1, %mul3A_48 : i32
    %add3A_50 = arith.constant 384 : i32
    %add3A_51 = arith.addi %mul3A_49, %add3A_50 : i32
    "tpu.region"() ({
      %run_scoped3A = tpu.sem_alloc : memref<!tpu.dma_semaphore, #tpu.memory_space<semaphore_mem>>
      %dma_start3A = arith.constant 0 : i32
      %dma_start3A_56 = tpu.memref_slice %arg6[%arg0, %add3A_51, %dma_start3A] : memref<2x10240x128xf32, #tpu.memory_space<hbm>> -> memref<1x128x128xf32, #tpu.memory_space<hbm>>
      %dma_start3A_57 = tpu.memref_squeeze %dma_start3A_56 : memref<1x128x128xf32, #tpu.memory_space<hbm>> -> memref<128x128xf32, #tpu.memory_space<hbm>>
      %dma_start3A_58 = arith.constant 0 : i32
      %dma_start3A_59 = tpu.memref_slice %arg11[%add3A_51, %dma_start3A_58] : memref<10240x128xf32, #tpu.memory_space<vmem_shared>> -> memref<128x128xf32, #tpu.memory_space<vmem_shared>>
      tpu.enqueue_dma source(%dma_start3A_59 : memref<128x128xf32, #tpu.memory_space<vmem_shared>>) target(%dma_start3A_57 : memref<128x128xf32, #tpu.memory_space<hbm>>) target_semaphore(%run_scoped3A : memref<!tpu.dma_semaphore, #tpu.memory_space<semaphore_mem>>)
      %dma_wait3A = arith.constant 0 : i32
      %dma_wait3A_60 = tpu.memref_slice %arg6[%arg0, %add3A_51, %dma_wait3A] : memref<2x10240x128xf32, #tpu.memory_space<hbm>> -> memref<1x128x128xf32, #tpu.memory_space<hbm>>
      %dma_wait3A_61 = tpu.memref_squeeze %dma_wait3A_60 : memref<1x128x128xf32, #tpu.memory_space<hbm>> -> memref<128x128xf32, #tpu.memory_space<hbm>>
      %dma_wait3A_62 = arith.constant 0 : i32
      %dma_wait3A_63 = tpu.memref_slice %arg11[%add3A_51, %dma_wait3A_62] : memref<10240x128xf32, #tpu.memory_space<vmem_shared>> -> memref<128x128xf32, #tpu.memory_space<vmem_shared>>
      tpu.wait_dma2 semaphore(%run_scoped3A : memref<!tpu.dma_semaphore, #tpu.memory_space<semaphore_mem>>) src(%dma_wait3A_63 : memref<128x128xf32, #tpu.memory_space<vmem_shared>>) dst(%dma_wait3A_61 : memref<128x128xf32, #tpu.memory_space<hbm>>)
      tpu.yield
    }) : () -> ()
    %mul3A_52 = arith.constant 640 : i32
    %mul3A_53 = arith.muli %arg1, %mul3A_52 : i32
    %add3A_54 = arith.constant 512 : i32
    %add3A_55 = arith.addi %mul3A_53, %add3A_54 : i32
    "tpu.region"() ({
      %run_scoped3A = tpu.sem_alloc : memref<!tpu.dma_semaphore, #tpu.memory_space<semaphore_mem>>
      %dma_start3A = arith.constant 0 : i32
      %dma_start3A_56 = tpu.memref_slice %arg6[%arg0, %add3A_55, %dma_start3A] : memref<2x10240x128xf32, #tpu.memory_space<hbm>> -> memref<1x128x128xf32, #tpu.memory_space<hbm>>
      %dma_start3A_57 = tpu.memref_squeeze %dma_start3A_56 : memref<1x128x128xf32, #tpu.memory_space<hbm>> -> memref<128x128xf32, #tpu.memory_space<hbm>>
      %dma_start3A_58 = arith.constant 0 : i32
      %dma_start3A_59 = tpu.memref_slice %arg11[%add3A_55, %dma_start3A_58] : memref<10240x128xf32, #tpu.memory_space<vmem_shared>> -> memref<128x128xf32, #tpu.memory_space<vmem_shared>>
      tpu.enqueue_dma source(%dma_start3A_59 : memref<128x128xf32, #tpu.memory_space<vmem_shared>>) target(%dma_start3A_57 : memref<128x128xf32, #tpu.memory_space<hbm>>) target_semaphore(%run_scoped3A : memref<!tpu.dma_semaphore, #tpu.memory_space<semaphore_mem>>)
      %dma_wait3A = arith.constant 0 : i32
      %dma_wait3A_60 = tpu.memref_slice %arg6[%arg0, %add3A_55, %dma_wait3A] : memref<2x10240x128xf32, #tpu.memory_space<hbm>> -> memref<1x128x128xf32, #tpu.memory_space<hbm>>
      %dma_wait3A_61 = tpu.memref_squeeze %dma_wait3A_60 : memref<1x128x128xf32, #tpu.memory_space<hbm>> -> memref<128x128xf32, #tpu.memory_space<hbm>>
      %dma_wait3A_62 = arith.constant 0 : i32
      %dma_wait3A_63 = tpu.memref_slice %arg11[%add3A_55, %dma_wait3A_62] : memref<10240x128xf32, #tpu.memory_space<vmem_shared>> -> memref<128x128xf32, #tpu.memory_space<vmem_shared>>
      tpu.wait_dma2 semaphore(%run_scoped3A : memref<!tpu.dma_semaphore, #tpu.memory_space<semaphore_mem>>) src(%dma_wait3A_63 : memref<128x128xf32, #tpu.memory_space<vmem_shared>>) dst(%dma_wait3A_61 : memref<128x128xf32, #tpu.memory_space<hbm>>)
      tpu.yield
    }) : () -> ()
    return
  }
}

#map = affine_map<(d0, d1) -> (0, 0, 0)>
#map1 = affine_map<(d0, d1) -> (0, 0)>
module attributes {stable_mosaic.version = 14 : i64} {
  func.func @_deg_kernel(%arg0: i32, %arg1: i32, %arg2: memref<32x79x128xi32, #tpu.memory_space<hbm>>, %arg3: memref<32x79x128xf32, #tpu.memory_space<hbm>>, %arg4: memref<2x10240xf32, #tpu.memory_space<hbm>>, %arg5: memref<128xi32, #tpu.memory_space<vmem>>, %arg6: memref<128xf32, #tpu.memory_space<vmem>>, %arg7: memref<640xf32, #tpu.memory_space<vmem>>, %arg8: memref<10240xf32, #tpu.memory_space<vmem_shared>>) attributes {dimension_semantics = [#tpu.dimension_semantics<core_parallel>, #tpu.dimension_semantics<subcore_parallel>], iteration_bounds = array<i64: 2, 16>, scalar_prefetch = 0 : i64, scratch_operands = 4 : i64, tpu.core_type = #tpu.core_type<sc_vector_subcore>, window_params = [{transform_indices = #map}, {transform_indices = #map}, {transform_indices = #map1}]} {
    %mul3A = arith.constant 2 : i32
    %mul3A_0 = arith.muli %arg1, %mul3A : i32
    %add3A = arith.addi %mul3A_0, %arg0 : i32
    %broadcast_in_dim3A = arith.constant 0.000000e+00 : f32
    %broadcast_in_dim3A_1 = vector.broadcast %broadcast_in_dim3A : f32 to vector<16xf32>
    %scan3A = arith.constant 0 : i32
    %scan3A_2 = arith.constant 0 : i32
    %scan3A_3 = arith.constant 40 : i32
    %scan3A_4 = arith.addi %scan3A_2, %scan3A_3 : i32
    %scan3A_5 = arith.constant 1 : i32
    %scan3A_6 = scf.for %scan3A_22 = %scan3A_2 to %scan3A_4 step %scan3A_5 iter_args(%scan3A_23 = %scan3A) -> (i32)  : i32 {
      %mul3A_24 = arith.constant 16 : i32
      %mul3A_25 = arith.muli %scan3A_22, %mul3A_24 : i32
      %swap3A = arith.index_cast %mul3A_25 : i32 to index
      %swap3A_26 = tpu.vector_load %arg7[%swap3A] {strides = array<i32>} : memref<640xf32, #tpu.memory_space<vmem>>, vector<16xf32>,
      %swap3A_27 = vector.shape_cast %swap3A_26 : vector<16xf32> to vector<16xf32>
      %swap3A_28 = vector.shape_cast %broadcast_in_dim3A_1 : vector<16xf32> to vector<16xf32>
      tpu.vector_store %arg7[%swap3A], %swap3A_28 {strides = array<i32>} : memref<640xf32, #tpu.memory_space<vmem>>, vector<16xf32>,
      %scan3A_29 = arith.constant 0 : i32
      scf.yield %scan3A_29 : i32
    }
    %scan3A_7 = arith.constant 40 : i32
    %mul3A_8 = arith.constant 640 : i32
    %mul3A_9 = arith.muli %arg1, %mul3A_8 : i32
    "tpu.region"() ({
      %run_scoped3A = tpu.sem_alloc : memref<!tpu.dma_semaphore, #tpu.memory_space<semaphore_mem>>
      %dma_start3A = tpu.memref_slice %arg8[%mul3A_9] : memref<10240xf32, #tpu.memory_space<vmem_shared>> -> memref<640xf32, #tpu.memory_space<vmem_shared>>
      %dma_start3A_22 = tpu.memref_slice %arg8[%mul3A_9] : memref<10240xf32, #tpu.memory_space<vmem_shared>> -> memref<640xf32, #tpu.memory_space<vmem_shared>>
      tpu.enqueue_dma source(%arg7 : memref<640xf32, #tpu.memory_space<vmem>>) target(%dma_start3A_22 : memref<640xf32, #tpu.memory_space<vmem_shared>>) target_semaphore(%run_scoped3A : memref<!tpu.dma_semaphore, #tpu.memory_space<semaphore_mem>>)
      %dma_wait3A = tpu.memref_slice %arg8[%mul3A_9] : memref<10240xf32, #tpu.memory_space<vmem_shared>> -> memref<640xf32, #tpu.memory_space<vmem_shared>>
      %dma_wait3A_23 = tpu.memref_slice %arg8[%mul3A_9] : memref<10240xf32, #tpu.memory_space<vmem_shared>> -> memref<640xf32, #tpu.memory_space<vmem_shared>>
      tpu.wait_dma2 semaphore(%run_scoped3A : memref<!tpu.dma_semaphore, #tpu.memory_space<semaphore_mem>>) src(%arg7 : memref<640xf32, #tpu.memory_space<vmem>>) dst(%dma_wait3A_23 : memref<640xf32, #tpu.memory_space<vmem_shared>>)
      tpu.yield
    }) : () -> ()
    %barrier3A = arith.constant 0 : index
    tpu.barrier barrier_id(%barrier3A)
    %scan3A_10 = arith.constant 0 : i32
    %scan3A_11 = arith.constant 0 : i32
    %scan3A_12 = arith.constant 79 : i32
    %scan3A_13 = arith.addi %scan3A_11, %scan3A_12 : i32
    %scan3A_14 = arith.constant 1 : i32
    %scan3A_15 = scf.for %scan3A_22 = %scan3A_11 to %scan3A_13 step %scan3A_14 iter_args(%scan3A_23 = %scan3A_10) -> (i32)  : i32 {
      "tpu.region"() ({
        %run_scoped3A = tpu.sem_alloc : memref<!tpu.dma_semaphore, #tpu.memory_space<semaphore_mem>>
        %dma_start3A = arith.constant 0 : i32
        %dma_start3A_25 = tpu.memref_slice %arg2[%add3A, %scan3A_22, %dma_start3A] : memref<32x79x128xi32, #tpu.memory_space<hbm>> -> memref<1x1x128xi32, #tpu.memory_space<hbm>>
        %dma_start3A_26 = tpu.memref_squeeze %dma_start3A_25 : memref<1x1x128xi32, #tpu.memory_space<hbm>> -> memref<128xi32, #tpu.memory_space<hbm>>
        %dma_start3A_27 = arith.constant 0 : i32
        %dma_start3A_28 = tpu.memref_slice %arg2[%add3A, %scan3A_22, %dma_start3A_27] : memref<32x79x128xi32, #tpu.memory_space<hbm>> -> memref<1x1x128xi32, #tpu.memory_space<hbm>>
        %dma_start3A_29 = tpu.memref_squeeze %dma_start3A_28 : memref<1x1x128xi32, #tpu.memory_space<hbm>> -> memref<128xi32, #tpu.memory_space<hbm>>
        tpu.enqueue_dma source(%dma_start3A_29 : memref<128xi32, #tpu.memory_space<hbm>>) target(%arg5 : memref<128xi32, #tpu.memory_space<vmem>>) target_semaphore(%run_scoped3A : memref<!tpu.dma_semaphore, #tpu.memory_space<semaphore_mem>>)
        %dma_wait3A = arith.constant 0 : i32
        %dma_wait3A_30 = tpu.memref_slice %arg2[%add3A, %scan3A_22, %dma_wait3A] : memref<32x79x128xi32, #tpu.memory_space<hbm>> -> memref<1x1x128xi32, #tpu.memory_space<hbm>>
        %dma_wait3A_31 = tpu.memref_squeeze %dma_wait3A_30 : memref<1x1x128xi32, #tpu.memory_space<hbm>> -> memref<128xi32, #tpu.memory_space<hbm>>
        %dma_wait3A_32 = arith.constant 0 : i32
        %dma_wait3A_33 = tpu.memref_slice %arg2[%add3A, %scan3A_22, %dma_wait3A_32] : memref<32x79x128xi32, #tpu.memory_space<hbm>> -> memref<1x1x128xi32, #tpu.memory_space<hbm>>
        %dma_wait3A_34 = tpu.memref_squeeze %dma_wait3A_33 : memref<1x1x128xi32, #tpu.memory_space<hbm>> -> memref<128xi32, #tpu.memory_space<hbm>>
        tpu.wait_dma2 semaphore(%run_scoped3A : memref<!tpu.dma_semaphore, #tpu.memory_space<semaphore_mem>>) src(%dma_wait3A_34 : memref<128xi32, #tpu.memory_space<hbm>>) dst(%arg5 : memref<128xi32, #tpu.memory_space<vmem>>)
        tpu.yield
      }) : () -> ()
      "tpu.region"() ({
        %run_scoped3A = tpu.sem_alloc : memref<!tpu.dma_semaphore, #tpu.memory_space<semaphore_mem>>
        %dma_start3A = arith.constant 0 : i32
        %dma_start3A_25 = tpu.memref_slice %arg3[%add3A, %scan3A_22, %dma_start3A] : memref<32x79x128xf32, #tpu.memory_space<hbm>> -> memref<1x1x128xf32, #tpu.memory_space<hbm>>
        %dma_start3A_26 = tpu.memref_squeeze %dma_start3A_25 : memref<1x1x128xf32, #tpu.memory_space<hbm>> -> memref<128xf32, #tpu.memory_space<hbm>>
        %dma_start3A_27 = arith.constant 0 : i32
        %dma_start3A_28 = tpu.memref_slice %arg3[%add3A, %scan3A_22, %dma_start3A_27] : memref<32x79x128xf32, #tpu.memory_space<hbm>> -> memref<1x1x128xf32, #tpu.memory_space<hbm>>
        %dma_start3A_29 = tpu.memref_squeeze %dma_start3A_28 : memref<1x1x128xf32, #tpu.memory_space<hbm>> -> memref<128xf32, #tpu.memory_space<hbm>>
        tpu.enqueue_dma source(%dma_start3A_29 : memref<128xf32, #tpu.memory_space<hbm>>) target(%arg6 : memref<128xf32, #tpu.memory_space<vmem>>) target_semaphore(%run_scoped3A : memref<!tpu.dma_semaphore, #tpu.memory_space<semaphore_mem>>)
        %dma_wait3A = arith.constant 0 : i32
        %dma_wait3A_30 = tpu.memref_slice %arg3[%add3A, %scan3A_22, %dma_wait3A] : memref<32x79x128xf32, #tpu.memory_space<hbm>> -> memref<1x1x128xf32, #tpu.memory_space<hbm>>
        %dma_wait3A_31 = tpu.memref_squeeze %dma_wait3A_30 : memref<1x1x128xf32, #tpu.memory_space<hbm>> -> memref<128xf32, #tpu.memory_space<hbm>>
        %dma_wait3A_32 = arith.constant 0 : i32
        %dma_wait3A_33 = tpu.memref_slice %arg3[%add3A, %scan3A_22, %dma_wait3A_32] : memref<32x79x128xf32, #tpu.memory_space<hbm>> -> memref<1x1x128xf32, #tpu.memory_space<hbm>>
        %dma_wait3A_34 = tpu.memref_squeeze %dma_wait3A_33 : memref<1x1x128xf32, #tpu.memory_space<hbm>> -> memref<128xf32, #tpu.memory_space<hbm>>
        tpu.wait_dma2 semaphore(%run_scoped3A : memref<!tpu.dma_semaphore, #tpu.memory_space<semaphore_mem>>) src(%dma_wait3A_34 : memref<128xf32, #tpu.memory_space<hbm>>) dst(%arg6 : memref<128xf32, #tpu.memory_space<vmem>>)
        tpu.yield
      }) : () -> ()
      "tpu.region"() ({
        %run_scoped3A = tpu.sem_alloc : memref<!tpu.dma_semaphore, #tpu.memory_space<semaphore_mem>>
        %dma_start3A = arith.constant 0 : i32
        %dma_start3A_25 = tpu.memref_slice %arg8[%dma_start3A] : memref<10240xf32, #tpu.memory_space<vmem_shared>> -> memref<10240xf32, #tpu.memory_space<vmem_shared>>
        tpu.enqueue_indirect_dma source(%arg6 : memref<128xf32, #tpu.memory_space<vmem>>) target(%dma_start3A_25 : memref<10240xf32, #tpu.memory_space<vmem_shared>>) offsets(%arg5 : memref<128xi32, #tpu.memory_space<vmem>>) semaphore(%run_scoped3A : memref<!tpu.dma_semaphore, #tpu.memory_space<semaphore_mem>>) {add = true}
        %dma_wait3A = arith.constant 0 : i32
        %dma_wait3A_26 = tpu.memref_slice %arg8[%dma_wait3A] : memref<10240xf32, #tpu.memory_space<vmem_shared>> -> memref<10240xf32, #tpu.memory_space<vmem_shared>>
        tpu.wait_indirect_dma semaphore(%run_scoped3A : memref<!tpu.dma_semaphore, #tpu.memory_space<semaphore_mem>>) src(%arg6 : memref<128xf32, #tpu.memory_space<vmem>>) dst(%dma_wait3A_26 : memref<10240xf32, #tpu.memory_space<vmem_shared>>)
        tpu.yield
      }) : () -> ()
      %scan3A_24 = arith.constant 0 : i32
      scf.yield %scan3A_24 : i32
    }
    %scan3A_16 = arith.constant 79 : i32
    %barrier3A_17 = arith.constant 0 : index
    tpu.barrier barrier_id(%barrier3A_17)
    %mul3A_18 = arith.constant 640 : i32
    %mul3A_19 = arith.muli %arg1, %mul3A_18 : i32
    %mul3A_20 = arith.constant 640 : i32
    %mul3A_21 = arith.muli %arg1, %mul3A_20 : i32
    "tpu.region"() ({
      %run_scoped3A = tpu.sem_alloc : memref<!tpu.dma_semaphore, #tpu.memory_space<semaphore_mem>>
      %dma_start3A = tpu.memref_slice %arg4[%arg0, %mul3A_21] : memref<2x10240xf32, #tpu.memory_space<hbm>> -> memref<1x640xf32, #tpu.memory_space<hbm>>
      %dma_start3A_22 = tpu.memref_squeeze %dma_start3A : memref<1x640xf32, #tpu.memory_space<hbm>> -> memref<640xf32, #tpu.memory_space<hbm>>
      %dma_start3A_23 = tpu.memref_slice %arg8[%mul3A_19] : memref<10240xf32, #tpu.memory_space<vmem_shared>> -> memref<640xf32, #tpu.memory_space<vmem_shared>>
      tpu.enqueue_dma source(%dma_start3A_23 : memref<640xf32, #tpu.memory_space<vmem_shared>>) target(%dma_start3A_22 : memref<640xf32, #tpu.memory_space<hbm>>) target_semaphore(%run_scoped3A : memref<!tpu.dma_semaphore, #tpu.memory_space<semaphore_mem>>)
      %dma_wait3A = tpu.memref_slice %arg4[%arg0, %mul3A_21] : memref<2x10240xf32, #tpu.memory_space<hbm>> -> memref<1x640xf32, #tpu.memory_space<hbm>>
      %dma_wait3A_24 = tpu.memref_squeeze %dma_wait3A : memref<1x640xf32, #tpu.memory_space<hbm>> -> memref<640xf32, #tpu.memory_space<hbm>>
      %dma_wait3A_25 = tpu.memref_slice %arg8[%mul3A_19] : memref<10240xf32, #tpu.memory_space<vmem_shared>> -> memref<640xf32, #tpu.memory_space<vmem_shared>>
      tpu.wait_dma2 semaphore(%run_scoped3A : memref<!tpu.dma_semaphore, #tpu.memory_space<semaphore_mem>>) src(%dma_wait3A_25 : memref<640xf32, #tpu.memory_space<vmem_shared>>) dst(%dma_wait3A_24 : memref<640xf32, #tpu.memory_space<hbm>>)
      tpu.yield
    }) : () -> ()
    return
  }
}

#map = affine_map<(d0, d1) -> (0, 0, 0)>
#map1 = affine_map<(d0, d1) -> (0, 0)>
module attributes {stable_mosaic.version = 14 : i64} {
  func.func @body(%arg0: i32, %arg1: i32, %arg2: memref<32x79x128xi32, #tpu.memory_space<hbm>>, %arg3: memref<32x79x128xi32, #tpu.memory_space<hbm>>, %arg4: memref<32x79x128xf32, #tpu.memory_space<hbm>>, %arg5: memref<10000x128xf32, #tpu.memory_space<hbm>>, %arg6: memref<2x10240x128xf32, #tpu.memory_space<hbm>>, %arg7: memref<128xi32, #tpu.memory_space<vmem>>, %arg8: memref<128xi32, #tpu.memory_space<vmem>>, %arg9: memref<128xf32, #tpu.memory_space<vmem>>, %arg10: memref<128x128xf32, #tpu.memory_space<vmem>>, %arg11: memref<10240x128xf32, #tpu.memory_space<vmem_shared>>, %arg12: memref<!tpu.dma_semaphore, #tpu.memory_space<semaphore_mem>>) attributes {dimension_semantics = [#tpu.dimension_semantics<core_parallel>, #tpu.dimension_semantics<subcore_parallel>], iteration_bounds = array<i64: 2, 16>, scalar_prefetch = 0 : i64, scratch_operands = 6 : i64, tpu.core_type = #tpu.core_type<sc_vector_subcore>, window_params = [{transform_indices = #map}, {transform_indices = #map}, {transform_indices = #map}, {transform_indices = #map1}, {transform_indices = #map}]} {
    %mul3A = arith.constant 2 : i32
    %mul3A_0 = arith.muli %arg1, %mul3A : i32
    %add3A = arith.addi %mul3A_0, %arg0 : i32
    %broadcast_in_dim3A = arith.constant 0.000000e+00 : f32
    %broadcast_in_dim3A_1 = vector.broadcast %broadcast_in_dim3A : f32 to vector<16xf32>
    %scan3A = arith.constant 0 : i32
    %scan3A_2 = arith.constant 0 : i32
    %scan3A_3 = arith.constant 128 : i32
    %scan3A_4 = arith.addi %scan3A_2, %scan3A_3 : i32
    %scan3A_5 = arith.constant 1 : i32
    %scan3A_6 = scf.for %scan3A_56 = %scan3A_2 to %scan3A_4 step %scan3A_5 iter_args(%scan3A_57 = %scan3A) -> (i32)  : i32 {
      %swap3A = arith.index_cast %scan3A_56 : i32 to index
      %swap3A_58 = arith.constant 0 : index
      %swap3A_59 = tpu.vector_load %arg10[%swap3A, %swap3A_58] {strides = array<i32>} : memref<128x128xf32, #tpu.memory_space<vmem>>, vector<16xf32>,
      tpu.vector_store %arg10[%swap3A, %swap3A_58], %broadcast_in_dim3A_1 {strides = array<i32>} : memref<128x128xf32, #tpu.memory_space<vmem>>, vector<16xf32>,
      %swap3A_60 = arith.index_cast %scan3A_56 : i32 to index
      %swap3A_61 = arith.constant 16 : index
      %swap3A_62 = tpu.vector_load %arg10[%swap3A_60, %swap3A_61] {strides = array<i32>} : memref<128x128xf32, #tpu.memory_space<vmem>>, vector<16xf32>,
      tpu.vector_store %arg10[%swap3A_60, %swap3A_61], %broadcast_in_dim3A_1 {strides = array<i32>} : memref<128x128xf32, #tpu.memory_space<vmem>>, vector<16xf32>,
      %swap3A_63 = arith.index_cast %scan3A_56 : i32 to index
      %swap3A_64 = arith.constant 32 : index
      %swap3A_65 = tpu.vector_load %arg10[%swap3A_63, %swap3A_64] {strides = array<i32>} : memref<128x128xf32, #tpu.memory_space<vmem>>, vector<16xf32>,
      tpu.vector_store %arg10[%swap3A_63, %swap3A_64], %broadcast_in_dim3A_1 {strides = array<i32>} : memref<128x128xf32, #tpu.memory_space<vmem>>, vector<16xf32>,
      %swap3A_66 = arith.index_cast %scan3A_56 : i32 to index
      %swap3A_67 = arith.constant 48 : index
      %swap3A_68 = tpu.vector_load %arg10[%swap3A_66, %swap3A_67] {strides = array<i32>} : memref<128x128xf32, #tpu.memory_space<vmem>>, vector<16xf32>,
      tpu.vector_store %arg10[%swap3A_66, %swap3A_67], %broadcast_in_dim3A_1 {strides = array<i32>} : memref<128x128xf32, #tpu.memory_space<vmem>>, vector<16xf32>,
      %swap3A_69 = arith.index_cast %scan3A_56 : i32 to index
      %swap3A_70 = arith.constant 64 : index
      %swap3A_71 = tpu.vector_load %arg10[%swap3A_69, %swap3A_70] {strides = array<i32>} : memref<128x128xf32, #tpu.memory_space<vmem>>, vector<16xf32>,
      tpu.vector_store %arg10[%swap3A_69, %swap3A_70], %broadcast_in_dim3A_1 {strides = array<i32>} : memref<128x128xf32, #tpu.memory_space<vmem>>, vector<16xf32>,
      %swap3A_72 = arith.index_cast %scan3A_56 : i32 to index
      %swap3A_73 = arith.constant 80 : index
      %swap3A_74 = tpu.vector_load %arg10[%swap3A_72, %swap3A_73] {strides = array<i32>} : memref<128x128xf32, #tpu.memory_space<vmem>>, vector<16xf32>,
      tpu.vector_store %arg10[%swap3A_72, %swap3A_73], %broadcast_in_dim3A_1 {strides = array<i32>} : memref<128x128xf32, #tpu.memory_space<vmem>>, vector<16xf32>,
      %swap3A_75 = arith.index_cast %scan3A_56 : i32 to index
      %swap3A_76 = arith.constant 96 : index
      %swap3A_77 = tpu.vector_load %arg10[%swap3A_75, %swap3A_76] {strides = array<i32>} : memref<128x128xf32, #tpu.memory_space<vmem>>, vector<16xf32>,
      tpu.vector_store %arg10[%swap3A_75, %swap3A_76], %broadcast_in_dim3A_1 {strides = array<i32>} : memref<128x128xf32, #tpu.memory_space<vmem>>, vector<16xf32>,
      %swap3A_78 = arith.index_cast %scan3A_56 : i32 to index
      %swap3A_79 = arith.constant 112 : index
      %swap3A_80 = tpu.vector_load %arg10[%swap3A_78, %swap3A_79] {strides = array<i32>} : memref<128x128xf32, #tpu.memory_space<vmem>>, vector<16xf32>,
      tpu.vector_store %arg10[%swap3A_78, %swap3A_79], %broadcast_in_dim3A_1 {strides = array<i32>} : memref<128x128xf32, #tpu.memory_space<vmem>>, vector<16xf32>,
      %scan3A_81 = arith.constant 0 : i32
      scf.yield %scan3A_81 : i32
    }
    %scan3A_7 = arith.constant 128 : i32
    %mul3A_8 = arith.constant 640 : i32
    %mul3A_9 = arith.muli %arg1, %mul3A_8 : i32
    %add3A_10 = arith.constant 0 : i32
    %add3A_11 = arith.addi %mul3A_9, %add3A_10 : i32
    "tpu.region"() ({
      %run_scoped3A = tpu.sem_alloc : memref<!tpu.dma_semaphore, #tpu.memory_space<semaphore_mem>>
      %dma_start3A = arith.constant 0 : i32
      %dma_start3A_56 = tpu.memref_slice %arg11[%add3A_11, %dma_start3A] : memref<10240x128xf32, #tpu.memory_space<vmem_shared>> -> memref<128x128xf32, #tpu.memory_space<vmem_shared>>
      %dma_start3A_57 = arith.constant 0 : i32
      %dma_start3A_58 = tpu.memref_slice %arg11[%add3A_11, %dma_start3A_57] : memref<10240x128xf32, #tpu.memory_space<vmem_shared>> -> memref<128x128xf32, #tpu.memory_space<vmem_shared>>
      tpu.enqueue_dma source(%arg10 : memref<128x128xf32, #tpu.memory_space<vmem>>) target(%dma_start3A_58 : memref<128x128xf32, #tpu.memory_space<vmem_shared>>) target_semaphore(%run_scoped3A : memref<!tpu.dma_semaphore, #tpu.memory_space<semaphore_mem>>)
      %dma_wait3A = arith.constant 0 : i32
      %dma_wait3A_59 = tpu.memref_slice %arg11[%add3A_11, %dma_wait3A] : memref<10240x128xf32, #tpu.memory_space<vmem_shared>> -> memref<128x128xf32, #tpu.memory_space<vmem_shared>>
      %dma_wait3A_60 = arith.constant 0 : i32
      %dma_wait3A_61 = tpu.memref_slice %arg11[%add3A_11, %dma_wait3A_60] : memref<10240x128xf32, #tpu.memory_space<vmem_shared>> -> memref<128x128xf32, #tpu.memory_space<vmem_shared>>
      tpu.wait_dma2 semaphore(%run_scoped3A : memref<!tpu.dma_semaphore, #tpu.memory_space<semaphore_mem>>) src(%arg10 : memref<128x128xf32, #tpu.memory_space<vmem>>) dst(%dma_wait3A_61 : memref<128x128xf32, #tpu.memory_space<vmem_shared>>)
      tpu.yield
    }) : () -> ()
    %mul3A_12 = arith.constant 640 : i32
    %mul3A_13 = arith.muli %arg1, %mul3A_12 : i32
    %add3A_14 = arith.constant 128 : i32
    %add3A_15 = arith.addi %mul3A_13, %add3A_14 : i32
    "tpu.region"() ({
      %run_scoped3A = tpu.sem_alloc : memref<!tpu.dma_semaphore, #tpu.memory_space<semaphore_mem>>
      %dma_start3A = arith.constant 0 : i32
      %dma_start3A_56 = tpu.memref_slice %arg11[%add3A_15, %dma_start3A] : memref<10240x128xf32, #tpu.memory_space<vmem_shared>> -> memref<128x128xf32, #tpu.memory_space<vmem_shared>>
      %dma_start3A_57 = arith.constant 0 : i32
      %dma_start3A_58 = tpu.memref_slice %arg11[%add3A_15, %dma_start3A_57] : memref<10240x128xf32, #tpu.memory_space<vmem_shared>> -> memref<128x128xf32, #tpu.memory_space<vmem_shared>>
      tpu.enqueue_dma source(%arg10 : memref<128x128xf32, #tpu.memory_space<vmem>>) target(%dma_start3A_58 : memref<128x128xf32, #tpu.memory_space<vmem_shared>>) target_semaphore(%run_scoped3A : memref<!tpu.dma_semaphore, #tpu.memory_space<semaphore_mem>>)
      %dma_wait3A = arith.constant 0 : i32
      %dma_wait3A_59 = tpu.memref_slice %arg11[%add3A_15, %dma_wait3A] : memref<10240x128xf32, #tpu.memory_space<vmem_shared>> -> memref<128x128xf32, #tpu.memory_space<vmem_shared>>
      %dma_wait3A_60 = arith.constant 0 : i32
      %dma_wait3A_61 = tpu.memref_slice %arg11[%add3A_15, %dma_wait3A_60] : memref<10240x128xf32, #tpu.memory_space<vmem_shared>> -> memref<128x128xf32, #tpu.memory_space<vmem_shared>>
      tpu.wait_dma2 semaphore(%run_scoped3A : memref<!tpu.dma_semaphore, #tpu.memory_space<semaphore_mem>>) src(%arg10 : memref<128x128xf32, #tpu.memory_space<vmem>>) dst(%dma_wait3A_61 : memref<128x128xf32, #tpu.memory_space<vmem_shared>>)
      tpu.yield
    }) : () -> ()
    %mul3A_16 = arith.constant 640 : i32
    %mul3A_17 = arith.muli %arg1, %mul3A_16 : i32
    %add3A_18 = arith.constant 256 : i32
    %add3A_19 = arith.addi %mul3A_17, %add3A_18 : i32
    "tpu.region"() ({
      %run_scoped3A = tpu.sem_alloc : memref<!tpu.dma_semaphore, #tpu.memory_space<semaphore_mem>>
      %dma_start3A = arith.constant 0 : i32
      %dma_start3A_56 = tpu.memref_slice %arg11[%add3A_19, %dma_start3A] : memref<10240x128xf32, #tpu.memory_space<vmem_shared>> -> memref<128x128xf32, #tpu.memory_space<vmem_shared>>
      %dma_start3A_57 = arith.constant 0 : i32
      %dma_start3A_58 = tpu.memref_slice %arg11[%add3A_19, %dma_start3A_57] : memref<10240x128xf32, #tpu.memory_space<vmem_shared>> -> memref<128x128xf32, #tpu.memory_space<vmem_shared>>
      tpu.enqueue_dma source(%arg10 : memref<128x128xf32, #tpu.memory_space<vmem>>) target(%dma_start3A_58 : memref<128x128xf32, #tpu.memory_space<vmem_shared>>) target_semaphore(%run_scoped3A : memref<!tpu.dma_semaphore, #tpu.memory_space<semaphore_mem>>)
      %dma_wait3A = arith.constant 0 : i32
      %dma_wait3A_59 = tpu.memref_slice %arg11[%add3A_19, %dma_wait3A] : memref<10240x128xf32, #tpu.memory_space<vmem_shared>> -> memref<128x128xf32, #tpu.memory_space<vmem_shared>>
      %dma_wait3A_60 = arith.constant 0 : i32
      %dma_wait3A_61 = tpu.memref_slice %arg11[%add3A_19, %dma_wait3A_60] : memref<10240x128xf32, #tpu.memory_space<vmem_shared>> -> memref<128x128xf32, #tpu.memory_space<vmem_shared>>
      tpu.wait_dma2 semaphore(%run_scoped3A : memref<!tpu.dma_semaphore, #tpu.memory_space<semaphore_mem>>) src(%arg10 : memref<128x128xf32, #tpu.memory_space<vmem>>) dst(%dma_wait3A_61 : memref<128x128xf32, #tpu.memory_space<vmem_shared>>)
      tpu.yield
    }) : () -> ()
    %mul3A_20 = arith.constant 640 : i32
    %mul3A_21 = arith.muli %arg1, %mul3A_20 : i32
    %add3A_22 = arith.constant 384 : i32
    %add3A_23 = arith.addi %mul3A_21, %add3A_22 : i32
    "tpu.region"() ({
      %run_scoped3A = tpu.sem_alloc : memref<!tpu.dma_semaphore, #tpu.memory_space<semaphore_mem>>
      %dma_start3A = arith.constant 0 : i32
      %dma_start3A_56 = tpu.memref_slice %arg11[%add3A_23, %dma_start3A] : memref<10240x128xf32, #tpu.memory_space<vmem_shared>> -> memref<128x128xf32, #tpu.memory_space<vmem_shared>>
      %dma_start3A_57 = arith.constant 0 : i32
      %dma_start3A_58 = tpu.memref_slice %arg11[%add3A_23, %dma_start3A_57] : memref<10240x128xf32, #tpu.memory_space<vmem_shared>> -> memref<128x128xf32, #tpu.memory_space<vmem_shared>>
      tpu.enqueue_dma source(%arg10 : memref<128x128xf32, #tpu.memory_space<vmem>>) target(%dma_start3A_58 : memref<128x128xf32, #tpu.memory_space<vmem_shared>>) target_semaphore(%run_scoped3A : memref<!tpu.dma_semaphore, #tpu.memory_space<semaphore_mem>>)
      %dma_wait3A = arith.constant 0 : i32
      %dma_wait3A_59 = tpu.memref_slice %arg11[%add3A_23, %dma_wait3A] : memref<10240x128xf32, #tpu.memory_space<vmem_shared>> -> memref<128x128xf32, #tpu.memory_space<vmem_shared>>
      %dma_wait3A_60 = arith.constant 0 : i32
      %dma_wait3A_61 = tpu.memref_slice %arg11[%add3A_23, %dma_wait3A_60] : memref<10240x128xf32, #tpu.memory_space<vmem_shared>> -> memref<128x128xf32, #tpu.memory_space<vmem_shared>>
      tpu.wait_dma2 semaphore(%run_scoped3A : memref<!tpu.dma_semaphore, #tpu.memory_space<semaphore_mem>>) src(%arg10 : memref<128x128xf32, #tpu.memory_space<vmem>>) dst(%dma_wait3A_61 : memref<128x128xf32, #tpu.memory_space<vmem_shared>>)
      tpu.yield
    }) : () -> ()
    %mul3A_24 = arith.constant 640 : i32
    %mul3A_25 = arith.muli %arg1, %mul3A_24 : i32
    %add3A_26 = arith.constant 512 : i32
    %add3A_27 = arith.addi %mul3A_25, %add3A_26 : i32
    "tpu.region"() ({
      %run_scoped3A = tpu.sem_alloc : memref<!tpu.dma_semaphore, #tpu.memory_space<semaphore_mem>>
      %dma_start3A = arith.constant 0 : i32
      %dma_start3A_56 = tpu.memref_slice %arg11[%add3A_27, %dma_start3A] : memref<10240x128xf32, #tpu.memory_space<vmem_shared>> -> memref<128x128xf32, #tpu.memory_space<vmem_shared>>
      %dma_start3A_57 = arith.constant 0 : i32
      %dma_start3A_58 = tpu.memref_slice %arg11[%add3A_27, %dma_start3A_57] : memref<10240x128xf32, #tpu.memory_space<vmem_shared>> -> memref<128x128xf32, #tpu.memory_space<vmem_shared>>
      tpu.enqueue_dma source(%arg10 : memref<128x128xf32, #tpu.memory_space<vmem>>) target(%dma_start3A_58 : memref<128x128xf32, #tpu.memory_space<vmem_shared>>) target_semaphore(%run_scoped3A : memref<!tpu.dma_semaphore, #tpu.memory_space<semaphore_mem>>)
      %dma_wait3A = arith.constant 0 : i32
      %dma_wait3A_59 = tpu.memref_slice %arg11[%add3A_27, %dma_wait3A] : memref<10240x128xf32, #tpu.memory_space<vmem_shared>> -> memref<128x128xf32, #tpu.memory_space<vmem_shared>>
      %dma_wait3A_60 = arith.constant 0 : i32
      %dma_wait3A_61 = tpu.memref_slice %arg11[%add3A_27, %dma_wait3A_60] : memref<10240x128xf32, #tpu.memory_space<vmem_shared>> -> memref<128x128xf32, #tpu.memory_space<vmem_shared>>
      tpu.wait_dma2 semaphore(%run_scoped3A : memref<!tpu.dma_semaphore, #tpu.memory_space<semaphore_mem>>) src(%arg10 : memref<128x128xf32, #tpu.memory_space<vmem>>) dst(%dma_wait3A_61 : memref<128x128xf32, #tpu.memory_space<vmem_shared>>)
      tpu.yield
    }) : () -> ()
    %barrier3A = arith.constant 0 : index
    tpu.barrier barrier_id(%barrier3A)
    %scan3A_28 = arith.constant 0 : i32
    %scan3A_29 = arith.constant 0 : i32
    %scan3A_30 = arith.constant 79 : i32
    %scan3A_31 = arith.addi %scan3A_29, %scan3A_30 : i32
    %scan3A_32 = arith.constant 1 : i32
    %scan3A_33 = scf.for %scan3A_56 = %scan3A_29 to %scan3A_31 step %scan3A_32 iter_args(%scan3A_57 = %scan3A_28) -> (i32)  : i32 {
      "tpu.region"() ({
        %run_scoped3A = tpu.sem_alloc : memref<!tpu.dma_semaphore, #tpu.memory_space<semaphore_mem>>
        %dma_start3A_70 = arith.constant 0 : i32
        %dma_start3A_71 = tpu.memref_slice %arg2[%add3A, %scan3A_56, %dma_start3A_70] : memref<32x79x128xi32, #tpu.memory_space<hbm>> -> memref<1x1x128xi32, #tpu.memory_space<hbm>>
        %dma_start3A_72 = tpu.memref_squeeze %dma_start3A_71 : memref<1x1x128xi32, #tpu.memory_space<hbm>> -> memref<128xi32, #tpu.memory_space<hbm>>
        %dma_start3A_73 = arith.constant 0 : i32
        %dma_start3A_74 = tpu.memref_slice %arg2[%add3A, %scan3A_56, %dma_start3A_73] : memref<32x79x128xi32, #tpu.memory_space<hbm>> -> memref<1x1x128xi32, #tpu.memory_space<hbm>>
        %dma_start3A_75 = tpu.memref_squeeze %dma_start3A_74 : memref<1x1x128xi32, #tpu.memory_space<hbm>> -> memref<128xi32, #tpu.memory_space<hbm>>
        tpu.enqueue_dma source(%dma_start3A_75 : memref<128xi32, #tpu.memory_space<hbm>>) target(%arg7 : memref<128xi32, #tpu.memory_space<vmem>>) target_semaphore(%run_scoped3A : memref<!tpu.dma_semaphore, #tpu.memory_space<semaphore_mem>>)
        %dma_wait3A_76 = arith.constant 0 : i32
        %dma_wait3A_77 = tpu.memref_slice %arg2[%add3A, %scan3A_56, %dma_wait3A_76] : memref<32x79x128xi32, #tpu.memory_space<hbm>> -> memref<1x1x128xi32, #tpu.memory_space<hbm>>
        %dma_wait3A_78 = tpu.memref_squeeze %dma_wait3A_77 : memref<1x1x128xi32, #tpu.memory_space<hbm>> -> memref<128xi32, #tpu.memory_space<hbm>>
        %dma_wait3A_79 = arith.constant 0 : i32
        %dma_wait3A_80 = tpu.memref_slice %arg2[%add3A, %scan3A_56, %dma_wait3A_79] : memref<32x79x128xi32, #tpu.memory_space<hbm>> -> memref<1x1x128xi32, #tpu.memory_space<hbm>>
        %dma_wait3A_81 = tpu.memref_squeeze %dma_wait3A_80 : memref<1x1x128xi32, #tpu.memory_space<hbm>> -> memref<128xi32, #tpu.memory_space<hbm>>
        tpu.wait_dma2 semaphore(%run_scoped3A : memref<!tpu.dma_semaphore, #tpu.memory_space<semaphore_mem>>) src(%dma_wait3A_81 : memref<128xi32, #tpu.memory_space<hbm>>) dst(%arg7 : memref<128xi32, #tpu.memory_space<vmem>>)
        tpu.yield
      }) : () -> ()
      "tpu.region"() ({
        %run_scoped3A = tpu.sem_alloc : memref<!tpu.dma_semaphore, #tpu.memory_space<semaphore_mem>>
        %dma_start3A_70 = arith.constant 0 : i32
        %dma_start3A_71 = tpu.memref_slice %arg3[%add3A, %scan3A_56, %dma_start3A_70] : memref<32x79x128xi32, #tpu.memory_space<hbm>> -> memref<1x1x128xi32, #tpu.memory_space<hbm>>
        %dma_start3A_72 = tpu.memref_squeeze %dma_start3A_71 : memref<1x1x128xi32, #tpu.memory_space<hbm>> -> memref<128xi32, #tpu.memory_space<hbm>>
        %dma_start3A_73 = arith.constant 0 : i32
        %dma_start3A_74 = tpu.memref_slice %arg3[%add3A, %scan3A_56, %dma_start3A_73] : memref<32x79x128xi32, #tpu.memory_space<hbm>> -> memref<1x1x128xi32, #tpu.memory_space<hbm>>
        %dma_start3A_75 = tpu.memref_squeeze %dma_start3A_74 : memref<1x1x128xi32, #tpu.memory_space<hbm>> -> memref<128xi32, #tpu.memory_space<hbm>>
        tpu.enqueue_dma source(%dma_start3A_75 : memref<128xi32, #tpu.memory_space<hbm>>) target(%arg8 : memref<128xi32, #tpu.memory_space<vmem>>) target_semaphore(%run_scoped3A : memref<!tpu.dma_semaphore, #tpu.memory_space<semaphore_mem>>)
        %dma_wait3A_76 = arith.constant 0 : i32
        %dma_wait3A_77 = tpu.memref_slice %arg3[%add3A, %scan3A_56, %dma_wait3A_76] : memref<32x79x128xi32, #tpu.memory_space<hbm>> -> memref<1x1x128xi32, #tpu.memory_space<hbm>>
        %dma_wait3A_78 = tpu.memref_squeeze %dma_wait3A_77 : memref<1x1x128xi32, #tpu.memory_space<hbm>> -> memref<128xi32, #tpu.memory_space<hbm>>
        %dma_wait3A_79 = arith.constant 0 : i32
        %dma_wait3A_80 = tpu.memref_slice %arg3[%add3A, %scan3A_56, %dma_wait3A_79] : memref<32x79x128xi32, #tpu.memory_space<hbm>> -> memref<1x1x128xi32, #tpu.memory_space<hbm>>
        %dma_wait3A_81 = tpu.memref_squeeze %dma_wait3A_80 : memref<1x1x128xi32, #tpu.memory_space<hbm>> -> memref<128xi32, #tpu.memory_space<hbm>>
        tpu.wait_dma2 semaphore(%run_scoped3A : memref<!tpu.dma_semaphore, #tpu.memory_space<semaphore_mem>>) src(%dma_wait3A_81 : memref<128xi32, #tpu.memory_space<hbm>>) dst(%arg8 : memref<128xi32, #tpu.memory_space<vmem>>)
        tpu.yield
      }) : () -> ()
      "tpu.region"() ({
        %run_scoped3A = tpu.sem_alloc : memref<!tpu.dma_semaphore, #tpu.memory_space<semaphore_mem>>
        %dma_start3A_70 = arith.constant 0 : i32
        %dma_start3A_71 = tpu.memref_slice %arg4[%add3A, %scan3A_56, %dma_start3A_70] : memref<32x79x128xf32, #tpu.memory_space<hbm>> -> memref<1x1x128xf32, #tpu.memory_space<hbm>>
        %dma_start3A_72 = tpu.memref_squeeze %dma_start3A_71 : memref<1x1x128xf32, #tpu.memory_space<hbm>> -> memref<128xf32, #tpu.memory_space<hbm>>
        %dma_start3A_73 = arith.constant 0 : i32
        %dma_start3A_74 = tpu.memref_slice %arg4[%add3A, %scan3A_56, %dma_start3A_73] : memref<32x79x128xf32, #tpu.memory_space<hbm>> -> memref<1x1x128xf32, #tpu.memory_space<hbm>>
        %dma_start3A_75 = tpu.memref_squeeze %dma_start3A_74 : memref<1x1x128xf32, #tpu.memory_space<hbm>> -> memref<128xf32, #tpu.memory_space<hbm>>
        tpu.enqueue_dma source(%dma_start3A_75 : memref<128xf32, #tpu.memory_space<hbm>>) target(%arg9 : memref<128xf32, #tpu.memory_space<vmem>>) target_semaphore(%run_scoped3A : memref<!tpu.dma_semaphore, #tpu.memory_space<semaphore_mem>>)
        %dma_wait3A_76 = arith.constant 0 : i32
        %dma_wait3A_77 = tpu.memref_slice %arg4[%add3A, %scan3A_56, %dma_wait3A_76] : memref<32x79x128xf32, #tpu.memory_space<hbm>> -> memref<1x1x128xf32, #tpu.memory_space<hbm>>
        %dma_wait3A_78 = tpu.memref_squeeze %dma_wait3A_77 : memref<1x1x128xf32, #tpu.memory_space<hbm>> -> memref<128xf32, #tpu.memory_space<hbm>>
        %dma_wait3A_79 = arith.constant 0 : i32
        %dma_wait3A_80 = tpu.memref_slice %arg4[%add3A, %scan3A_56, %dma_wait3A_79] : memref<32x79x128xf32, #tpu.memory_space<hbm>> -> memref<1x1x128xf32, #tpu.memory_space<hbm>>
        %dma_wait3A_81 = tpu.memref_squeeze %dma_wait3A_80 : memref<1x1x128xf32, #tpu.memory_space<hbm>> -> memref<128xf32, #tpu.memory_space<hbm>>
        tpu.wait_dma2 semaphore(%run_scoped3A : memref<!tpu.dma_semaphore, #tpu.memory_space<semaphore_mem>>) src(%dma_wait3A_81 : memref<128xf32, #tpu.memory_space<hbm>>) dst(%arg9 : memref<128xf32, #tpu.memory_space<vmem>>)
        tpu.yield
      }) : () -> ()
      %dma_start3A = arith.constant 0 : i32
      %dma_start3A_58 = arith.constant 0 : i32
      %dma_start3A_59 = tpu.memref_slice %arg5[%dma_start3A, %dma_start3A_58] : memref<10000x128xf32, #tpu.memory_space<hbm>> -> memref<10000x128xf32, #tpu.memory_space<hbm>>
      tpu.enqueue_indirect_dma source(%dma_start3A_59 : memref<10000x128xf32, #tpu.memory_space<hbm>>) target(%arg10 : memref<128x128xf32, #tpu.memory_space<vmem>>) offsets(%arg7 : memref<128xi32, #tpu.memory_space<vmem>>) semaphore(%arg12 : memref<!tpu.dma_semaphore, #tpu.memory_space<semaphore_mem>>)
      %dma_wait3A = arith.constant 0 : i32
      %dma_wait3A_60 = arith.constant 0 : i32
      %dma_wait3A_61 = tpu.memref_slice %arg5[%dma_wait3A, %dma_wait3A_60] : memref<10000x128xf32, #tpu.memory_space<hbm>> -> memref<10000x128xf32, #tpu.memory_space<hbm>>
      tpu.wait_indirect_dma semaphore(%arg12 : memref<!tpu.dma_semaphore, #tpu.memory_space<semaphore_mem>>) src(%dma_wait3A_61 : memref<10000x128xf32, #tpu.memory_space<hbm>>) dst(%arg10 : memref<128x128xf32, #tpu.memory_space<vmem>>)
      %scan3A_62 = arith.constant 0 : i32
      %scan3A_63 = arith.constant 0 : i32
      %scan3A_64 = arith.constant 128 : i32
      %scan3A_65 = arith.addi %scan3A_63, %scan3A_64 : i32
      %scan3A_66 = arith.constant 1 : i32
      %scan3A_67 = scf.for %scan3A_70 = %scan3A_63 to %scan3A_65 step %scan3A_66 iter_args(%scan3A_71 = %scan3A_62) -> (i32)  : i32 {
        %broadcast_in_dim3A_72 = vector.broadcast %scan3A_70 : i32 to vector<16xi32>
        %gather3A = tpu.vector_load_idx %arg9[%broadcast_in_dim3A_72] : memref<128xf32, #tpu.memory_space<vmem>>[vector<16xi32>], vector<16xf32>,
        %get3A = arith.index_cast %scan3A_70 : i32 to index
        %get3A_73 = arith.constant 0 : index
        %get3A_74 = tpu.vector_load %arg10[%get3A, %get3A_73] {strides = array<i32>} : memref<128x128xf32, #tpu.memory_space<vmem>>, vector<16xf32>,
        %mul3A_75 = arith.mulf %get3A_74, %gather3A : vector<16xf32>
        %swap3A = arith.index_cast %scan3A_70 : i32 to index
        %swap3A_76 = arith.constant 0 : index
        %swap3A_77 = tpu.vector_load %arg10[%swap3A, %swap3A_76] {strides = array<i32>} : memref<128x128xf32, #tpu.memory_space<vmem>>, vector<16xf32>,
        tpu.vector_store %arg10[%swap3A, %swap3A_76], %mul3A_75 {strides = array<i32>} : memref<128x128xf32, #tpu.memory_space<vmem>>, vector<16xf32>,
        %get3A_78 = arith.index_cast %scan3A_70 : i32 to index
        %get3A_79 = arith.constant 16 : index
        %get3A_80 = tpu.vector_load %arg10[%get3A_78, %get3A_79] {strides = array<i32>} : memref<128x128xf32, #tpu.memory_space<vmem>>, vector<16xf32>,
        %mul3A_81 = arith.mulf %get3A_80, %gather3A : vector<16xf32>
        %swap3A_82 = arith.index_cast %scan3A_70 : i32 to index
        %swap3A_83 = arith.constant 16 : index
        %swap3A_84 = tpu.vector_load %arg10[%swap3A_82, %swap3A_83] {strides = array<i32>} : memref<128x128xf32, #tpu.memory_space<vmem>>, vector<16xf32>,
        tpu.vector_store %arg10[%swap3A_82, %swap3A_83], %mul3A_81 {strides = array<i32>} : memref<128x128xf32, #tpu.memory_space<vmem>>, vector<16xf32>,
        %get3A_85 = arith.index_cast %scan3A_70 : i32 to index
        %get3A_86 = arith.constant 32 : index
        %get3A_87 = tpu.vector_load %arg10[%get3A_85, %get3A_86] {strides = array<i32>} : memref<128x128xf32, #tpu.memory_space<vmem>>, vector<16xf32>,
        %mul3A_88 = arith.mulf %get3A_87, %gather3A : vector<16xf32>
        %swap3A_89 = arith.index_cast %scan3A_70 : i32 to index
        %swap3A_90 = arith.constant 32 : index
        %swap3A_91 = tpu.vector_load %arg10[%swap3A_89, %swap3A_90] {strides = array<i32>} : memref<128x128xf32, #tpu.memory_space<vmem>>, vector<16xf32>,
        tpu.vector_store %arg10[%swap3A_89, %swap3A_90], %mul3A_88 {strides = array<i32>} : memref<128x128xf32, #tpu.memory_space<vmem>>, vector<16xf32>,
        %get3A_92 = arith.index_cast %scan3A_70 : i32 to index
        %get3A_93 = arith.constant 48 : index
        %get3A_94 = tpu.vector_load %arg10[%get3A_92, %get3A_93] {strides = array<i32>} : memref<128x128xf32, #tpu.memory_space<vmem>>, vector<16xf32>,
        %mul3A_95 = arith.mulf %get3A_94, %gather3A : vector<16xf32>
        %swap3A_96 = arith.index_cast %scan3A_70 : i32 to index
        %swap3A_97 = arith.constant 48 : index
        %swap3A_98 = tpu.vector_load %arg10[%swap3A_96, %swap3A_97] {strides = array<i32>} : memref<128x128xf32, #tpu.memory_space<vmem>>, vector<16xf32>,
        tpu.vector_store %arg10[%swap3A_96, %swap3A_97], %mul3A_95 {strides = array<i32>} : memref<128x128xf32, #tpu.memory_space<vmem>>, vector<16xf32>,
        %get3A_99 = arith.index_cast %scan3A_70 : i32 to index
        %get3A_100 = arith.constant 64 : index
        %get3A_101 = tpu.vector_load %arg10[%get3A_99, %get3A_100] {strides = array<i32>} : memref<128x128xf32, #tpu.memory_space<vmem>>, vector<16xf32>,
        %mul3A_102 = arith.mulf %get3A_101, %gather3A : vector<16xf32>
        %swap3A_103 = arith.index_cast %scan3A_70 : i32 to index
        %swap3A_104 = arith.constant 64 : index
        %swap3A_105 = tpu.vector_load %arg10[%swap3A_103, %swap3A_104] {strides = array<i32>} : memref<128x128xf32, #tpu.memory_space<vmem>>, vector<16xf32>,
        tpu.vector_store %arg10[%swap3A_103, %swap3A_104], %mul3A_102 {strides = array<i32>} : memref<128x128xf32, #tpu.memory_space<vmem>>, vector<16xf32>,
        %get3A_106 = arith.index_cast %scan3A_70 : i32 to index
        %get3A_107 = arith.constant 80 : index
        %get3A_108 = tpu.vector_load %arg10[%get3A_106, %get3A_107] {strides = array<i32>} : memref<128x128xf32, #tpu.memory_space<vmem>>, vector<16xf32>,
        %mul3A_109 = arith.mulf %get3A_108, %gather3A : vector<16xf32>
        %swap3A_110 = arith.index_cast %scan3A_70 : i32 to index
        %swap3A_111 = arith.constant 80 : index
        %swap3A_112 = tpu.vector_load %arg10[%swap3A_110, %swap3A_111] {strides = array<i32>} : memref<128x128xf32, #tpu.memory_space<vmem>>, vector<16xf32>,
        tpu.vector_store %arg10[%swap3A_110, %swap3A_111], %mul3A_109 {strides = array<i32>} : memref<128x128xf32, #tpu.memory_space<vmem>>, vector<16xf32>,
        %get3A_113 = arith.index_cast %scan3A_70 : i32 to index
        %get3A_114 = arith.constant 96 : index
        %get3A_115 = tpu.vector_load %arg10[%get3A_113, %get3A_114] {strides = array<i32>} : memref<128x128xf32, #tpu.memory_space<vmem>>, vector<16xf32>,
        %mul3A_116 = arith.mulf %get3A_115, %gather3A : vector<16xf32>
        %swap3A_117 = arith.index_cast %scan3A_70 : i32 to index
        %swap3A_118 = arith.constant 96 : index
        %swap3A_119 = tpu.vector_load %arg10[%swap3A_117, %swap3A_118] {strides = array<i32>} : memref<128x128xf32, #tpu.memory_space<vmem>>, vector<16xf32>,
        tpu.vector_store %arg10[%swap3A_117, %swap3A_118], %mul3A_116 {strides = array<i32>} : memref<128x128xf32, #tpu.memory_space<vmem>>, vector<16xf32>,
        %get3A_120 = arith.index_cast %scan3A_70 : i32 to index
        %get3A_121 = arith.constant 112 : index
        %get3A_122 = tpu.vector_load %arg10[%get3A_120, %get3A_121] {strides = array<i32>} : memref<128x128xf32, #tpu.memory_space<vmem>>, vector<16xf32>,
        %mul3A_123 = arith.mulf %get3A_122, %gather3A : vector<16xf32>
        %swap3A_124 = arith.index_cast %scan3A_70 : i32 to index
        %swap3A_125 = arith.constant 112 : index
        %swap3A_126 = tpu.vector_load %arg10[%swap3A_124, %swap3A_125] {strides = array<i32>} : memref<128x128xf32, #tpu.memory_space<vmem>>, vector<16xf32>,
        tpu.vector_store %arg10[%swap3A_124, %swap3A_125], %mul3A_123 {strides = array<i32>} : memref<128x128xf32, #tpu.memory_space<vmem>>, vector<16xf32>,
        %scan3A_127 = arith.constant 0 : i32
        scf.yield %scan3A_127 : i32
      }
      %scan3A_68 = arith.constant 128 : i32
      "tpu.region"() ({
        %run_scoped3A = tpu.sem_alloc : memref<!tpu.dma_semaphore, #tpu.memory_space<semaphore_mem>>
        %dma_start3A_70 = arith.constant 0 : i32
        %dma_start3A_71 = arith.constant 0 : i32
        %dma_start3A_72 = tpu.memref_slice %arg11[%dma_start3A_70, %dma_start3A_71] : memref<10240x128xf32, #tpu.memory_space<vmem_shared>> -> memref<10240x128xf32, #tpu.memory_space<vmem_shared>>
        tpu.enqueue_indirect_dma source(%arg10 : memref<128x128xf32, #tpu.memory_space<vmem>>) target(%dma_start3A_72 : memref<10240x128xf32, #tpu.memory_space<vmem_shared>>) offsets(%arg8 : memref<128xi32, #tpu.memory_space<vmem>>) semaphore(%run_scoped3A : memref<!tpu.dma_semaphore, #tpu.memory_space<semaphore_mem>>) {add = true}
        %dma_wait3A_73 = arith.constant 0 : i32
        %dma_wait3A_74 = arith.constant 0 : i32
        %dma_wait3A_75 = tpu.memref_slice %arg11[%dma_wait3A_73, %dma_wait3A_74] : memref<10240x128xf32, #tpu.memory_space<vmem_shared>> -> memref<10240x128xf32, #tpu.memory_space<vmem_shared>>
        tpu.wait_indirect_dma semaphore(%run_scoped3A : memref<!tpu.dma_semaphore, #tpu.memory_space<semaphore_mem>>) src(%arg10 : memref<128x128xf32, #tpu.memory_space<vmem>>) dst(%dma_wait3A_75 : memref<10240x128xf32, #tpu.memory_space<vmem_shared>>)
        tpu.yield
      }) : () -> ()
      %scan3A_69 = arith.constant 0 : i32
      scf.yield %scan3A_69 : i32
    }
    %scan3A_34 = arith.constant 79 : i32
    %barrier3A_35 = arith.constant 0 : index
    tpu.barrier barrier_id(%barrier3A_35)
    %mul3A_36 = arith.constant 640 : i32
    %mul3A_37 = arith.muli %arg1, %mul3A_36 : i32
    %add3A_38 = arith.constant 0 : i32
    %add3A_39 = arith.addi %mul3A_37, %add3A_38 : i32
    "tpu.region"() ({
      %run_scoped3A = tpu.sem_alloc : memref<!tpu.dma_semaphore, #tpu.memory_space<semaphore_mem>>
      %dma_start3A = arith.constant 0 : i32
      %dma_start3A_56 = tpu.memref_slice %arg6[%arg0, %add3A_39, %dma_start3A] : memref<2x10240x128xf32, #tpu.memory_space<hbm>> -> memref<1x128x128xf32, #tpu.memory_space<hbm>>
      %dma_start3A_57 = tpu.memref_squeeze %dma_start3A_56 : memref<1x128x128xf32, #tpu.memory_space<hbm>> -> memref<128x128xf32, #tpu.memory_space<hbm>>
      %dma_start3A_58 = arith.constant 0 : i32
      %dma_start3A_59 = tpu.memref_slice %arg11[%add3A_39, %dma_start3A_58] : memref<10240x128xf32, #tpu.memory_space<vmem_shared>> -> memref<128x128xf32, #tpu.memory_space<vmem_shared>>
      tpu.enqueue_dma source(%dma_start3A_59 : memref<128x128xf32, #tpu.memory_space<vmem_shared>>) target(%dma_start3A_57 : memref<128x128xf32, #tpu.memory_space<hbm>>) target_semaphore(%run_scoped3A : memref<!tpu.dma_semaphore, #tpu.memory_space<semaphore_mem>>)
      %dma_wait3A = arith.constant 0 : i32
      %dma_wait3A_60 = tpu.memref_slice %arg6[%arg0, %add3A_39, %dma_wait3A] : memref<2x10240x128xf32, #tpu.memory_space<hbm>> -> memref<1x128x128xf32, #tpu.memory_space<hbm>>
      %dma_wait3A_61 = tpu.memref_squeeze %dma_wait3A_60 : memref<1x128x128xf32, #tpu.memory_space<hbm>> -> memref<128x128xf32, #tpu.memory_space<hbm>>
      %dma_wait3A_62 = arith.constant 0 : i32
      %dma_wait3A_63 = tpu.memref_slice %arg11[%add3A_39, %dma_wait3A_62] : memref<10240x128xf32, #tpu.memory_space<vmem_shared>> -> memref<128x128xf32, #tpu.memory_space<vmem_shared>>
      tpu.wait_dma2 semaphore(%run_scoped3A : memref<!tpu.dma_semaphore, #tpu.memory_space<semaphore_mem>>) src(%dma_wait3A_63 : memref<128x128xf32, #tpu.memory_space<vmem_shared>>) dst(%dma_wait3A_61 : memref<128x128xf32, #tpu.memory_space<hbm>>)
      tpu.yield
    }) : () -> ()
    %mul3A_40 = arith.constant 640 : i32
    %mul3A_41 = arith.muli %arg1, %mul3A_40 : i32
    %add3A_42 = arith.constant 128 : i32
    %add3A_43 = arith.addi %mul3A_41, %add3A_42 : i32
    "tpu.region"() ({
      %run_scoped3A = tpu.sem_alloc : memref<!tpu.dma_semaphore, #tpu.memory_space<semaphore_mem>>
      %dma_start3A = arith.constant 0 : i32
      %dma_start3A_56 = tpu.memref_slice %arg6[%arg0, %add3A_43, %dma_start3A] : memref<2x10240x128xf32, #tpu.memory_space<hbm>> -> memref<1x128x128xf32, #tpu.memory_space<hbm>>
      %dma_start3A_57 = tpu.memref_squeeze %dma_start3A_56 : memref<1x128x128xf32, #tpu.memory_space<hbm>> -> memref<128x128xf32, #tpu.memory_space<hbm>>
      %dma_start3A_58 = arith.constant 0 : i32
      %dma_start3A_59 = tpu.memref_slice %arg11[%add3A_43, %dma_start3A_58] : memref<10240x128xf32, #tpu.memory_space<vmem_shared>> -> memref<128x128xf32, #tpu.memory_space<vmem_shared>>
      tpu.enqueue_dma source(%dma_start3A_59 : memref<128x128xf32, #tpu.memory_space<vmem_shared>>) target(%dma_start3A_57 : memref<128x128xf32, #tpu.memory_space<hbm>>) target_semaphore(%run_scoped3A : memref<!tpu.dma_semaphore, #tpu.memory_space<semaphore_mem>>)
      %dma_wait3A = arith.constant 0 : i32
      %dma_wait3A_60 = tpu.memref_slice %arg6[%arg0, %add3A_43, %dma_wait3A] : memref<2x10240x128xf32, #tpu.memory_space<hbm>> -> memref<1x128x128xf32, #tpu.memory_space<hbm>>
      %dma_wait3A_61 = tpu.memref_squeeze %dma_wait3A_60 : memref<1x128x128xf32, #tpu.memory_space<hbm>> -> memref<128x128xf32, #tpu.memory_space<hbm>>
      %dma_wait3A_62 = arith.constant 0 : i32
      %dma_wait3A_63 = tpu.memref_slice %arg11[%add3A_43, %dma_wait3A_62] : memref<10240x128xf32, #tpu.memory_space<vmem_shared>> -> memref<128x128xf32, #tpu.memory_space<vmem_shared>>
      tpu.wait_dma2 semaphore(%run_scoped3A : memref<!tpu.dma_semaphore, #tpu.memory_space<semaphore_mem>>) src(%dma_wait3A_63 : memref<128x128xf32, #tpu.memory_space<vmem_shared>>) dst(%dma_wait3A_61 : memref<128x128xf32, #tpu.memory_space<hbm>>)
      tpu.yield
    }) : () -> ()
    %mul3A_44 = arith.constant 640 : i32
    %mul3A_45 = arith.muli %arg1, %mul3A_44 : i32
    %add3A_46 = arith.constant 256 : i32
    %add3A_47 = arith.addi %mul3A_45, %add3A_46 : i32
    "tpu.region"() ({
      %run_scoped3A = tpu.sem_alloc : memref<!tpu.dma_semaphore, #tpu.memory_space<semaphore_mem>>
      %dma_start3A = arith.constant 0 : i32
      %dma_start3A_56 = tpu.memref_slice %arg6[%arg0, %add3A_47, %dma_start3A] : memref<2x10240x128xf32, #tpu.memory_space<hbm>> -> memref<1x128x128xf32, #tpu.memory_space<hbm>>
      %dma_start3A_57 = tpu.memref_squeeze %dma_start3A_56 : memref<1x128x128xf32, #tpu.memory_space<hbm>> -> memref<128x128xf32, #tpu.memory_space<hbm>>
      %dma_start3A_58 = arith.constant 0 : i32
      %dma_start3A_59 = tpu.memref_slice %arg11[%add3A_47, %dma_start3A_58] : memref<10240x128xf32, #tpu.memory_space<vmem_shared>> -> memref<128x128xf32, #tpu.memory_space<vmem_shared>>
      tpu.enqueue_dma source(%dma_start3A_59 : memref<128x128xf32, #tpu.memory_space<vmem_shared>>) target(%dma_start3A_57 : memref<128x128xf32, #tpu.memory_space<hbm>>) target_semaphore(%run_scoped3A : memref<!tpu.dma_semaphore, #tpu.memory_space<semaphore_mem>>)
      %dma_wait3A = arith.constant 0 : i32
      %dma_wait3A_60 = tpu.memref_slice %arg6[%arg0, %add3A_47, %dma_wait3A] : memref<2x10240x128xf32, #tpu.memory_space<hbm>> -> memref<1x128x128xf32, #tpu.memory_space<hbm>>
      %dma_wait3A_61 = tpu.memref_squeeze %dma_wait3A_60 : memref<1x128x128xf32, #tpu.memory_space<hbm>> -> memref<128x128xf32, #tpu.memory_space<hbm>>
      %dma_wait3A_62 = arith.constant 0 : i32
      %dma_wait3A_63 = tpu.memref_slice %arg11[%add3A_47, %dma_wait3A_62] : memref<10240x128xf32, #tpu.memory_space<vmem_shared>> -> memref<128x128xf32, #tpu.memory_space<vmem_shared>>
      tpu.wait_dma2 semaphore(%run_scoped3A : memref<!tpu.dma_semaphore, #tpu.memory_space<semaphore_mem>>) src(%dma_wait3A_63 : memref<128x128xf32, #tpu.memory_space<vmem_shared>>) dst(%dma_wait3A_61 : memref<128x128xf32, #tpu.memory_space<hbm>>)
      tpu.yield
    }) : () -> ()
    %mul3A_48 = arith.constant 640 : i32
    %mul3A_49 = arith.muli %arg1, %mul3A_48 : i32
    %add3A_50 = arith.constant 384 : i32
    %add3A_51 = arith.addi %mul3A_49, %add3A_50 : i32
    "tpu.region"() ({
      %run_scoped3A = tpu.sem_alloc : memref<!tpu.dma_semaphore, #tpu.memory_space<semaphore_mem>>
      %dma_start3A = arith.constant 0 : i32
      %dma_start3A_56 = tpu.memref_slice %arg6[%arg0, %add3A_51, %dma_start3A] : memref<2x10240x128xf32, #tpu.memory_space<hbm>> -> memref<1x128x128xf32, #tpu.memory_space<hbm>>
      %dma_start3A_57 = tpu.memref_squeeze %dma_start3A_56 : memref<1x128x128xf32, #tpu.memory_space<hbm>> -> memref<128x128xf32, #tpu.memory_space<hbm>>
      %dma_start3A_58 = arith.constant 0 : i32
      %dma_start3A_59 = tpu.memref_slice %arg11[%add3A_51, %dma_start3A_58] : memref<10240x128xf32, #tpu.memory_space<vmem_shared>> -> memref<128x128xf32, #tpu.memory_space<vmem_shared>>
      tpu.enqueue_dma source(%dma_start3A_59 : memref<128x128xf32, #tpu.memory_space<vmem_shared>>) target(%dma_start3A_57 : memref<128x128xf32, #tpu.memory_space<hbm>>) target_semaphore(%run_scoped3A : memref<!tpu.dma_semaphore, #tpu.memory_space<semaphore_mem>>)
      %dma_wait3A = arith.constant 0 : i32
      %dma_wait3A_60 = tpu.memref_slice %arg6[%arg0, %add3A_51, %dma_wait3A] : memref<2x10240x128xf32, #tpu.memory_space<hbm>> -> memref<1x128x128xf32, #tpu.memory_space<hbm>>
      %dma_wait3A_61 = tpu.memref_squeeze %dma_wait3A_60 : memref<1x128x128xf32, #tpu.memory_space<hbm>> -> memref<128x128xf32, #tpu.memory_space<hbm>>
      %dma_wait3A_62 = arith.constant 0 : i32
      %dma_wait3A_63 = tpu.memref_slice %arg11[%add3A_51, %dma_wait3A_62] : memref<10240x128xf32, #tpu.memory_space<vmem_shared>> -> memref<128x128xf32, #tpu.memory_space<vmem_shared>>
      tpu.wait_dma2 semaphore(%run_scoped3A : memref<!tpu.dma_semaphore, #tpu.memory_space<semaphore_mem>>) src(%dma_wait3A_63 : memref<128x128xf32, #tpu.memory_space<vmem_shared>>) dst(%dma_wait3A_61 : memref<128x128xf32, #tpu.memory_space<hbm>>)
      tpu.yield
    }) : () -> ()
    %mul3A_52 = arith.constant 640 : i32
    %mul3A_53 = arith.muli %arg1, %mul3A_52 : i32
    %add3A_54 = arith.constant 512 : i32
    %add3A_55 = arith.addi %mul3A_53, %add3A_54 : i32
    "tpu.region"() ({
      %run_scoped3A = tpu.sem_alloc : memref<!tpu.dma_semaphore, #tpu.memory_space<semaphore_mem>>
      %dma_start3A = arith.constant 0 : i32
      %dma_start3A_56 = tpu.memref_slice %arg6[%arg0, %add3A_55, %dma_start3A] : memref<2x10240x128xf32, #tpu.memory_space<hbm>> -> memref<1x128x128xf32, #tpu.memory_space<hbm>>
      %dma_start3A_57 = tpu.memref_squeeze %dma_start3A_56 : memref<1x128x128xf32, #tpu.memory_space<hbm>> -> memref<128x128xf32, #tpu.memory_space<hbm>>
      %dma_start3A_58 = arith.constant 0 : i32
      %dma_start3A_59 = tpu.memref_slice %arg11[%add3A_55, %dma_start3A_58] : memref<10240x128xf32, #tpu.memory_space<vmem_shared>> -> memref<128x128xf32, #tpu.memory_space<vmem_shared>>
      tpu.enqueue_dma source(%dma_start3A_59 : memref<128x128xf32, #tpu.memory_space<vmem_shared>>) target(%dma_start3A_57 : memref<128x128xf32, #tpu.memory_space<hbm>>) target_semaphore(%run_scoped3A : memref<!tpu.dma_semaphore, #tpu.memory_space<semaphore_mem>>)
      %dma_wait3A = arith.constant 0 : i32
      %dma_wait3A_60 = tpu.memref_slice %arg6[%arg0, %add3A_55, %dma_wait3A] : memref<2x10240x128xf32, #tpu.memory_space<hbm>> -> memref<1x128x128xf32, #tpu.memory_space<hbm>>
      %dma_wait3A_61 = tpu.memref_squeeze %dma_wait3A_60 : memref<1x128x128xf32, #tpu.memory_space<hbm>> -> memref<128x128xf32, #tpu.memory_space<hbm>>
      %dma_wait3A_62 = arith.constant 0 : i32
      %dma_wait3A_63 = tpu.memref_slice %arg11[%add3A_55, %dma_wait3A_62] : memref<10240x128xf32, #tpu.memory_space<vmem_shared>> -> memref<128x128xf32, #tpu.memory_space<vmem_shared>>
      tpu.wait_dma2 semaphore(%run_scoped3A : memref<!tpu.dma_semaphore, #tpu.memory_space<semaphore_mem>>) src(%dma_wait3A_63 : memref<128x128xf32, #tpu.memory_space<vmem_shared>>) dst(%dma_wait3A_61 : memref<128x128xf32, #tpu.memory_space<hbm>>)
      tpu.yield
    }) : () -> ()
    return
  }
}

#map = affine_map<(d0, d1) -> (0, 0, 0)>
#map1 = affine_map<(d0, d1) -> (0)>
#map2 = affine_map<(d0, d1) -> (0, 0)>
module attributes {stable_mosaic.version = 14 : i64} {
  func.func @body(%arg0: i32, %arg1: i32, %arg2: memref<32x79x128xi32, #tpu.memory_space<hbm>>, %arg3: memref<32x79x128xi32, #tpu.memory_space<hbm>>, %arg4: memref<32x79x128xf32, #tpu.memory_space<hbm>>, %arg5: memref<10240xf32, #tpu.memory_space<hbm>>, %arg6: memref<10000x128xf32, #tpu.memory_space<hbm>>, %arg7: memref<2x10240x128xf32, #tpu.memory_space<hbm>>, %arg8: memref<128xi32, #tpu.memory_space<vmem>>, %arg9: memref<128xi32, #tpu.memory_space<vmem>>, %arg10: memref<128xf32, #tpu.memory_space<vmem>>, %arg11: memref<128x128xf32, #tpu.memory_space<vmem>>, %arg12: memref<10240x128xf32, #tpu.memory_space<vmem_shared>>, %arg13: memref<!tpu.dma_semaphore, #tpu.memory_space<semaphore_mem>>, %arg14: memref<10240xf32, #tpu.memory_space<vmem>>) attributes {dimension_semantics = [#tpu.dimension_semantics<core_parallel>, #tpu.dimension_semantics<subcore_parallel>], iteration_bounds = array<i64: 2, 16>, scalar_prefetch = 0 : i64, scratch_operands = 7 : i64, tpu.core_type = #tpu.core_type<sc_vector_subcore>, window_params = [{transform_indices = #map}, {transform_indices = #map}, {transform_indices = #map}, {transform_indices = #map1}, {transform_indices = #map2}, {transform_indices = #map}]} {
    %mul3A = arith.constant 2 : i32
    %mul3A_0 = arith.muli %arg1, %mul3A : i32
    %add3A = arith.addi %mul3A_0, %arg0 : i32
    "tpu.region"() ({
      %run_scoped3A = tpu.sem_alloc : memref<!tpu.dma_semaphore, #tpu.memory_space<semaphore_mem>>
      tpu.enqueue_dma source(%arg5 : memref<10240xf32, #tpu.memory_space<hbm>>) target(%arg14 : memref<10240xf32, #tpu.memory_space<vmem>>) target_semaphore(%run_scoped3A : memref<!tpu.dma_semaphore, #tpu.memory_space<semaphore_mem>>)
      tpu.wait_dma2 semaphore(%run_scoped3A : memref<!tpu.dma_semaphore, #tpu.memory_space<semaphore_mem>>) src(%arg5 : memref<10240xf32, #tpu.memory_space<hbm>>) dst(%arg14 : memref<10240xf32, #tpu.memory_space<vmem>>)
      tpu.yield
    }) : () -> ()
    %broadcast_in_dim3A = arith.constant 0.000000e+00 : f32
    %broadcast_in_dim3A_1 = vector.broadcast %broadcast_in_dim3A : f32 to vector<16xf32>
    %scan3A = arith.constant 0 : i32
    %scan3A_2 = arith.constant 0 : i32
    %scan3A_3 = arith.constant 128 : i32
    %scan3A_4 = arith.addi %scan3A_2, %scan3A_3 : i32
    %scan3A_5 = arith.constant 1 : i32
    %scan3A_6 = scf.for %scan3A_56 = %scan3A_2 to %scan3A_4 step %scan3A_5 iter_args(%scan3A_57 = %scan3A) -> (i32)  : i32 {
      %swap3A = arith.index_cast %scan3A_56 : i32 to index
      %swap3A_58 = arith.constant 0 : index
      %swap3A_59 = tpu.vector_load %arg11[%swap3A, %swap3A_58] {strides = array<i32>} : memref<128x128xf32, #tpu.memory_space<vmem>>, vector<16xf32>,
      tpu.vector_store %arg11[%swap3A, %swap3A_58], %broadcast_in_dim3A_1 {strides = array<i32>} : memref<128x128xf32, #tpu.memory_space<vmem>>, vector<16xf32>,
      %swap3A_60 = arith.index_cast %scan3A_56 : i32 to index
      %swap3A_61 = arith.constant 16 : index
      %swap3A_62 = tpu.vector_load %arg11[%swap3A_60, %swap3A_61] {strides = array<i32>} : memref<128x128xf32, #tpu.memory_space<vmem>>, vector<16xf32>,
      tpu.vector_store %arg11[%swap3A_60, %swap3A_61], %broadcast_in_dim3A_1 {strides = array<i32>} : memref<128x128xf32, #tpu.memory_space<vmem>>, vector<16xf32>,
      %swap3A_63 = arith.index_cast %scan3A_56 : i32 to index
      %swap3A_64 = arith.constant 32 : index
      %swap3A_65 = tpu.vector_load %arg11[%swap3A_63, %swap3A_64] {strides = array<i32>} : memref<128x128xf32, #tpu.memory_space<vmem>>, vector<16xf32>,
      tpu.vector_store %arg11[%swap3A_63, %swap3A_64], %broadcast_in_dim3A_1 {strides = array<i32>} : memref<128x128xf32, #tpu.memory_space<vmem>>, vector<16xf32>,
      %swap3A_66 = arith.index_cast %scan3A_56 : i32 to index
      %swap3A_67 = arith.constant 48 : index
      %swap3A_68 = tpu.vector_load %arg11[%swap3A_66, %swap3A_67] {strides = array<i32>} : memref<128x128xf32, #tpu.memory_space<vmem>>, vector<16xf32>,
      tpu.vector_store %arg11[%swap3A_66, %swap3A_67], %broadcast_in_dim3A_1 {strides = array<i32>} : memref<128x128xf32, #tpu.memory_space<vmem>>, vector<16xf32>,
      %swap3A_69 = arith.index_cast %scan3A_56 : i32 to index
      %swap3A_70 = arith.constant 64 : index
      %swap3A_71 = tpu.vector_load %arg11[%swap3A_69, %swap3A_70] {strides = array<i32>} : memref<128x128xf32, #tpu.memory_space<vmem>>, vector<16xf32>,
      tpu.vector_store %arg11[%swap3A_69, %swap3A_70], %broadcast_in_dim3A_1 {strides = array<i32>} : memref<128x128xf32, #tpu.memory_space<vmem>>, vector<16xf32>,
      %swap3A_72 = arith.index_cast %scan3A_56 : i32 to index
      %swap3A_73 = arith.constant 80 : index
      %swap3A_74 = tpu.vector_load %arg11[%swap3A_72, %swap3A_73] {strides = array<i32>} : memref<128x128xf32, #tpu.memory_space<vmem>>, vector<16xf32>,
      tpu.vector_store %arg11[%swap3A_72, %swap3A_73], %broadcast_in_dim3A_1 {strides = array<i32>} : memref<128x128xf32, #tpu.memory_space<vmem>>, vector<16xf32>,
      %swap3A_75 = arith.index_cast %scan3A_56 : i32 to index
      %swap3A_76 = arith.constant 96 : index
      %swap3A_77 = tpu.vector_load %arg11[%swap3A_75, %swap3A_76] {strides = array<i32>} : memref<128x128xf32, #tpu.memory_space<vmem>>, vector<16xf32>,
      tpu.vector_store %arg11[%swap3A_75, %swap3A_76], %broadcast_in_dim3A_1 {strides = array<i32>} : memref<128x128xf32, #tpu.memory_space<vmem>>, vector<16xf32>,
      %swap3A_78 = arith.index_cast %scan3A_56 : i32 to index
      %swap3A_79 = arith.constant 112 : index
      %swap3A_80 = tpu.vector_load %arg11[%swap3A_78, %swap3A_79] {strides = array<i32>} : memref<128x128xf32, #tpu.memory_space<vmem>>, vector<16xf32>,
      tpu.vector_store %arg11[%swap3A_78, %swap3A_79], %broadcast_in_dim3A_1 {strides = array<i32>} : memref<128x128xf32, #tpu.memory_space<vmem>>, vector<16xf32>,
      %scan3A_81 = arith.constant 0 : i32
      scf.yield %scan3A_81 : i32
    }
    %scan3A_7 = arith.constant 128 : i32
    %mul3A_8 = arith.constant 640 : i32
    %mul3A_9 = arith.muli %arg1, %mul3A_8 : i32
    %add3A_10 = arith.constant 0 : i32
    %add3A_11 = arith.addi %mul3A_9, %add3A_10 : i32
    "tpu.region"() ({
      %run_scoped3A = tpu.sem_alloc : memref<!tpu.dma_semaphore, #tpu.memory_space<semaphore_mem>>
      %dma_start3A = arith.constant 0 : i32
      %dma_start3A_56 = tpu.memref_slice %arg12[%add3A_11, %dma_start3A] : memref<10240x128xf32, #tpu.memory_space<vmem_shared>> -> memref<128x128xf32, #tpu.memory_space<vmem_shared>>
      %dma_start3A_57 = arith.constant 0 : i32
      %dma_start3A_58 = tpu.memref_slice %arg12[%add3A_11, %dma_start3A_57] : memref<10240x128xf32, #tpu.memory_space<vmem_shared>> -> memref<128x128xf32, #tpu.memory_space<vmem_shared>>
      tpu.enqueue_dma source(%arg11 : memref<128x128xf32, #tpu.memory_space<vmem>>) target(%dma_start3A_58 : memref<128x128xf32, #tpu.memory_space<vmem_shared>>) target_semaphore(%run_scoped3A : memref<!tpu.dma_semaphore, #tpu.memory_space<semaphore_mem>>)
      %dma_wait3A = arith.constant 0 : i32
      %dma_wait3A_59 = tpu.memref_slice %arg12[%add3A_11, %dma_wait3A] : memref<10240x128xf32, #tpu.memory_space<vmem_shared>> -> memref<128x128xf32, #tpu.memory_space<vmem_shared>>
      %dma_wait3A_60 = arith.constant 0 : i32
      %dma_wait3A_61 = tpu.memref_slice %arg12[%add3A_11, %dma_wait3A_60] : memref<10240x128xf32, #tpu.memory_space<vmem_shared>> -> memref<128x128xf32, #tpu.memory_space<vmem_shared>>
      tpu.wait_dma2 semaphore(%run_scoped3A : memref<!tpu.dma_semaphore, #tpu.memory_space<semaphore_mem>>) src(%arg11 : memref<128x128xf32, #tpu.memory_space<vmem>>) dst(%dma_wait3A_61 : memref<128x128xf32, #tpu.memory_space<vmem_shared>>)
      tpu.yield
    }) : () -> ()
    %mul3A_12 = arith.constant 640 : i32
    %mul3A_13 = arith.muli %arg1, %mul3A_12 : i32
    %add3A_14 = arith.constant 128 : i32
    %add3A_15 = arith.addi %mul3A_13, %add3A_14 : i32
    "tpu.region"() ({
      %run_scoped3A = tpu.sem_alloc : memref<!tpu.dma_semaphore, #tpu.memory_space<semaphore_mem>>
      %dma_start3A = arith.constant 0 : i32
      %dma_start3A_56 = tpu.memref_slice %arg12[%add3A_15, %dma_start3A] : memref<10240x128xf32, #tpu.memory_space<vmem_shared>> -> memref<128x128xf32, #tpu.memory_space<vmem_shared>>
      %dma_start3A_57 = arith.constant 0 : i32
      %dma_start3A_58 = tpu.memref_slice %arg12[%add3A_15, %dma_start3A_57] : memref<10240x128xf32, #tpu.memory_space<vmem_shared>> -> memref<128x128xf32, #tpu.memory_space<vmem_shared>>
      tpu.enqueue_dma source(%arg11 : memref<128x128xf32, #tpu.memory_space<vmem>>) target(%dma_start3A_58 : memref<128x128xf32, #tpu.memory_space<vmem_shared>>) target_semaphore(%run_scoped3A : memref<!tpu.dma_semaphore, #tpu.memory_space<semaphore_mem>>)
      %dma_wait3A = arith.constant 0 : i32
      %dma_wait3A_59 = tpu.memref_slice %arg12[%add3A_15, %dma_wait3A] : memref<10240x128xf32, #tpu.memory_space<vmem_shared>> -> memref<128x128xf32, #tpu.memory_space<vmem_shared>>
      %dma_wait3A_60 = arith.constant 0 : i32
      %dma_wait3A_61 = tpu.memref_slice %arg12[%add3A_15, %dma_wait3A_60] : memref<10240x128xf32, #tpu.memory_space<vmem_shared>> -> memref<128x128xf32, #tpu.memory_space<vmem_shared>>
      tpu.wait_dma2 semaphore(%run_scoped3A : memref<!tpu.dma_semaphore, #tpu.memory_space<semaphore_mem>>) src(%arg11 : memref<128x128xf32, #tpu.memory_space<vmem>>) dst(%dma_wait3A_61 : memref<128x128xf32, #tpu.memory_space<vmem_shared>>)
      tpu.yield
    }) : () -> ()
    %mul3A_16 = arith.constant 640 : i32
    %mul3A_17 = arith.muli %arg1, %mul3A_16 : i32
    %add3A_18 = arith.constant 256 : i32
    %add3A_19 = arith.addi %mul3A_17, %add3A_18 : i32
    "tpu.region"() ({
      %run_scoped3A = tpu.sem_alloc : memref<!tpu.dma_semaphore, #tpu.memory_space<semaphore_mem>>
      %dma_start3A = arith.constant 0 : i32
      %dma_start3A_56 = tpu.memref_slice %arg12[%add3A_19, %dma_start3A] : memref<10240x128xf32, #tpu.memory_space<vmem_shared>> -> memref<128x128xf32, #tpu.memory_space<vmem_shared>>
      %dma_start3A_57 = arith.constant 0 : i32
      %dma_start3A_58 = tpu.memref_slice %arg12[%add3A_19, %dma_start3A_57] : memref<10240x128xf32, #tpu.memory_space<vmem_shared>> -> memref<128x128xf32, #tpu.memory_space<vmem_shared>>
      tpu.enqueue_dma source(%arg11 : memref<128x128xf32, #tpu.memory_space<vmem>>) target(%dma_start3A_58 : memref<128x128xf32, #tpu.memory_space<vmem_shared>>) target_semaphore(%run_scoped3A : memref<!tpu.dma_semaphore, #tpu.memory_space<semaphore_mem>>)
      %dma_wait3A = arith.constant 0 : i32
      %dma_wait3A_59 = tpu.memref_slice %arg12[%add3A_19, %dma_wait3A] : memref<10240x128xf32, #tpu.memory_space<vmem_shared>> -> memref<128x128xf32, #tpu.memory_space<vmem_shared>>
      %dma_wait3A_60 = arith.constant 0 : i32
      %dma_wait3A_61 = tpu.memref_slice %arg12[%add3A_19, %dma_wait3A_60] : memref<10240x128xf32, #tpu.memory_space<vmem_shared>> -> memref<128x128xf32, #tpu.memory_space<vmem_shared>>
      tpu.wait_dma2 semaphore(%run_scoped3A : memref<!tpu.dma_semaphore, #tpu.memory_space<semaphore_mem>>) src(%arg11 : memref<128x128xf32, #tpu.memory_space<vmem>>) dst(%dma_wait3A_61 : memref<128x128xf32, #tpu.memory_space<vmem_shared>>)
      tpu.yield
    }) : () -> ()
    %mul3A_20 = arith.constant 640 : i32
    %mul3A_21 = arith.muli %arg1, %mul3A_20 : i32
    %add3A_22 = arith.constant 384 : i32
    %add3A_23 = arith.addi %mul3A_21, %add3A_22 : i32
    "tpu.region"() ({
      %run_scoped3A = tpu.sem_alloc : memref<!tpu.dma_semaphore, #tpu.memory_space<semaphore_mem>>
      %dma_start3A = arith.constant 0 : i32
      %dma_start3A_56 = tpu.memref_slice %arg12[%add3A_23, %dma_start3A] : memref<10240x128xf32, #tpu.memory_space<vmem_shared>> -> memref<128x128xf32, #tpu.memory_space<vmem_shared>>
      %dma_start3A_57 = arith.constant 0 : i32
      %dma_start3A_58 = tpu.memref_slice %arg12[%add3A_23, %dma_start3A_57] : memref<10240x128xf32, #tpu.memory_space<vmem_shared>> -> memref<128x128xf32, #tpu.memory_space<vmem_shared>>
      tpu.enqueue_dma source(%arg11 : memref<128x128xf32, #tpu.memory_space<vmem>>) target(%dma_start3A_58 : memref<128x128xf32, #tpu.memory_space<vmem_shared>>) target_semaphore(%run_scoped3A : memref<!tpu.dma_semaphore, #tpu.memory_space<semaphore_mem>>)
      %dma_wait3A = arith.constant 0 : i32
      %dma_wait3A_59 = tpu.memref_slice %arg12[%add3A_23, %dma_wait3A] : memref<10240x128xf32, #tpu.memory_space<vmem_shared>> -> memref<128x128xf32, #tpu.memory_space<vmem_shared>>
      %dma_wait3A_60 = arith.constant 0 : i32
      %dma_wait3A_61 = tpu.memref_slice %arg12[%add3A_23, %dma_wait3A_60] : memref<10240x128xf32, #tpu.memory_space<vmem_shared>> -> memref<128x128xf32, #tpu.memory_space<vmem_shared>>
      tpu.wait_dma2 semaphore(%run_scoped3A : memref<!tpu.dma_semaphore, #tpu.memory_space<semaphore_mem>>) src(%arg11 : memref<128x128xf32, #tpu.memory_space<vmem>>) dst(%dma_wait3A_61 : memref<128x128xf32, #tpu.memory_space<vmem_shared>>)
      tpu.yield
    }) : () -> ()
    %mul3A_24 = arith.constant 640 : i32
    %mul3A_25 = arith.muli %arg1, %mul3A_24 : i32
    %add3A_26 = arith.constant 512 : i32
    %add3A_27 = arith.addi %mul3A_25, %add3A_26 : i32
    "tpu.region"() ({
      %run_scoped3A = tpu.sem_alloc : memref<!tpu.dma_semaphore, #tpu.memory_space<semaphore_mem>>
      %dma_start3A = arith.constant 0 : i32
      %dma_start3A_56 = tpu.memref_slice %arg12[%add3A_27, %dma_start3A] : memref<10240x128xf32, #tpu.memory_space<vmem_shared>> -> memref<128x128xf32, #tpu.memory_space<vmem_shared>>
      %dma_start3A_57 = arith.constant 0 : i32
      %dma_start3A_58 = tpu.memref_slice %arg12[%add3A_27, %dma_start3A_57] : memref<10240x128xf32, #tpu.memory_space<vmem_shared>> -> memref<128x128xf32, #tpu.memory_space<vmem_shared>>
      tpu.enqueue_dma source(%arg11 : memref<128x128xf32, #tpu.memory_space<vmem>>) target(%dma_start3A_58 : memref<128x128xf32, #tpu.memory_space<vmem_shared>>) target_semaphore(%run_scoped3A : memref<!tpu.dma_semaphore, #tpu.memory_space<semaphore_mem>>)
      %dma_wait3A = arith.constant 0 : i32
      %dma_wait3A_59 = tpu.memref_slice %arg12[%add3A_27, %dma_wait3A] : memref<10240x128xf32, #tpu.memory_space<vmem_shared>> -> memref<128x128xf32, #tpu.memory_space<vmem_shared>>
      %dma_wait3A_60 = arith.constant 0 : i32
      %dma_wait3A_61 = tpu.memref_slice %arg12[%add3A_27, %dma_wait3A_60] : memref<10240x128xf32, #tpu.memory_space<vmem_shared>> -> memref<128x128xf32, #tpu.memory_space<vmem_shared>>
      tpu.wait_dma2 semaphore(%run_scoped3A : memref<!tpu.dma_semaphore, #tpu.memory_space<semaphore_mem>>) src(%arg11 : memref<128x128xf32, #tpu.memory_space<vmem>>) dst(%dma_wait3A_61 : memref<128x128xf32, #tpu.memory_space<vmem_shared>>)
      tpu.yield
    }) : () -> ()
    %barrier3A = arith.constant 0 : index
    tpu.barrier barrier_id(%barrier3A)
    %scan3A_28 = arith.constant 0 : i32
    %scan3A_29 = arith.constant 0 : i32
    %scan3A_30 = arith.constant 79 : i32
    %scan3A_31 = arith.addi %scan3A_29, %scan3A_30 : i32
    %scan3A_32 = arith.constant 1 : i32
    %scan3A_33 = scf.for %scan3A_56 = %scan3A_29 to %scan3A_31 step %scan3A_32 iter_args(%scan3A_57 = %scan3A_28) -> (i32)  : i32 {
      "tpu.region"() ({
        %run_scoped3A = tpu.sem_alloc : memref<!tpu.dma_semaphore, #tpu.memory_space<semaphore_mem>>
        %dma_start3A_163 = arith.constant 0 : i32
        %dma_start3A_164 = tpu.memref_slice %arg2[%add3A, %scan3A_56, %dma_start3A_163] : memref<32x79x128xi32, #tpu.memory_space<hbm>> -> memref<1x1x128xi32, #tpu.memory_space<hbm>>
        %dma_start3A_165 = tpu.memref_squeeze %dma_start3A_164 : memref<1x1x128xi32, #tpu.memory_space<hbm>> -> memref<128xi32, #tpu.memory_space<hbm>>
        %dma_start3A_166 = arith.constant 0 : i32
        %dma_start3A_167 = tpu.memref_slice %arg2[%add3A, %scan3A_56, %dma_start3A_166] : memref<32x79x128xi32, #tpu.memory_space<hbm>> -> memref<1x1x128xi32, #tpu.memory_space<hbm>>
        %dma_start3A_168 = tpu.memref_squeeze %dma_start3A_167 : memref<1x1x128xi32, #tpu.memory_space<hbm>> -> memref<128xi32, #tpu.memory_space<hbm>>
        tpu.enqueue_dma source(%dma_start3A_168 : memref<128xi32, #tpu.memory_space<hbm>>) target(%arg8 : memref<128xi32, #tpu.memory_space<vmem>>) target_semaphore(%run_scoped3A : memref<!tpu.dma_semaphore, #tpu.memory_space<semaphore_mem>>)
        %dma_wait3A_169 = arith.constant 0 : i32
        %dma_wait3A_170 = tpu.memref_slice %arg2[%add3A, %scan3A_56, %dma_wait3A_169] : memref<32x79x128xi32, #tpu.memory_space<hbm>> -> memref<1x1x128xi32, #tpu.memory_space<hbm>>
        %dma_wait3A_171 = tpu.memref_squeeze %dma_wait3A_170 : memref<1x1x128xi32, #tpu.memory_space<hbm>> -> memref<128xi32, #tpu.memory_space<hbm>>
        %dma_wait3A_172 = arith.constant 0 : i32
        %dma_wait3A_173 = tpu.memref_slice %arg2[%add3A, %scan3A_56, %dma_wait3A_172] : memref<32x79x128xi32, #tpu.memory_space<hbm>> -> memref<1x1x128xi32, #tpu.memory_space<hbm>>
        %dma_wait3A_174 = tpu.memref_squeeze %dma_wait3A_173 : memref<1x1x128xi32, #tpu.memory_space<hbm>> -> memref<128xi32, #tpu.memory_space<hbm>>
        tpu.wait_dma2 semaphore(%run_scoped3A : memref<!tpu.dma_semaphore, #tpu.memory_space<semaphore_mem>>) src(%dma_wait3A_174 : memref<128xi32, #tpu.memory_space<hbm>>) dst(%arg8 : memref<128xi32, #tpu.memory_space<vmem>>)
        tpu.yield
      }) : () -> ()
      "tpu.region"() ({
        %run_scoped3A = tpu.sem_alloc : memref<!tpu.dma_semaphore, #tpu.memory_space<semaphore_mem>>
        %dma_start3A_163 = arith.constant 0 : i32
        %dma_start3A_164 = tpu.memref_slice %arg3[%add3A, %scan3A_56, %dma_start3A_163] : memref<32x79x128xi32, #tpu.memory_space<hbm>> -> memref<1x1x128xi32, #tpu.memory_space<hbm>>
        %dma_start3A_165 = tpu.memref_squeeze %dma_start3A_164 : memref<1x1x128xi32, #tpu.memory_space<hbm>> -> memref<128xi32, #tpu.memory_space<hbm>>
        %dma_start3A_166 = arith.constant 0 : i32
        %dma_start3A_167 = tpu.memref_slice %arg3[%add3A, %scan3A_56, %dma_start3A_166] : memref<32x79x128xi32, #tpu.memory_space<hbm>> -> memref<1x1x128xi32, #tpu.memory_space<hbm>>
        %dma_start3A_168 = tpu.memref_squeeze %dma_start3A_167 : memref<1x1x128xi32, #tpu.memory_space<hbm>> -> memref<128xi32, #tpu.memory_space<hbm>>
        tpu.enqueue_dma source(%dma_start3A_168 : memref<128xi32, #tpu.memory_space<hbm>>) target(%arg9 : memref<128xi32, #tpu.memory_space<vmem>>) target_semaphore(%run_scoped3A : memref<!tpu.dma_semaphore, #tpu.memory_space<semaphore_mem>>)
        %dma_wait3A_169 = arith.constant 0 : i32
        %dma_wait3A_170 = tpu.memref_slice %arg3[%add3A, %scan3A_56, %dma_wait3A_169] : memref<32x79x128xi32, #tpu.memory_space<hbm>> -> memref<1x1x128xi32, #tpu.memory_space<hbm>>
        %dma_wait3A_171 = tpu.memref_squeeze %dma_wait3A_170 : memref<1x1x128xi32, #tpu.memory_space<hbm>> -> memref<128xi32, #tpu.memory_space<hbm>>
        %dma_wait3A_172 = arith.constant 0 : i32
        %dma_wait3A_173 = tpu.memref_slice %arg3[%add3A, %scan3A_56, %dma_wait3A_172] : memref<32x79x128xi32, #tpu.memory_space<hbm>> -> memref<1x1x128xi32, #tpu.memory_space<hbm>>
        %dma_wait3A_174 = tpu.memref_squeeze %dma_wait3A_173 : memref<1x1x128xi32, #tpu.memory_space<hbm>> -> memref<128xi32, #tpu.memory_space<hbm>>
        tpu.wait_dma2 semaphore(%run_scoped3A : memref<!tpu.dma_semaphore, #tpu.memory_space<semaphore_mem>>) src(%dma_wait3A_174 : memref<128xi32, #tpu.memory_space<hbm>>) dst(%arg9 : memref<128xi32, #tpu.memory_space<vmem>>)
        tpu.yield
      }) : () -> ()
      "tpu.region"() ({
        %run_scoped3A = tpu.sem_alloc : memref<!tpu.dma_semaphore, #tpu.memory_space<semaphore_mem>>
        %dma_start3A_163 = arith.constant 0 : i32
        %dma_start3A_164 = tpu.memref_slice %arg4[%add3A, %scan3A_56, %dma_start3A_163] : memref<32x79x128xf32, #tpu.memory_space<hbm>> -> memref<1x1x128xf32, #tpu.memory_space<hbm>>
        %dma_start3A_165 = tpu.memref_squeeze %dma_start3A_164 : memref<1x1x128xf32, #tpu.memory_space<hbm>> -> memref<128xf32, #tpu.memory_space<hbm>>
        %dma_start3A_166 = arith.constant 0 : i32
        %dma_start3A_167 = tpu.memref_slice %arg4[%add3A, %scan3A_56, %dma_start3A_166] : memref<32x79x128xf32, #tpu.memory_space<hbm>> -> memref<1x1x128xf32, #tpu.memory_space<hbm>>
        %dma_start3A_168 = tpu.memref_squeeze %dma_start3A_167 : memref<1x1x128xf32, #tpu.memory_space<hbm>> -> memref<128xf32, #tpu.memory_space<hbm>>
        tpu.enqueue_dma source(%dma_start3A_168 : memref<128xf32, #tpu.memory_space<hbm>>) target(%arg10 : memref<128xf32, #tpu.memory_space<vmem>>) target_semaphore(%run_scoped3A : memref<!tpu.dma_semaphore, #tpu.memory_space<semaphore_mem>>)
        %dma_wait3A_169 = arith.constant 0 : i32
        %dma_wait3A_170 = tpu.memref_slice %arg4[%add3A, %scan3A_56, %dma_wait3A_169] : memref<32x79x128xf32, #tpu.memory_space<hbm>> -> memref<1x1x128xf32, #tpu.memory_space<hbm>>
        %dma_wait3A_171 = tpu.memref_squeeze %dma_wait3A_170 : memref<1x1x128xf32, #tpu.memory_space<hbm>> -> memref<128xf32, #tpu.memory_space<hbm>>
        %dma_wait3A_172 = arith.constant 0 : i32
        %dma_wait3A_173 = tpu.memref_slice %arg4[%add3A, %scan3A_56, %dma_wait3A_172] : memref<32x79x128xf32, #tpu.memory_space<hbm>> -> memref<1x1x128xf32, #tpu.memory_space<hbm>>
        %dma_wait3A_174 = tpu.memref_squeeze %dma_wait3A_173 : memref<1x1x128xf32, #tpu.memory_space<hbm>> -> memref<128xf32, #tpu.memory_space<hbm>>
        tpu.wait_dma2 semaphore(%run_scoped3A : memref<!tpu.dma_semaphore, #tpu.memory_space<semaphore_mem>>) src(%dma_wait3A_174 : memref<128xf32, #tpu.memory_space<hbm>>) dst(%arg10 : memref<128xf32, #tpu.memory_space<vmem>>)
        tpu.yield
      }) : () -> ()
      %get3A = arith.constant 0 : index
      %get3A_58 = tpu.vector_load %arg8[%get3A] {strides = array<i32>} : memref<128xi32, #tpu.memory_space<vmem>>, vector<16xi32>,
      %gather3A = tpu.vector_load_idx %arg14[%get3A_58] : memref<10240xf32, #tpu.memory_space<vmem>>[vector<16xi32>], vector<16xf32>,
      %get3A_59 = arith.constant 0 : index
      %get3A_60 = tpu.vector_load %arg9[%get3A_59] {strides = array<i32>} : memref<128xi32, #tpu.memory_space<vmem>>, vector<16xi32>,
      %gather3A_61 = tpu.vector_load_idx %arg14[%get3A_60] : memref<10240xf32, #tpu.memory_space<vmem>>[vector<16xi32>], vector<16xf32>,
      %get3A_62 = arith.constant 0 : index
      %get3A_63 = tpu.vector_load %arg10[%get3A_62] {strides = array<i32>} : memref<128xf32, #tpu.memory_space<vmem>>, vector<16xf32>,
      %mul3A_64 = arith.mulf %get3A_63, %gather3A : vector<16xf32>
      %mul3A_65 = arith.mulf %mul3A_64, %gather3A_61 : vector<16xf32>
      %swap3A = arith.constant 0 : index
      %swap3A_66 = tpu.vector_load %arg10[%swap3A] {strides = array<i32>} : memref<128xf32, #tpu.memory_space<vmem>>, vector<16xf32>,
      tpu.vector_store %arg10[%swap3A], %mul3A_65 {strides = array<i32>} : memref<128xf32, #tpu.memory_space<vmem>>, vector<16xf32>,
      %get3A_67 = arith.constant 16 : index
      %get3A_68 = tpu.vector_load %arg8[%get3A_67] {strides = array<i32>} : memref<128xi32, #tpu.memory_space<vmem>>, vector<16xi32>,
      %gather3A_69 = tpu.vector_load_idx %arg14[%get3A_68] : memref<10240xf32, #tpu.memory_space<vmem>>[vector<16xi32>], vector<16xf32>,
      %get3A_70 = arith.constant 16 : index
      %get3A_71 = tpu.vector_load %arg9[%get3A_70] {strides = array<i32>} : memref<128xi32, #tpu.memory_space<vmem>>, vector<16xi32>,
      %gather3A_72 = tpu.vector_load_idx %arg14[%get3A_71] : memref<10240xf32, #tpu.memory_space<vmem>>[vector<16xi32>], vector<16xf32>,
      %get3A_73 = arith.constant 16 : index
      %get3A_74 = tpu.vector_load %arg10[%get3A_73] {strides = array<i32>} : memref<128xf32, #tpu.memory_space<vmem>>, vector<16xf32>,
      %mul3A_75 = arith.mulf %get3A_74, %gather3A_69 : vector<16xf32>
      %mul3A_76 = arith.mulf %mul3A_75, %gather3A_72 : vector<16xf32>
      %swap3A_77 = arith.constant 16 : index
      %swap3A_78 = tpu.vector_load %arg10[%swap3A_77] {strides = array<i32>} : memref<128xf32, #tpu.memory_space<vmem>>, vector<16xf32>,
      tpu.vector_store %arg10[%swap3A_77], %mul3A_76 {strides = array<i32>} : memref<128xf32, #tpu.memory_space<vmem>>, vector<16xf32>,
      %get3A_79 = arith.constant 32 : index
      %get3A_80 = tpu.vector_load %arg8[%get3A_79] {strides = array<i32>} : memref<128xi32, #tpu.memory_space<vmem>>, vector<16xi32>,
      %gather3A_81 = tpu.vector_load_idx %arg14[%get3A_80] : memref<10240xf32, #tpu.memory_space<vmem>>[vector<16xi32>], vector<16xf32>,
      %get3A_82 = arith.constant 32 : index
      %get3A_83 = tpu.vector_load %arg9[%get3A_82] {strides = array<i32>} : memref<128xi32, #tpu.memory_space<vmem>>, vector<16xi32>,
      %gather3A_84 = tpu.vector_load_idx %arg14[%get3A_83] : memref<10240xf32, #tpu.memory_space<vmem>>[vector<16xi32>], vector<16xf32>,
      %get3A_85 = arith.constant 32 : index
      %get3A_86 = tpu.vector_load %arg10[%get3A_85] {strides = array<i32>} : memref<128xf32, #tpu.memory_space<vmem>>, vector<16xf32>,
      %mul3A_87 = arith.mulf %get3A_86, %gather3A_81 : vector<16xf32>
      %mul3A_88 = arith.mulf %mul3A_87, %gather3A_84 : vector<16xf32>
      %swap3A_89 = arith.constant 32 : index
      %swap3A_90 = tpu.vector_load %arg10[%swap3A_89] {strides = array<i32>} : memref<128xf32, #tpu.memory_space<vmem>>, vector<16xf32>,
      tpu.vector_store %arg10[%swap3A_89], %mul3A_88 {strides = array<i32>} : memref<128xf32, #tpu.memory_space<vmem>>, vector<16xf32>,
      %get3A_91 = arith.constant 48 : index
      %get3A_92 = tpu.vector_load %arg8[%get3A_91] {strides = array<i32>} : memref<128xi32, #tpu.memory_space<vmem>>, vector<16xi32>,
      %gather3A_93 = tpu.vector_load_idx %arg14[%get3A_92] : memref<10240xf32, #tpu.memory_space<vmem>>[vector<16xi32>], vector<16xf32>,
      %get3A_94 = arith.constant 48 : index
      %get3A_95 = tpu.vector_load %arg9[%get3A_94] {strides = array<i32>} : memref<128xi32, #tpu.memory_space<vmem>>, vector<16xi32>,
      %gather3A_96 = tpu.vector_load_idx %arg14[%get3A_95] : memref<10240xf32, #tpu.memory_space<vmem>>[vector<16xi32>], vector<16xf32>,
      %get3A_97 = arith.constant 48 : index
      %get3A_98 = tpu.vector_load %arg10[%get3A_97] {strides = array<i32>} : memref<128xf32, #tpu.memory_space<vmem>>, vector<16xf32>,
      %mul3A_99 = arith.mulf %get3A_98, %gather3A_93 : vector<16xf32>
      %mul3A_100 = arith.mulf %mul3A_99, %gather3A_96 : vector<16xf32>
      %swap3A_101 = arith.constant 48 : index
      %swap3A_102 = tpu.vector_load %arg10[%swap3A_101] {strides = array<i32>} : memref<128xf32, #tpu.memory_space<vmem>>, vector<16xf32>,
      tpu.vector_store %arg10[%swap3A_101], %mul3A_100 {strides = array<i32>} : memref<128xf32, #tpu.memory_space<vmem>>, vector<16xf32>,
      %get3A_103 = arith.constant 64 : index
      %get3A_104 = tpu.vector_load %arg8[%get3A_103] {strides = array<i32>} : memref<128xi32, #tpu.memory_space<vmem>>, vector<16xi32>,
      %gather3A_105 = tpu.vector_load_idx %arg14[%get3A_104] : memref<10240xf32, #tpu.memory_space<vmem>>[vector<16xi32>], vector<16xf32>,
      %get3A_106 = arith.constant 64 : index
      %get3A_107 = tpu.vector_load %arg9[%get3A_106] {strides = array<i32>} : memref<128xi32, #tpu.memory_space<vmem>>, vector<16xi32>,
      %gather3A_108 = tpu.vector_load_idx %arg14[%get3A_107] : memref<10240xf32, #tpu.memory_space<vmem>>[vector<16xi32>], vector<16xf32>,
      %get3A_109 = arith.constant 64 : index
      %get3A_110 = tpu.vector_load %arg10[%get3A_109] {strides = array<i32>} : memref<128xf32, #tpu.memory_space<vmem>>, vector<16xf32>,
      %mul3A_111 = arith.mulf %get3A_110, %gather3A_105 : vector<16xf32>
      %mul3A_112 = arith.mulf %mul3A_111, %gather3A_108 : vector<16xf32>
      %swap3A_113 = arith.constant 64 : index
      %swap3A_114 = tpu.vector_load %arg10[%swap3A_113] {strides = array<i32>} : memref<128xf32, #tpu.memory_space<vmem>>, vector<16xf32>,
      tpu.vector_store %arg10[%swap3A_113], %mul3A_112 {strides = array<i32>} : memref<128xf32, #tpu.memory_space<vmem>>, vector<16xf32>,
      %get3A_115 = arith.constant 80 : index
      %get3A_116 = tpu.vector_load %arg8[%get3A_115] {strides = array<i32>} : memref<128xi32, #tpu.memory_space<vmem>>, vector<16xi32>,
      %gather3A_117 = tpu.vector_load_idx %arg14[%get3A_116] : memref<10240xf32, #tpu.memory_space<vmem>>[vector<16xi32>], vector<16xf32>,
      %get3A_118 = arith.constant 80 : index
      %get3A_119 = tpu.vector_load %arg9[%get3A_118] {strides = array<i32>} : memref<128xi32, #tpu.memory_space<vmem>>, vector<16xi32>,
      %gather3A_120 = tpu.vector_load_idx %arg14[%get3A_119] : memref<10240xf32, #tpu.memory_space<vmem>>[vector<16xi32>], vector<16xf32>,
      %get3A_121 = arith.constant 80 : index
      %get3A_122 = tpu.vector_load %arg10[%get3A_121] {strides = array<i32>} : memref<128xf32, #tpu.memory_space<vmem>>, vector<16xf32>,
      %mul3A_123 = arith.mulf %get3A_122, %gather3A_117 : vector<16xf32>
      %mul3A_124 = arith.mulf %mul3A_123, %gather3A_120 : vector<16xf32>
      %swap3A_125 = arith.constant 80 : index
      %swap3A_126 = tpu.vector_load %arg10[%swap3A_125] {strides = array<i32>} : memref<128xf32, #tpu.memory_space<vmem>>, vector<16xf32>,
      tpu.vector_store %arg10[%swap3A_125], %mul3A_124 {strides = array<i32>} : memref<128xf32, #tpu.memory_space<vmem>>, vector<16xf32>,
      %get3A_127 = arith.constant 96 : index
      %get3A_128 = tpu.vector_load %arg8[%get3A_127] {strides = array<i32>} : memref<128xi32, #tpu.memory_space<vmem>>, vector<16xi32>,
      %gather3A_129 = tpu.vector_load_idx %arg14[%get3A_128] : memref<10240xf32, #tpu.memory_space<vmem>>[vector<16xi32>], vector<16xf32>,
      %get3A_130 = arith.constant 96 : index
      %get3A_131 = tpu.vector_load %arg9[%get3A_130] {strides = array<i32>} : memref<128xi32, #tpu.memory_space<vmem>>, vector<16xi32>,
      %gather3A_132 = tpu.vector_load_idx %arg14[%get3A_131] : memref<10240xf32, #tpu.memory_space<vmem>>[vector<16xi32>], vector<16xf32>,
      %get3A_133 = arith.constant 96 : index
      %get3A_134 = tpu.vector_load %arg10[%get3A_133] {strides = array<i32>} : memref<128xf32, #tpu.memory_space<vmem>>, vector<16xf32>,
      %mul3A_135 = arith.mulf %get3A_134, %gather3A_129 : vector<16xf32>
      %mul3A_136 = arith.mulf %mul3A_135, %gather3A_132 : vector<16xf32>
      %swap3A_137 = arith.constant 96 : index
      %swap3A_138 = tpu.vector_load %arg10[%swap3A_137] {strides = array<i32>} : memref<128xf32, #tpu.memory_space<vmem>>, vector<16xf32>,
      tpu.vector_store %arg10[%swap3A_137], %mul3A_136 {strides = array<i32>} : memref<128xf32, #tpu.memory_space<vmem>>, vector<16xf32>,
      %get3A_139 = arith.constant 112 : index
      %get3A_140 = tpu.vector_load %arg8[%get3A_139] {strides = array<i32>} : memref<128xi32, #tpu.memory_space<vmem>>, vector<16xi32>,
      %gather3A_141 = tpu.vector_load_idx %arg14[%get3A_140] : memref<10240xf32, #tpu.memory_space<vmem>>[vector<16xi32>], vector<16xf32>,
      %get3A_142 = arith.constant 112 : index
      %get3A_143 = tpu.vector_load %arg9[%get3A_142] {strides = array<i32>} : memref<128xi32, #tpu.memory_space<vmem>>, vector<16xi32>,
      %gather3A_144 = tpu.vector_load_idx %arg14[%get3A_143] : memref<10240xf32, #tpu.memory_space<vmem>>[vector<16xi32>], vector<16xf32>,
      %get3A_145 = arith.constant 112 : index
      %get3A_146 = tpu.vector_load %arg10[%get3A_145] {strides = array<i32>} : memref<128xf32, #tpu.memory_space<vmem>>, vector<16xf32>,
      %mul3A_147 = arith.mulf %get3A_146, %gather3A_141 : vector<16xf32>
      %mul3A_148 = arith.mulf %mul3A_147, %gather3A_144 : vector<16xf32>
      %swap3A_149 = arith.constant 112 : index
      %swap3A_150 = tpu.vector_load %arg10[%swap3A_149] {strides = array<i32>} : memref<128xf32, #tpu.memory_space<vmem>>, vector<16xf32>,
      tpu.vector_store %arg10[%swap3A_149], %mul3A_148 {strides = array<i32>} : memref<128xf32, #tpu.memory_space<vmem>>, vector<16xf32>,
      %dma_start3A = arith.constant 0 : i32
      %dma_start3A_151 = arith.constant 0 : i32
      %dma_start3A_152 = tpu.memref_slice %arg6[%dma_start3A, %dma_start3A_151] : memref<10000x128xf32, #tpu.memory_space<hbm>> -> memref<10000x128xf32, #tpu.memory_space<hbm>>
      tpu.enqueue_indirect_dma source(%dma_start3A_152 : memref<10000x128xf32, #tpu.memory_space<hbm>>) target(%arg11 : memref<128x128xf32, #tpu.memory_space<vmem>>) offsets(%arg8 : memref<128xi32, #tpu.memory_space<vmem>>) semaphore(%arg13 : memref<!tpu.dma_semaphore, #tpu.memory_space<semaphore_mem>>)
      %dma_wait3A = arith.constant 0 : i32
      %dma_wait3A_153 = arith.constant 0 : i32
      %dma_wait3A_154 = tpu.memref_slice %arg6[%dma_wait3A, %dma_wait3A_153] : memref<10000x128xf32, #tpu.memory_space<hbm>> -> memref<10000x128xf32, #tpu.memory_space<hbm>>
      tpu.wait_indirect_dma semaphore(%arg13 : memref<!tpu.dma_semaphore, #tpu.memory_space<semaphore_mem>>) src(%dma_wait3A_154 : memref<10000x128xf32, #tpu.memory_space<hbm>>) dst(%arg11 : memref<128x128xf32, #tpu.memory_space<vmem>>)
      %scan3A_155 = arith.constant 0 : i32
      %scan3A_156 = arith.constant 0 : i32
      %scan3A_157 = arith.constant 128 : i32
      %scan3A_158 = arith.addi %scan3A_156, %scan3A_157 : i32
      %scan3A_159 = arith.constant 1 : i32
      %scan3A_160 = scf.for %scan3A_163 = %scan3A_156 to %scan3A_158 step %scan3A_159 iter_args(%scan3A_164 = %scan3A_155) -> (i32)  : i32 {
        %broadcast_in_dim3A_165 = vector.broadcast %scan3A_163 : i32 to vector<16xi32>
        %gather3A_166 = tpu.vector_load_idx %arg10[%broadcast_in_dim3A_165] : memref<128xf32, #tpu.memory_space<vmem>>[vector<16xi32>], vector<16xf32>,
        %get3A_167 = arith.index_cast %scan3A_163 : i32 to index
        %get3A_168 = arith.constant 0 : index
        %get3A_169 = tpu.vector_load %arg11[%get3A_167, %get3A_168] {strides = array<i32>} : memref<128x128xf32, #tpu.memory_space<vmem>>, vector<16xf32>,
        %mul3A_170 = arith.mulf %get3A_169, %gather3A_166 : vector<16xf32>
        %swap3A_171 = arith.index_cast %scan3A_163 : i32 to index
        %swap3A_172 = arith.constant 0 : index
        %swap3A_173 = tpu.vector_load %arg11[%swap3A_171, %swap3A_172] {strides = array<i32>} : memref<128x128xf32, #tpu.memory_space<vmem>>, vector<16xf32>,
        tpu.vector_store %arg11[%swap3A_171, %swap3A_172], %mul3A_170 {strides = array<i32>} : memref<128x128xf32, #tpu.memory_space<vmem>>, vector<16xf32>,
        %get3A_174 = arith.index_cast %scan3A_163 : i32 to index
        %get3A_175 = arith.constant 16 : index
        %get3A_176 = tpu.vector_load %arg11[%get3A_174, %get3A_175] {strides = array<i32>} : memref<128x128xf32, #tpu.memory_space<vmem>>, vector<16xf32>,
        %mul3A_177 = arith.mulf %get3A_176, %gather3A_166 : vector<16xf32>
        %swap3A_178 = arith.index_cast %scan3A_163 : i32 to index
        %swap3A_179 = arith.constant 16 : index
        %swap3A_180 = tpu.vector_load %arg11[%swap3A_178, %swap3A_179] {strides = array<i32>} : memref<128x128xf32, #tpu.memory_space<vmem>>, vector<16xf32>,
        tpu.vector_store %arg11[%swap3A_178, %swap3A_179], %mul3A_177 {strides = array<i32>} : memref<128x128xf32, #tpu.memory_space<vmem>>, vector<16xf32>,
        %get3A_181 = arith.index_cast %scan3A_163 : i32 to index
        %get3A_182 = arith.constant 32 : index
        %get3A_183 = tpu.vector_load %arg11[%get3A_181, %get3A_182] {strides = array<i32>} : memref<128x128xf32, #tpu.memory_space<vmem>>, vector<16xf32>,
        %mul3A_184 = arith.mulf %get3A_183, %gather3A_166 : vector<16xf32>
        %swap3A_185 = arith.index_cast %scan3A_163 : i32 to index
        %swap3A_186 = arith.constant 32 : index
        %swap3A_187 = tpu.vector_load %arg11[%swap3A_185, %swap3A_186] {strides = array<i32>} : memref<128x128xf32, #tpu.memory_space<vmem>>, vector<16xf32>,
        tpu.vector_store %arg11[%swap3A_185, %swap3A_186], %mul3A_184 {strides = array<i32>} : memref<128x128xf32, #tpu.memory_space<vmem>>, vector<16xf32>,
        %get3A_188 = arith.index_cast %scan3A_163 : i32 to index
        %get3A_189 = arith.constant 48 : index
        %get3A_190 = tpu.vector_load %arg11[%get3A_188, %get3A_189] {strides = array<i32>} : memref<128x128xf32, #tpu.memory_space<vmem>>, vector<16xf32>,
        %mul3A_191 = arith.mulf %get3A_190, %gather3A_166 : vector<16xf32>
        %swap3A_192 = arith.index_cast %scan3A_163 : i32 to index
        %swap3A_193 = arith.constant 48 : index
        %swap3A_194 = tpu.vector_load %arg11[%swap3A_192, %swap3A_193] {strides = array<i32>} : memref<128x128xf32, #tpu.memory_space<vmem>>, vector<16xf32>,
        tpu.vector_store %arg11[%swap3A_192, %swap3A_193], %mul3A_191 {strides = array<i32>} : memref<128x128xf32, #tpu.memory_space<vmem>>, vector<16xf32>,
        %get3A_195 = arith.index_cast %scan3A_163 : i32 to index
        %get3A_196 = arith.constant 64 : index
        %get3A_197 = tpu.vector_load %arg11[%get3A_195, %get3A_196] {strides = array<i32>} : memref<128x128xf32, #tpu.memory_space<vmem>>, vector<16xf32>,
        %mul3A_198 = arith.mulf %get3A_197, %gather3A_166 : vector<16xf32>
        %swap3A_199 = arith.index_cast %scan3A_163 : i32 to index
        %swap3A_200 = arith.constant 64 : index
        %swap3A_201 = tpu.vector_load %arg11[%swap3A_199, %swap3A_200] {strides = array<i32>} : memref<128x128xf32, #tpu.memory_space<vmem>>, vector<16xf32>,
        tpu.vector_store %arg11[%swap3A_199, %swap3A_200], %mul3A_198 {strides = array<i32>} : memref<128x128xf32, #tpu.memory_space<vmem>>, vector<16xf32>,
        %get3A_202 = arith.index_cast %scan3A_163 : i32 to index
        %get3A_203 = arith.constant 80 : index
        %get3A_204 = tpu.vector_load %arg11[%get3A_202, %get3A_203] {strides = array<i32>} : memref<128x128xf32, #tpu.memory_space<vmem>>, vector<16xf32>,
        %mul3A_205 = arith.mulf %get3A_204, %gather3A_166 : vector<16xf32>
        %swap3A_206 = arith.index_cast %scan3A_163 : i32 to index
        %swap3A_207 = arith.constant 80 : index
        %swap3A_208 = tpu.vector_load %arg11[%swap3A_206, %swap3A_207] {strides = array<i32>} : memref<128x128xf32, #tpu.memory_space<vmem>>, vector<16xf32>,
        tpu.vector_store %arg11[%swap3A_206, %swap3A_207], %mul3A_205 {strides = array<i32>} : memref<128x128xf32, #tpu.memory_space<vmem>>, vector<16xf32>,
        %get3A_209 = arith.index_cast %scan3A_163 : i32 to index
        %get3A_210 = arith.constant 96 : index
        %get3A_211 = tpu.vector_load %arg11[%get3A_209, %get3A_210] {strides = array<i32>} : memref<128x128xf32, #tpu.memory_space<vmem>>, vector<16xf32>,
        %mul3A_212 = arith.mulf %get3A_211, %gather3A_166 : vector<16xf32>
        %swap3A_213 = arith.index_cast %scan3A_163 : i32 to index
        %swap3A_214 = arith.constant 96 : index
        %swap3A_215 = tpu.vector_load %arg11[%swap3A_213, %swap3A_214] {strides = array<i32>} : memref<128x128xf32, #tpu.memory_space<vmem>>, vector<16xf32>,
        tpu.vector_store %arg11[%swap3A_213, %swap3A_214], %mul3A_212 {strides = array<i32>} : memref<128x128xf32, #tpu.memory_space<vmem>>, vector<16xf32>,
        %get3A_216 = arith.index_cast %scan3A_163 : i32 to index
        %get3A_217 = arith.constant 112 : index
        %get3A_218 = tpu.vector_load %arg11[%get3A_216, %get3A_217] {strides = array<i32>} : memref<128x128xf32, #tpu.memory_space<vmem>>, vector<16xf32>,
        %mul3A_219 = arith.mulf %get3A_218, %gather3A_166 : vector<16xf32>
        %swap3A_220 = arith.index_cast %scan3A_163 : i32 to index
        %swap3A_221 = arith.constant 112 : index
        %swap3A_222 = tpu.vector_load %arg11[%swap3A_220, %swap3A_221] {strides = array<i32>} : memref<128x128xf32, #tpu.memory_space<vmem>>, vector<16xf32>,
        tpu.vector_store %arg11[%swap3A_220, %swap3A_221], %mul3A_219 {strides = array<i32>} : memref<128x128xf32, #tpu.memory_space<vmem>>, vector<16xf32>,
        %scan3A_223 = arith.constant 0 : i32
        scf.yield %scan3A_223 : i32
      }
      %scan3A_161 = arith.constant 128 : i32
      "tpu.region"() ({
        %run_scoped3A = tpu.sem_alloc : memref<!tpu.dma_semaphore, #tpu.memory_space<semaphore_mem>>
        %dma_start3A_163 = arith.constant 0 : i32
        %dma_start3A_164 = arith.constant 0 : i32
        %dma_start3A_165 = tpu.memref_slice %arg12[%dma_start3A_163, %dma_start3A_164] : memref<10240x128xf32, #tpu.memory_space<vmem_shared>> -> memref<10240x128xf32, #tpu.memory_space<vmem_shared>>
        tpu.enqueue_indirect_dma source(%arg11 : memref<128x128xf32, #tpu.memory_space<vmem>>) target(%dma_start3A_165 : memref<10240x128xf32, #tpu.memory_space<vmem_shared>>) offsets(%arg9 : memref<128xi32, #tpu.memory_space<vmem>>) semaphore(%run_scoped3A : memref<!tpu.dma_semaphore, #tpu.memory_space<semaphore_mem>>) {add = true}
        %dma_wait3A_166 = arith.constant 0 : i32
        %dma_wait3A_167 = arith.constant 0 : i32
        %dma_wait3A_168 = tpu.memref_slice %arg12[%dma_wait3A_166, %dma_wait3A_167] : memref<10240x128xf32, #tpu.memory_space<vmem_shared>> -> memref<10240x128xf32, #tpu.memory_space<vmem_shared>>
        tpu.wait_indirect_dma semaphore(%run_scoped3A : memref<!tpu.dma_semaphore, #tpu.memory_space<semaphore_mem>>) src(%arg11 : memref<128x128xf32, #tpu.memory_space<vmem>>) dst(%dma_wait3A_168 : memref<10240x128xf32, #tpu.memory_space<vmem_shared>>)
        tpu.yield
      }) : () -> ()
      %scan3A_162 = arith.constant 0 : i32
      scf.yield %scan3A_162 : i32
    }
    %scan3A_34 = arith.constant 79 : i32
    %barrier3A_35 = arith.constant 0 : index
    tpu.barrier barrier_id(%barrier3A_35)
    %mul3A_36 = arith.constant 640 : i32
    %mul3A_37 = arith.muli %arg1, %mul3A_36 : i32
    %add3A_38 = arith.constant 0 : i32
    %add3A_39 = arith.addi %mul3A_37, %add3A_38 : i32
    "tpu.region"() ({
      %run_scoped3A = tpu.sem_alloc : memref<!tpu.dma_semaphore, #tpu.memory_space<semaphore_mem>>
      %dma_start3A = arith.constant 0 : i32
      %dma_start3A_56 = tpu.memref_slice %arg7[%arg0, %add3A_39, %dma_start3A] : memref<2x10240x128xf32, #tpu.memory_space<hbm>> -> memref<1x128x128xf32, #tpu.memory_space<hbm>>
      %dma_start3A_57 = tpu.memref_squeeze %dma_start3A_56 : memref<1x128x128xf32, #tpu.memory_space<hbm>> -> memref<128x128xf32, #tpu.memory_space<hbm>>
      %dma_start3A_58 = arith.constant 0 : i32
      %dma_start3A_59 = tpu.memref_slice %arg12[%add3A_39, %dma_start3A_58] : memref<10240x128xf32, #tpu.memory_space<vmem_shared>> -> memref<128x128xf32, #tpu.memory_space<vmem_shared>>
      tpu.enqueue_dma source(%dma_start3A_59 : memref<128x128xf32, #tpu.memory_space<vmem_shared>>) target(%dma_start3A_57 : memref<128x128xf32, #tpu.memory_space<hbm>>) target_semaphore(%run_scoped3A : memref<!tpu.dma_semaphore, #tpu.memory_space<semaphore_mem>>)
      %dma_wait3A = arith.constant 0 : i32
      %dma_wait3A_60 = tpu.memref_slice %arg7[%arg0, %add3A_39, %dma_wait3A] : memref<2x10240x128xf32, #tpu.memory_space<hbm>> -> memref<1x128x128xf32, #tpu.memory_space<hbm>>
      %dma_wait3A_61 = tpu.memref_squeeze %dma_wait3A_60 : memref<1x128x128xf32, #tpu.memory_space<hbm>> -> memref<128x128xf32, #tpu.memory_space<hbm>>
      %dma_wait3A_62 = arith.constant 0 : i32
      %dma_wait3A_63 = tpu.memref_slice %arg12[%add3A_39, %dma_wait3A_62] : memref<10240x128xf32, #tpu.memory_space<vmem_shared>> -> memref<128x128xf32, #tpu.memory_space<vmem_shared>>
      tpu.wait_dma2 semaphore(%run_scoped3A : memref<!tpu.dma_semaphore, #tpu.memory_space<semaphore_mem>>) src(%dma_wait3A_63 : memref<128x128xf32, #tpu.memory_space<vmem_shared>>) dst(%dma_wait3A_61 : memref<128x128xf32, #tpu.memory_space<hbm>>)
      tpu.yield
    }) : () -> ()
    %mul3A_40 = arith.constant 640 : i32
    %mul3A_41 = arith.muli %arg1, %mul3A_40 : i32
    %add3A_42 = arith.constant 128 : i32
    %add3A_43 = arith.addi %mul3A_41, %add3A_42 : i32
    "tpu.region"() ({
      %run_scoped3A = tpu.sem_alloc : memref<!tpu.dma_semaphore, #tpu.memory_space<semaphore_mem>>
      %dma_start3A = arith.constant 0 : i32
      %dma_start3A_56 = tpu.memref_slice %arg7[%arg0, %add3A_43, %dma_start3A] : memref<2x10240x128xf32, #tpu.memory_space<hbm>> -> memref<1x128x128xf32, #tpu.memory_space<hbm>>
      %dma_start3A_57 = tpu.memref_squeeze %dma_start3A_56 : memref<1x128x128xf32, #tpu.memory_space<hbm>> -> memref<128x128xf32, #tpu.memory_space<hbm>>
      %dma_start3A_58 = arith.constant 0 : i32
      %dma_start3A_59 = tpu.memref_slice %arg12[%add3A_43, %dma_start3A_58] : memref<10240x128xf32, #tpu.memory_space<vmem_shared>> -> memref<128x128xf32, #tpu.memory_space<vmem_shared>>
      tpu.enqueue_dma source(%dma_start3A_59 : memref<128x128xf32, #tpu.memory_space<vmem_shared>>) target(%dma_start3A_57 : memref<128x128xf32, #tpu.memory_space<hbm>>) target_semaphore(%run_scoped3A : memref<!tpu.dma_semaphore, #tpu.memory_space<semaphore_mem>>)
      %dma_wait3A = arith.constant 0 : i32
      %dma_wait3A_60 = tpu.memref_slice %arg7[%arg0, %add3A_43, %dma_wait3A] : memref<2x10240x128xf32, #tpu.memory_space<hbm>> -> memref<1x128x128xf32, #tpu.memory_space<hbm>>
      %dma_wait3A_61 = tpu.memref_squeeze %dma_wait3A_60 : memref<1x128x128xf32, #tpu.memory_space<hbm>> -> memref<128x128xf32, #tpu.memory_space<hbm>>
      %dma_wait3A_62 = arith.constant 0 : i32
      %dma_wait3A_63 = tpu.memref_slice %arg12[%add3A_43, %dma_wait3A_62] : memref<10240x128xf32, #tpu.memory_space<vmem_shared>> -> memref<128x128xf32, #tpu.memory_space<vmem_shared>>
      tpu.wait_dma2 semaphore(%run_scoped3A : memref<!tpu.dma_semaphore, #tpu.memory_space<semaphore_mem>>) src(%dma_wait3A_63 : memref<128x128xf32, #tpu.memory_space<vmem_shared>>) dst(%dma_wait3A_61 : memref<128x128xf32, #tpu.memory_space<hbm>>)
      tpu.yield
    }) : () -> ()
    %mul3A_44 = arith.constant 640 : i32
    %mul3A_45 = arith.muli %arg1, %mul3A_44 : i32
    %add3A_46 = arith.constant 256 : i32
    %add3A_47 = arith.addi %mul3A_45, %add3A_46 : i32
    "tpu.region"() ({
      %run_scoped3A = tpu.sem_alloc : memref<!tpu.dma_semaphore, #tpu.memory_space<semaphore_mem>>
      %dma_start3A = arith.constant 0 : i32
      %dma_start3A_56 = tpu.memref_slice %arg7[%arg0, %add3A_47, %dma_start3A] : memref<2x10240x128xf32, #tpu.memory_space<hbm>> -> memref<1x128x128xf32, #tpu.memory_space<hbm>>
      %dma_start3A_57 = tpu.memref_squeeze %dma_start3A_56 : memref<1x128x128xf32, #tpu.memory_space<hbm>> -> memref<128x128xf32, #tpu.memory_space<hbm>>
      %dma_start3A_58 = arith.constant 0 : i32
      %dma_start3A_59 = tpu.memref_slice %arg12[%add3A_47, %dma_start3A_58] : memref<10240x128xf32, #tpu.memory_space<vmem_shared>> -> memref<128x128xf32, #tpu.memory_space<vmem_shared>>
      tpu.enqueue_dma source(%dma_start3A_59 : memref<128x128xf32, #tpu.memory_space<vmem_shared>>) target(%dma_start3A_57 : memref<128x128xf32, #tpu.memory_space<hbm>>) target_semaphore(%run_scoped3A : memref<!tpu.dma_semaphore, #tpu.memory_space<semaphore_mem>>)
      %dma_wait3A = arith.constant 0 : i32
      %dma_wait3A_60 = tpu.memref_slice %arg7[%arg0, %add3A_47, %dma_wait3A] : memref<2x10240x128xf32, #tpu.memory_space<hbm>> -> memref<1x128x128xf32, #tpu.memory_space<hbm>>
      %dma_wait3A_61 = tpu.memref_squeeze %dma_wait3A_60 : memref<1x128x128xf32, #tpu.memory_space<hbm>> -> memref<128x128xf32, #tpu.memory_space<hbm>>
      %dma_wait3A_62 = arith.constant 0 : i32
      %dma_wait3A_63 = tpu.memref_slice %arg12[%add3A_47, %dma_wait3A_62] : memref<10240x128xf32, #tpu.memory_space<vmem_shared>> -> memref<128x128xf32, #tpu.memory_space<vmem_shared>>
      tpu.wait_dma2 semaphore(%run_scoped3A : memref<!tpu.dma_semaphore, #tpu.memory_space<semaphore_mem>>) src(%dma_wait3A_63 : memref<128x128xf32, #tpu.memory_space<vmem_shared>>) dst(%dma_wait3A_61 : memref<128x128xf32, #tpu.memory_space<hbm>>)
      tpu.yield
    }) : () -> ()
    %mul3A_48 = arith.constant 640 : i32
    %mul3A_49 = arith.muli %arg1, %mul3A_48 : i32
    %add3A_50 = arith.constant 384 : i32
    %add3A_51 = arith.addi %mul3A_49, %add3A_50 : i32
    "tpu.region"() ({
      %run_scoped3A = tpu.sem_alloc : memref<!tpu.dma_semaphore, #tpu.memory_space<semaphore_mem>>
      %dma_start3A = arith.constant 0 : i32
      %dma_start3A_56 = tpu.memref_slice %arg7[%arg0, %add3A_51, %dma_start3A] : memref<2x10240x128xf32, #tpu.memory_space<hbm>> -> memref<1x128x128xf32, #tpu.memory_space<hbm>>
      %dma_start3A_57 = tpu.memref_squeeze %dma_start3A_56 : memref<1x128x128xf32, #tpu.memory_space<hbm>> -> memref<128x128xf32, #tpu.memory_space<hbm>>
      %dma_start3A_58 = arith.constant 0 : i32
      %dma_start3A_59 = tpu.memref_slice %arg12[%add3A_51, %dma_start3A_58] : memref<10240x128xf32, #tpu.memory_space<vmem_shared>> -> memref<128x128xf32, #tpu.memory_space<vmem_shared>>
      tpu.enqueue_dma source(%dma_start3A_59 : memref<128x128xf32, #tpu.memory_space<vmem_shared>>) target(%dma_start3A_57 : memref<128x128xf32, #tpu.memory_space<hbm>>) target_semaphore(%run_scoped3A : memref<!tpu.dma_semaphore, #tpu.memory_space<semaphore_mem>>)
      %dma_wait3A = arith.constant 0 : i32
      %dma_wait3A_60 = tpu.memref_slice %arg7[%arg0, %add3A_51, %dma_wait3A] : memref<2x10240x128xf32, #tpu.memory_space<hbm>> -> memref<1x128x128xf32, #tpu.memory_space<hbm>>
      %dma_wait3A_61 = tpu.memref_squeeze %dma_wait3A_60 : memref<1x128x128xf32, #tpu.memory_space<hbm>> -> memref<128x128xf32, #tpu.memory_space<hbm>>
      %dma_wait3A_62 = arith.constant 0 : i32
      %dma_wait3A_63 = tpu.memref_slice %arg12[%add3A_51, %dma_wait3A_62] : memref<10240x128xf32, #tpu.memory_space<vmem_shared>> -> memref<128x128xf32, #tpu.memory_space<vmem_shared>>
      tpu.wait_dma2 semaphore(%run_scoped3A : memref<!tpu.dma_semaphore, #tpu.memory_space<semaphore_mem>>) src(%dma_wait3A_63 : memref<128x128xf32, #tpu.memory_space<vmem_shared>>) dst(%dma_wait3A_61 : memref<128x128xf32, #tpu.memory_space<hbm>>)
      tpu.yield
    }) : () -> ()
    %mul3A_52 = arith.constant 640 : i32
    %mul3A_53 = arith.muli %arg1, %mul3A_52 : i32
    %add3A_54 = arith.constant 512 : i32
    %add3A_55 = arith.addi %mul3A_53, %add3A_54 : i32
    "tpu.region"() ({
      %run_scoped3A = tpu.sem_alloc : memref<!tpu.dma_semaphore, #tpu.memory_space<semaphore_mem>>
      %dma_start3A = arith.constant 0 : i32
      %dma_start3A_56 = tpu.memref_slice %arg7[%arg0, %add3A_55, %dma_start3A] : memref<2x10240x128xf32, #tpu.memory_space<hbm>> -> memref<1x128x128xf32, #tpu.memory_space<hbm>>
      %dma_start3A_57 = tpu.memref_squeeze %dma_start3A_56 : memref<1x128x128xf32, #tpu.memory_space<hbm>> -> memref<128x128xf32, #tpu.memory_space<hbm>>
      %dma_start3A_58 = arith.constant 0 : i32
      %dma_start3A_59 = tpu.memref_slice %arg12[%add3A_55, %dma_start3A_58] : memref<10240x128xf32, #tpu.memory_space<vmem_shared>> -> memref<128x128xf32, #tpu.memory_space<vmem_shared>>
      tpu.enqueue_dma source(%dma_start3A_59 : memref<128x128xf32, #tpu.memory_space<vmem_shared>>) target(%dma_start3A_57 : memref<128x128xf32, #tpu.memory_space<hbm>>) target_semaphore(%run_scoped3A : memref<!tpu.dma_semaphore, #tpu.memory_space<semaphore_mem>>)
      %dma_wait3A = arith.constant 0 : i32
      %dma_wait3A_60 = tpu.memref_slice %arg7[%arg0, %add3A_55, %dma_wait3A] : memref<2x10240x128xf32, #tpu.memory_space<hbm>> -> memref<1x128x128xf32, #tpu.memory_space<hbm>>
      %dma_wait3A_61 = tpu.memref_squeeze %dma_wait3A_60 : memref<1x128x128xf32, #tpu.memory_space<hbm>> -> memref<128x128xf32, #tpu.memory_space<hbm>>
      %dma_wait3A_62 = arith.constant 0 : i32
      %dma_wait3A_63 = tpu.memref_slice %arg12[%add3A_55, %dma_wait3A_62] : memref<10240x128xf32, #tpu.memory_space<vmem_shared>> -> memref<128x128xf32, #tpu.memory_space<vmem_shared>>
      tpu.wait_dma2 semaphore(%run_scoped3A : memref<!tpu.dma_semaphore, #tpu.memory_space<semaphore_mem>>) src(%dma_wait3A_63 : memref<128x128xf32, #tpu.memory_space<vmem_shared>>) dst(%dma_wait3A_61 : memref<128x128xf32, #tpu.memory_space<hbm>>)
      tpu.yield
    }) : () -> ()
    return
  }
}

module attributes {stable_mosaic.version = 14 : i64} {
  func.func @_bn0_mm_body(%arg0: memref<10000x128xf32, #tpu.memory_space<vmem>>, %arg1: memref<128xf32, #tpu.memory_space<vmem>>, %arg2: memref<128xf32, #tpu.memory_space<vmem>>, %arg3: memref<128x128xf32, #tpu.memory_space<vmem>>, %arg4: memref<10000x128xf32, #tpu.memory_space<vmem>>) attributes {dimension_semantics = [], scalar_prefetch = 0 : i64, scratch_operands = 0 : i64, tpu.core_type = #tpu.core_type<tc>} {
    %get3A = arith.constant 0 : index
    %get3A_0 = arith.constant 0 : index
    %get3A_1 = vector.load %arg0[%get3A, %get3A_0] : memref<10000x128xf32, #tpu.memory_space<vmem>>, vector<10000x128xf32>
    %get3A_2 = arith.constant 0 : index
    %get3A_3 = vector.load %arg1[%get3A_2] : memref<128xf32, #tpu.memory_space<vmem>>, vector<128xf32>
    %get3A_4 = arith.constant 0 : index
    %get3A_5 = vector.load %arg2[%get3A_4] : memref<128xf32, #tpu.memory_space<vmem>>, vector<128xf32>
    %reduce_sum3A = arith.constant dense<0.000000e+00> : vector<128xf32>
    %reduce_sum3A_6 = vector.multi_reduction <add>, %get3A_1, %reduce_sum3A [0] : vector<10000x128xf32> to vector<128xf32>
    %div3A = arith.constant 1.000000e+04 : f32
    %div3A_7 = vector.broadcast %div3A : f32 to vector<128xf32>
    %div3A_8 = arith.divf %reduce_sum3A_6, %div3A_7 : vector<128xf32>
    %mul3A = arith.mulf %get3A_1, %get3A_1 : vector<10000x128xf32>
    %reduce_sum3A_9 = arith.constant dense<0.000000e+00> : vector<128xf32>
    %reduce_sum3A_10 = vector.multi_reduction <add>, %mul3A, %reduce_sum3A_9 [0] : vector<10000x128xf32> to vector<128xf32>
    %div3A_11 = arith.constant 1.000000e+04 : f32
    %div3A_12 = vector.broadcast %div3A_11 : f32 to vector<128xf32>
    %div3A_13 = arith.divf %reduce_sum3A_10, %div3A_12 : vector<128xf32>
    %mul3A_14 = arith.mulf %div3A_8, %div3A_8 : vector<128xf32>
    %sub3A = arith.subf %div3A_13, %mul3A_14 : vector<128xf32>
    %broadcast_in_dim3A = vector.shape_cast %div3A_8 : vector<128xf32> to vector<1x128xf32>
    %sub3A_15 = vector.broadcast %broadcast_in_dim3A : vector<1x128xf32> to vector<10000x128xf32>
    %sub3A_16 = arith.subf %get3A_1, %sub3A_15 : vector<10000x128xf32>
    %add3A = arith.constant 9.99999974E-6 : f32
    %add3A_17 = vector.broadcast %add3A : f32 to vector<128xf32>
    %add3A_18 = arith.addf %sub3A, %add3A_17 : vector<128xf32>
    %rsqrt3A = math.rsqrt %add3A_18 : vector<128xf32>
    %broadcast_in_dim3A_19 = vector.shape_cast %rsqrt3A : vector<128xf32> to vector<1x128xf32>
    %mul3A_20 = vector.broadcast %broadcast_in_dim3A_19 : vector<1x128xf32> to vector<10000x128xf32>
    %mul3A_21 = arith.mulf %sub3A_16, %mul3A_20 : vector<10000x128xf32>
    %broadcast_in_dim3A_22 = vector.shape_cast %get3A_3 : vector<128xf32> to vector<1x128xf32>
    %mul3A_23 = vector.broadcast %broadcast_in_dim3A_22 : vector<1x128xf32> to vector<10000x128xf32>
    %mul3A_24 = arith.mulf %mul3A_21, %mul3A_23 : vector<10000x128xf32>
    %broadcast_in_dim3A_25 = vector.shape_cast %get3A_5 : vector<128xf32> to vector<1x128xf32>
    %add3A_26 = vector.broadcast %broadcast_in_dim3A_25 : vector<1x128xf32> to vector<10000x128xf32>
    %add3A_27 = arith.addf %mul3A_24, %add3A_26 : vector<10000x128xf32>
    %get3A_28 = arith.constant 0 : index
    %get3A_29 = arith.constant 0 : index
    %get3A_30 = vector.load %arg3[%get3A_28, %get3A_29] : memref<128x128xf32, #tpu.memory_space<vmem>>, vector<128x128xf32>
    %dot_general3A = arith.constant dense<0.000000e+00> : vector<10000x128xf32>
    %dot_general3A_31 = tpu.matmul %add3A_27, %get3A_30, %dot_general3A {dimension_numbers = #tpu.dot_dimension_numbers<[1], [0], [0], [1], [0, 0, 1, 1], [], []>, transpose_lhs_hint = false} : vector<10000x128xf32>, vector<128x128xf32>, vector<10000x128xf32> -> vector<10000x128xf32>
    %swap3A = arith.constant 0 : index
    %swap3A_32 = arith.constant 0 : index
    %swap3A_33 = vector.load %arg4[%swap3A, %swap3A_32] : memref<10000x128xf32, #tpu.memory_space<vmem>>, vector<10000x128xf32>
    tpu.vector_store %arg4[%swap3A, %swap3A_32], %dot_general3A_31 {strides = array<i32>} : memref<10000x128xf32, #tpu.memory_space<vmem>>, vector<10000x128xf32>,
    return
  }
}

module attributes {stable_mosaic.version = 14 : i64} {
  func.func @_dis_body(%arg0: memref<2x10240xf32, #tpu.memory_space<vmem>>, %arg1: memref<10240xf32, #tpu.memory_space<vmem>>) attributes {dimension_semantics = [], scalar_prefetch = 0 : i64, scratch_operands = 0 : i64, tpu.core_type = #tpu.core_type<tc>} {
    %get3A = arith.constant 0 : index
    %get3A_0 = arith.constant 0 : index
    %get3A_1 = vector.load %arg0[%get3A, %get3A_0] : memref<2x10240xf32, #tpu.memory_space<vmem>>, vector<1x10240xf32>
    %get3A_2 = vector.shape_cast %get3A_1 : vector<1x10240xf32> to vector<10240xf32>
    %get3A_3 = arith.constant 1 : index
    %get3A_4 = arith.constant 0 : index
    %get3A_5 = vector.load %arg0[%get3A_3, %get3A_4] : memref<2x10240xf32, #tpu.memory_space<vmem>>, vector<1x10240xf32>
    %get3A_6 = vector.shape_cast %get3A_5 : vector<1x10240xf32> to vector<10240xf32>
    %add3A = arith.addf %get3A_2, %get3A_6 : vector<10240xf32>
    %add3A_7 = arith.constant 1.000000e+00 : f32
    %add3A_8 = vector.broadcast %add3A_7 : f32 to vector<10240xf32>
    %add3A_9 = arith.addf %add3A, %add3A_8 : vector<10240xf32>
    %max3A = arith.constant 9.99999996E-13 : f32
    %max3A_10 = vector.broadcast %max3A : f32 to vector<10240xf32>
    %max3A_11 = arith.maximumf %add3A_9, %max3A_10 : vector<10240xf32>
    %rsqrt3A = math.rsqrt %max3A_11 : vector<10240xf32>
    %swap3A = arith.constant 0 : index
    %swap3A_12 = vector.load %arg1[%swap3A] : memref<10240xf32, #tpu.memory_space<vmem>>, vector<10240xf32>
    tpu.vector_store %arg1[%swap3A], %rsqrt3A {strides = array<i32>} : memref<10240xf32, #tpu.memory_space<vmem>>, vector<10240xf32>,
    return
  }
}

module attributes {stable_mosaic.version = 14 : i64} {
  func.func @_layer1_body(%arg0: memref<10000x128xf32, #tpu.memory_space<vmem>>, %arg1: memref<10000x128xf32, #tpu.memory_space<vmem>>, %arg2: memref<10000x128xf32, #tpu.memory_space<vmem>>, %arg3: memref<10000x1xf32, #tpu.memory_space<vmem>>, %arg4: memref<128xf32, #tpu.memory_space<vmem>>, %arg5: memref<128xf32, #tpu.memory_space<vmem>>, %arg6: memref<128xf32, #tpu.memory_space<vmem>>, %arg7: memref<128x128xf32, #tpu.memory_space<vmem>>, %arg8: memref<128xf32, #tpu.memory_space<vmem>>, %arg9: memref<128x128xf32, #tpu.memory_space<vmem>>, %arg10: memref<10000x128xf32, #tpu.memory_space<vmem>>, %arg11: memref<10000x128xf32, #tpu.memory_space<vmem>>) attributes {dimension_semantics = [], scalar_prefetch = 0 : i64, scratch_operands = 0 : i64, tpu.core_type = #tpu.core_type<tc>} {
    %get3A = arith.constant 0 : index
    %get3A_0 = arith.constant 0 : index
    %get3A_1 = vector.load %arg3[%get3A, %get3A_0] : memref<10000x1xf32, #tpu.memory_space<vmem>>, vector<10000x1xf32>
    %get3A_2 = arith.constant 0 : index
    %get3A_3 = arith.constant 0 : index
    %get3A_4 = vector.load %arg0[%get3A_2, %get3A_3] : memref<10000x128xf32, #tpu.memory_space<vmem>>, vector<10000x128xf32>
    %get3A_5 = arith.constant 0 : index
    %get3A_6 = arith.constant 0 : index
    %get3A_7 = vector.load %arg1[%get3A_5, %get3A_6] : memref<10000x128xf32, #tpu.memory_space<vmem>>, vector<10000x128xf32>
    %add3A = arith.addf %get3A_4, %get3A_7 : vector<10000x128xf32>
    %get3A_8 = arith.constant 0 : index
    %get3A_9 = arith.constant 0 : index
    %get3A_10 = vector.load %arg2[%get3A_8, %get3A_9] : memref<10000x128xf32, #tpu.memory_space<vmem>>, vector<10000x128xf32>
    %mul3A = arith.mulf %get3A_1, %get3A_1 : vector<10000x1xf32>
    %mul3A_11 = vector.broadcast %mul3A : vector<10000x1xf32> to vector<10000x128xf32>
    %mul3A_12 = arith.mulf %get3A_10, %mul3A_11 : vector<10000x128xf32>
    %add3A_13 = arith.addf %add3A, %mul3A_12 : vector<10000x128xf32>
    %get3A_14 = arith.constant 0 : index
    %get3A_15 = vector.load %arg4[%get3A_14] : memref<128xf32, #tpu.memory_space<vmem>>, vector<128xf32>
    %broadcast_in_dim3A = vector.shape_cast %get3A_15 : vector<128xf32> to vector<1x128xf32>
    %add3A_16 = vector.broadcast %broadcast_in_dim3A : vector<1x128xf32> to vector<10000x128xf32>
    %add3A_17 = arith.addf %add3A_13, %add3A_16 : vector<10000x128xf32>
    %max3A = arith.constant 0.000000e+00 : f32
    %max3A_18 = vector.broadcast %max3A : f32 to vector<10000x128xf32>
    %max3A_19 = arith.maximumf %add3A_17, %max3A_18 : vector<10000x128xf32>
    %get3A_20 = arith.constant 0 : index
    %get3A_21 = vector.load %arg5[%get3A_20] : memref<128xf32, #tpu.memory_space<vmem>>, vector<128xf32>
    %get3A_22 = arith.constant 0 : index
    %get3A_23 = vector.load %arg6[%get3A_22] : memref<128xf32, #tpu.memory_space<vmem>>, vector<128xf32>
    %reduce_sum3A = arith.constant dense<0.000000e+00> : vector<128xf32>
    %reduce_sum3A_24 = vector.multi_reduction <add>, %max3A_19, %reduce_sum3A [0] : vector<10000x128xf32> to vector<128xf32>
    %div3A = arith.constant 1.000000e+04 : f32
    %div3A_25 = vector.broadcast %div3A : f32 to vector<128xf32>
    %div3A_26 = arith.divf %reduce_sum3A_24, %div3A_25 : vector<128xf32>
    %mul3A_27 = arith.mulf %max3A_19, %max3A_19 : vector<10000x128xf32>
    %reduce_sum3A_28 = arith.constant dense<0.000000e+00> : vector<128xf32>
    %reduce_sum3A_29 = vector.multi_reduction <add>, %mul3A_27, %reduce_sum3A_28 [0] : vector<10000x128xf32> to vector<128xf32>
    %div3A_30 = arith.constant 1.000000e+04 : f32
    %div3A_31 = vector.broadcast %div3A_30 : f32 to vector<128xf32>
    %div3A_32 = arith.divf %reduce_sum3A_29, %div3A_31 : vector<128xf32>
    %mul3A_33 = arith.mulf %div3A_26, %div3A_26 : vector<128xf32>
    %sub3A = arith.subf %div3A_32, %mul3A_33 : vector<128xf32>
    %broadcast_in_dim3A_34 = vector.shape_cast %div3A_26 : vector<128xf32> to vector<1x128xf32>
    %sub3A_35 = vector.broadcast %broadcast_in_dim3A_34 : vector<1x128xf32> to vector<10000x128xf32>
    %sub3A_36 = arith.subf %max3A_19, %sub3A_35 : vector<10000x128xf32>
    %add3A_37 = arith.constant 9.99999974E-6 : f32
    %add3A_38 = vector.broadcast %add3A_37 : f32 to vector<128xf32>
    %add3A_39 = arith.addf %sub3A, %add3A_38 : vector<128xf32>
    %rsqrt3A = math.rsqrt %add3A_39 : vector<128xf32>
    %broadcast_in_dim3A_40 = vector.shape_cast %rsqrt3A : vector<128xf32> to vector<1x128xf32>
    %mul3A_41 = vector.broadcast %broadcast_in_dim3A_40 : vector<1x128xf32> to vector<10000x128xf32>
    %mul3A_42 = arith.mulf %sub3A_36, %mul3A_41 : vector<10000x128xf32>
    %broadcast_in_dim3A_43 = vector.shape_cast %get3A_21 : vector<128xf32> to vector<1x128xf32>
    %mul3A_44 = vector.broadcast %broadcast_in_dim3A_43 : vector<1x128xf32> to vector<10000x128xf32>
    %mul3A_45 = arith.mulf %mul3A_42, %mul3A_44 : vector<10000x128xf32>
    %broadcast_in_dim3A_46 = vector.shape_cast %get3A_23 : vector<128xf32> to vector<1x128xf32>
    %add3A_47 = vector.broadcast %broadcast_in_dim3A_46 : vector<1x128xf32> to vector<10000x128xf32>
    %add3A_48 = arith.addf %mul3A_45, %add3A_47 : vector<10000x128xf32>
    %get3A_49 = arith.constant 0 : index
    %get3A_50 = arith.constant 0 : index
    %get3A_51 = vector.load %arg7[%get3A_49, %get3A_50] : memref<128x128xf32, #tpu.memory_space<vmem>>, vector<128x128xf32>
    %dot_general3A = arith.constant dense<0.000000e+00> : vector<10000x128xf32>
    %dot_general3A_52 = tpu.matmul %add3A_48, %get3A_51, %dot_general3A {dimension_numbers = #tpu.dot_dimension_numbers<[1], [0], [0], [1], [0, 0, 1, 1], [], []>, transpose_lhs_hint = false} : vector<10000x128xf32>, vector<128x128xf32>, vector<10000x128xf32> -> vector<10000x128xf32>
    %swap3A = arith.constant 0 : index
    %swap3A_53 = arith.constant 0 : index
    %swap3A_54 = vector.load %arg10[%swap3A, %swap3A_53] : memref<10000x128xf32, #tpu.memory_space<vmem>>, vector<10000x128xf32>
    tpu.vector_store %arg10[%swap3A, %swap3A_53], %dot_general3A_52 {strides = array<i32>} : memref<10000x128xf32, #tpu.memory_space<vmem>>, vector<10000x128xf32>,
    %get3A_55 = arith.constant 0 : index
    %get3A_56 = arith.constant 0 : index
    %get3A_57 = vector.load %arg9[%get3A_55, %get3A_56] : memref<128x128xf32, #tpu.memory_space<vmem>>, vector<128x128xf32>
    %dot_general3A_58 = arith.constant dense<0.000000e+00> : vector<10000x128xf32>
    %dot_general3A_59 = tpu.matmul %add3A_48, %get3A_57, %dot_general3A_58 {dimension_numbers = #tpu.dot_dimension_numbers<[1], [0], [0], [1], [0, 0, 1, 1], [], []>, transpose_lhs_hint = false} : vector<10000x128xf32>, vector<128x128xf32>, vector<10000x128xf32> -> vector<10000x128xf32>
    %get3A_60 = arith.constant 0 : index
    %get3A_61 = vector.load %arg8[%get3A_60] : memref<128xf32, #tpu.memory_space<vmem>>, vector<128xf32>
    %broadcast_in_dim3A_62 = vector.shape_cast %get3A_61 : vector<128xf32> to vector<1x128xf32>
    %add3A_63 = vector.broadcast %broadcast_in_dim3A_62 : vector<1x128xf32> to vector<10000x128xf32>
    %add3A_64 = arith.addf %dot_general3A_59, %add3A_63 : vector<10000x128xf32>
    %swap3A_65 = arith.constant 0 : index
    %swap3A_66 = arith.constant 0 : index
    %swap3A_67 = vector.load %arg11[%swap3A_65, %swap3A_66] : memref<10000x128xf32, #tpu.memory_space<vmem>>, vector<10000x128xf32>
    tpu.vector_store %arg11[%swap3A_65, %swap3A_66], %add3A_64 {strides = array<i32>} : memref<10000x128xf32, #tpu.memory_space<vmem>>, vector<10000x128xf32>,
    return
  }
}

module attributes {stable_mosaic.version = 14 : i64} {
  func.func @_layer2_body(%arg0: memref<10000x128xf32, #tpu.memory_space<vmem>>, %arg1: memref<10000x128xf32, #tpu.memory_space<vmem>>, %arg2: memref<10000x128xf32, #tpu.memory_space<vmem>>, %arg3: memref<128xf32, #tpu.memory_space<vmem>>, %arg4: memref<128xf32, #tpu.memory_space<vmem>>, %arg5: memref<128x128xf32, #tpu.memory_space<vmem>>, %arg6: memref<128xf32, #tpu.memory_space<vmem>>, %arg7: memref<128x128xf32, #tpu.memory_space<vmem>>, %arg8: memref<10000x128xf32, #tpu.memory_space<vmem>>, %arg9: memref<10000x128xf32, #tpu.memory_space<vmem>>) attributes {dimension_semantics = [], scalar_prefetch = 0 : i64, scratch_operands = 0 : i64, tpu.core_type = #tpu.core_type<tc>} {
    %get3A = arith.constant 0 : index
    %get3A_0 = arith.constant 0 : index
    %get3A_1 = vector.load %arg0[%get3A, %get3A_0] : memref<10000x128xf32, #tpu.memory_space<vmem>>, vector<10000x128xf32>
    %get3A_2 = arith.constant 0 : index
    %get3A_3 = arith.constant 0 : index
    %get3A_4 = vector.load %arg1[%get3A_2, %get3A_3] : memref<10000x128xf32, #tpu.memory_space<vmem>>, vector<10000x128xf32>
    %add3A = arith.addf %get3A_1, %get3A_4 : vector<10000x128xf32>
    %get3A_5 = arith.constant 0 : index
    %get3A_6 = arith.constant 0 : index
    %get3A_7 = vector.load %arg2[%get3A_5, %get3A_6] : memref<10000x128xf32, #tpu.memory_space<vmem>>, vector<10000x128xf32>
    %add3A_8 = arith.addf %add3A, %get3A_7 : vector<10000x128xf32>
    %max3A = arith.constant 0.000000e+00 : f32
    %max3A_9 = vector.broadcast %max3A : f32 to vector<10000x128xf32>
    %max3A_10 = arith.maximumf %add3A_8, %max3A_9 : vector<10000x128xf32>
    %get3A_11 = arith.constant 0 : index
    %get3A_12 = vector.load %arg3[%get3A_11] : memref<128xf32, #tpu.memory_space<vmem>>, vector<128xf32>
    %get3A_13 = arith.constant 0 : index
    %get3A_14 = vector.load %arg4[%get3A_13] : memref<128xf32, #tpu.memory_space<vmem>>, vector<128xf32>
    %reduce_sum3A = arith.constant dense<0.000000e+00> : vector<128xf32>
    %reduce_sum3A_15 = vector.multi_reduction <add>, %max3A_10, %reduce_sum3A [0] : vector<10000x128xf32> to vector<128xf32>
    %div3A = arith.constant 1.000000e+04 : f32
    %div3A_16 = vector.broadcast %div3A : f32 to vector<128xf32>
    %div3A_17 = arith.divf %reduce_sum3A_15, %div3A_16 : vector<128xf32>
    %mul3A = arith.mulf %max3A_10, %max3A_10 : vector<10000x128xf32>
    %reduce_sum3A_18 = arith.constant dense<0.000000e+00> : vector<128xf32>
    %reduce_sum3A_19 = vector.multi_reduction <add>, %mul3A, %reduce_sum3A_18 [0] : vector<10000x128xf32> to vector<128xf32>
    %div3A_20 = arith.constant 1.000000e+04 : f32
    %div3A_21 = vector.broadcast %div3A_20 : f32 to vector<128xf32>
    %div3A_22 = arith.divf %reduce_sum3A_19, %div3A_21 : vector<128xf32>
    %mul3A_23 = arith.mulf %div3A_17, %div3A_17 : vector<128xf32>
    %sub3A = arith.subf %div3A_22, %mul3A_23 : vector<128xf32>
    %broadcast_in_dim3A = vector.shape_cast %div3A_17 : vector<128xf32> to vector<1x128xf32>
    %sub3A_24 = vector.broadcast %broadcast_in_dim3A : vector<1x128xf32> to vector<10000x128xf32>
    %sub3A_25 = arith.subf %max3A_10, %sub3A_24 : vector<10000x128xf32>
    %add3A_26 = arith.constant 9.99999974E-6 : f32
    %add3A_27 = vector.broadcast %add3A_26 : f32 to vector<128xf32>
    %add3A_28 = arith.addf %sub3A, %add3A_27 : vector<128xf32>
    %rsqrt3A = math.rsqrt %add3A_28 : vector<128xf32>
    %broadcast_in_dim3A_29 = vector.shape_cast %rsqrt3A : vector<128xf32> to vector<1x128xf32>
    %mul3A_30 = vector.broadcast %broadcast_in_dim3A_29 : vector<1x128xf32> to vector<10000x128xf32>
    %mul3A_31 = arith.mulf %sub3A_25, %mul3A_30 : vector<10000x128xf32>
    %broadcast_in_dim3A_32 = vector.shape_cast %get3A_12 : vector<128xf32> to vector<1x128xf32>
    %mul3A_33 = vector.broadcast %broadcast_in_dim3A_32 : vector<1x128xf32> to vector<10000x128xf32>
    %mul3A_34 = arith.mulf %mul3A_31, %mul3A_33 : vector<10000x128xf32>
    %broadcast_in_dim3A_35 = vector.shape_cast %get3A_14 : vector<128xf32> to vector<1x128xf32>
    %add3A_36 = vector.broadcast %broadcast_in_dim3A_35 : vector<1x128xf32> to vector<10000x128xf32>
    %add3A_37 = arith.addf %mul3A_34, %add3A_36 : vector<10000x128xf32>
    %get3A_38 = arith.constant 0 : index
    %get3A_39 = arith.constant 0 : index
    %get3A_40 = vector.load %arg5[%get3A_38, %get3A_39] : memref<128x128xf32, #tpu.memory_space<vmem>>, vector<128x128xf32>
    %dot_general3A = arith.constant dense<0.000000e+00> : vector<10000x128xf32>
    %dot_general3A_41 = tpu.matmul %add3A_37, %get3A_40, %dot_general3A {dimension_numbers = #tpu.dot_dimension_numbers<[1], [0], [0], [1], [0, 0, 1, 1], [], []>, transpose_lhs_hint = false} : vector<10000x128xf32>, vector<128x128xf32>, vector<10000x128xf32> -> vector<10000x128xf32>
    %swap3A = arith.constant 0 : index
    %swap3A_42 = arith.constant 0 : index
    %swap3A_43 = vector.load %arg8[%swap3A, %swap3A_42] : memref<10000x128xf32, #tpu.memory_space<vmem>>, vector<10000x128xf32>
    tpu.vector_store %arg8[%swap3A, %swap3A_42], %dot_general3A_41 {strides = array<i32>} : memref<10000x128xf32, #tpu.memory_space<vmem>>, vector<10000x128xf32>,
    %get3A_44 = arith.constant 0 : index
    %get3A_45 = arith.constant 0 : index
    %get3A_46 = vector.load %arg7[%get3A_44, %get3A_45] : memref<128x128xf32, #tpu.memory_space<vmem>>, vector<128x128xf32>
    %dot_general3A_47 = arith.constant dense<0.000000e+00> : vector<10000x128xf32>
    %dot_general3A_48 = tpu.matmul %add3A_37, %get3A_46, %dot_general3A_47 {dimension_numbers = #tpu.dot_dimension_numbers<[1], [0], [0], [1], [0, 0, 1, 1], [], []>, transpose_lhs_hint = false} : vector<10000x128xf32>, vector<128x128xf32>, vector<10000x128xf32> -> vector<10000x128xf32>
    %get3A_49 = arith.constant 0 : index
    %get3A_50 = vector.load %arg6[%get3A_49] : memref<128xf32, #tpu.memory_space<vmem>>, vector<128xf32>
    %broadcast_in_dim3A_51 = vector.shape_cast %get3A_50 : vector<128xf32> to vector<1x128xf32>
    %add3A_52 = vector.broadcast %broadcast_in_dim3A_51 : vector<1x128xf32> to vector<10000x128xf32>
    %add3A_53 = arith.addf %dot_general3A_48, %add3A_52 : vector<10000x128xf32>
    %swap3A_54 = arith.constant 0 : index
    %swap3A_55 = arith.constant 0 : index
    %swap3A_56 = vector.load %arg9[%swap3A_54, %swap3A_55] : memref<10000x128xf32, #tpu.memory_space<vmem>>, vector<10000x128xf32>
    tpu.vector_store %arg9[%swap3A_54, %swap3A_55], %add3A_53 {strides = array<i32>} : memref<10000x128xf32, #tpu.memory_space<vmem>>, vector<10000x128xf32>,
    return
  }
}

module attributes {stable_mosaic.version = 14 : i64} {
  func.func @_final_body(%arg0: memref<10000x128xf32, #tpu.memory_space<vmem>>, %arg1: memref<10000x128xf32, #tpu.memory_space<vmem>>, %arg2: memref<10000x128xf32, #tpu.memory_space<vmem>>, %arg3: memref<128xf32, #tpu.memory_space<vmem>>, %arg4: memref<128xf32, #tpu.memory_space<vmem>>, %arg5: memref<10000x128xf32, #tpu.memory_space<vmem>>) attributes {dimension_semantics = [], scalar_prefetch = 0 : i64, scratch_operands = 0 : i64, tpu.core_type = #tpu.core_type<tc>} {
    %get3A = arith.constant 0 : index
    %get3A_0 = arith.constant 0 : index
    %get3A_1 = vector.load %arg0[%get3A, %get3A_0] : memref<10000x128xf32, #tpu.memory_space<vmem>>, vector<10000x128xf32>
    %get3A_2 = arith.constant 0 : index
    %get3A_3 = arith.constant 0 : index
    %get3A_4 = vector.load %arg1[%get3A_2, %get3A_3] : memref<10000x128xf32, #tpu.memory_space<vmem>>, vector<10000x128xf32>
    %add3A = arith.addf %get3A_1, %get3A_4 : vector<10000x128xf32>
    %get3A_5 = arith.constant 0 : index
    %get3A_6 = arith.constant 0 : index
    %get3A_7 = vector.load %arg2[%get3A_5, %get3A_6] : memref<10000x128xf32, #tpu.memory_space<vmem>>, vector<10000x128xf32>
    %add3A_8 = arith.addf %add3A, %get3A_7 : vector<10000x128xf32>
    %max3A = arith.constant 0.000000e+00 : f32
    %max3A_9 = vector.broadcast %max3A : f32 to vector<10000x128xf32>
    %max3A_10 = arith.maximumf %add3A_8, %max3A_9 : vector<10000x128xf32>
    %get3A_11 = arith.constant 0 : index
    %get3A_12 = vector.load %arg3[%get3A_11] : memref<128xf32, #tpu.memory_space<vmem>>, vector<128xf32>
    %get3A_13 = arith.constant 0 : index
    %get3A_14 = vector.load %arg4[%get3A_13] : memref<128xf32, #tpu.memory_space<vmem>>, vector<128xf32>
    %reduce_sum3A = arith.constant dense<0.000000e+00> : vector<128xf32>
    %reduce_sum3A_15 = vector.multi_reduction <add>, %max3A_10, %reduce_sum3A [0] : vector<10000x128xf32> to vector<128xf32>
    %div3A = arith.constant 1.000000e+04 : f32
    %div3A_16 = vector.broadcast %div3A : f32 to vector<128xf32>
    %div3A_17 = arith.divf %reduce_sum3A_15, %div3A_16 : vector<128xf32>
    %mul3A = arith.mulf %max3A_10, %max3A_10 : vector<10000x128xf32>
    %reduce_sum3A_18 = arith.constant dense<0.000000e+00> : vector<128xf32>
    %reduce_sum3A_19 = vector.multi_reduction <add>, %mul3A, %reduce_sum3A_18 [0] : vector<10000x128xf32> to vector<128xf32>
    %div3A_20 = arith.constant 1.000000e+04 : f32
    %div3A_21 = vector.broadcast %div3A_20 : f32 to vector<128xf32>
    %div3A_22 = arith.divf %reduce_sum3A_19, %div3A_21 : vector<128xf32>
    %mul3A_23 = arith.mulf %div3A_17, %div3A_17 : vector<128xf32>
    %sub3A = arith.subf %div3A_22, %mul3A_23 : vector<128xf32>
    %broadcast_in_dim3A = vector.shape_cast %div3A_17 : vector<128xf32> to vector<1x128xf32>
    %sub3A_24 = vector.broadcast %broadcast_in_dim3A : vector<1x128xf32> to vector<10000x128xf32>
    %sub3A_25 = arith.subf %max3A_10, %sub3A_24 : vector<10000x128xf32>
    %add3A_26 = arith.constant 9.99999974E-6 : f32
    %add3A_27 = vector.broadcast %add3A_26 : f32 to vector<128xf32>
    %add3A_28 = arith.addf %sub3A, %add3A_27 : vector<128xf32>
    %rsqrt3A = math.rsqrt %add3A_28 : vector<128xf32>
    %broadcast_in_dim3A_29 = vector.shape_cast %rsqrt3A : vector<128xf32> to vector<1x128xf32>
    %mul3A_30 = vector.broadcast %broadcast_in_dim3A_29 : vector<1x128xf32> to vector<10000x128xf32>
    %mul3A_31 = arith.mulf %sub3A_25, %mul3A_30 : vector<10000x128xf32>
    %broadcast_in_dim3A_32 = vector.shape_cast %get3A_12 : vector<128xf32> to vector<1x128xf32>
    %mul3A_33 = vector.broadcast %broadcast_in_dim3A_32 : vector<1x128xf32> to vector<10000x128xf32>
    %mul3A_34 = arith.mulf %mul3A_31, %mul3A_33 : vector<10000x128xf32>
    %broadcast_in_dim3A_35 = vector.shape_cast %get3A_14 : vector<128xf32> to vector<1x128xf32>
    %add3A_36 = vector.broadcast %broadcast_in_dim3A_35 : vector<1x128xf32> to vector<10000x128xf32>
    %add3A_37 = arith.addf %mul3A_34, %add3A_36 : vector<10000x128xf32>
    %swap3A = arith.constant 0 : index
    %swap3A_38 = arith.constant 0 : index
    %swap3A_39 = vector.load %arg5[%swap3A, %swap3A_38] : memref<10000x128xf32, #tpu.memory_space<vmem>>, vector<10000x128xf32>
    tpu.vector_store %arg5[%swap3A, %swap3A_38], %add3A_37 {strides = array<i32>} : memref<10000x128xf32, #tpu.memory_space<vmem>>, vector<10000x128xf32>,
    return
  }
}

</mosaic_0001>

<sc_bundles>
// kernel: kernel.11.cloned.1.call-start
scs
__scs_entry_jumppad:
0x0: {  	(pc) =	sbr.rel $0x88, $3  }
0x1: {  	(tag) =	ssettag $0x0;
	lr =	simm.s32 $0x1  }
0x2: {  	[smem:$0x3F8E] =	sst lr;
	_ =	strace $0xD0000000  }
0x3: {  	_ = 	snop  }
0x4: {  	_ = 	snop  }
0x5: {  	_ = 	snop  }
0x6: {  	_ = 	snop  }
0x7: {  	_ = 	snop  }
__scs_overlays_trampoline_lowered:
0x8: {  	[smem:$0x3F9D] =	sst s0  }
0x9: {  	[smem:$0x3F9E] =	sst s1  }
0xa: {  	[smem:$0x3F9F] =	sst s2  }
0xb: {  	[smem:$0x3FA0] =	sst s3  }
0xc: {  	[smem:$0x3FA1] =	sst s4  }
0xd: {  	[smem:$0x3FA2] =	sst s5  }
0xe: {  	[smem:$0x3FA3] =	sst s6  }
0xf: {  	[smem:$0x3FA4] =	sst s7  }
0x10: {  	[smem:$0x3FA5] =	sst s8  }
0x11: {  	[smem:$0x3FA6] =	sst s9;
	s0 =	simm.s32 @!p0 $0x0  }
0x12: {  	s1 =	sld [smem:$0x3F8C];
	s0 =	simm.s32 @p0 $0x1  }
0x13: {  	[smem:$0x3FA7] =	sst s0;
	s0 =	simm.s32 @!p1 $0x0  }
0x14: {  	s2 =	sld [smem:$0x3F8B];
	s0 =	simm.s32 @p1 $0x1  }
0x15: {  	[smem:$0x3FA8] =	sst s0;
	s0 =	simm.s32 @!p2 $0x0  }
0x16: {  	s3 =	sld [smem:$0x3FDB];
	s0 =	simm.s32 @p2 $0x1  }
0x17: {  	s4 =	simm.s32 $0x1BF5;
	[smem:$0x3FAA] =	sst s0  }
0x18: {  	s0 =	sld [smem:$0x3F8D];
	_ =	swait.ge [sflag:s4], $0x0  }
0x19: {  	s7 =	sld [smem:$0x3F8E]  }
0x1a: {  	s8 =	sadd.s32 $0xFFFFE003, lr  }
0x1b: {  	s9 =	sadd.s32 $0xFFFFFEF7, lr;
	s5 =	simm.s32 $0xFFFFFFFF;
	p2 =	slt.u32 s8, $0xFFFFF086  }
0x1c: {  	p1 =	slt.u32 s9, $0xF7A;
	s5 =	simm.s32 @!p2 $0x0  }
0x1d: {  	s5 =	simm.s32 @p1 $0x1;
	p0 =	seq.s32 s7, s2  }
0x1e: {  	s7 =	smul.u32 @!p0 $0xF7A, s2;
	p2 =	seq.s32 @!p0 s5, $0x0  }
0x1f: {  	s9 =	smul.u32 $0xF7A, s1;
	s8 =	simm.s32 @!p0 $0x1BF5;
	p2 =	por !p2, p0  }
0x20: {  	[sflag:s8] =	ssyncset.s32 @!p0 $0xFFFFF086;
	s6 =	sadd.s32 @!p0 s3, s7;
	s7 =	simm.s32 @!p0 $0x108  }
0x21: {  	s3 =	sadd.s32 s3, s9;
	s6 =	sadd.s32 @!p0 $0x88, s6;
	s7 =	simm.s32 @p2 $0x1082  }
0x22: {  	[simem:s7], [sflag:s8] =	dma.local @!p0 [hbm:s6], $0xF7A  }
0x23: {  	s9 =	sor.u32 $0xD0000000, s2;
	s6 =	simm.s32 $0x108;
	_ =	swait.ge @!p0 [sflag:s8], $0x0  }
0x24: {  	s3 =	sadd.s32 $0x88, s3;
	s6 =	simm.s32 @!p1 $0x1082;
	[sflag:s4] =	ssyncset.s32 $0xFFFFF086  }
0x25: {  	[simem:s6], [sflag:s4] =	dma.local [hbm:s3], $0xF7A  }
0x26: {  	[smem:$0x3F8E] =	sst s1;
	(tag) =	ssettag s2;
	_ =	strace s9  }
0x27: {  	s1 =	sld [smem:$0x3F9E]  }
0x28: {  	s2 =	sld [smem:$0x3F9F]  }
0x29: {  	s4 =	sld [smem:$0x3FA1]  }
0x2a: {  	p0 =	seq.s32 s5, $0x0;
	s5 =	sld [smem:$0x3FA2]  }
0x2b: {  	s6 =	sld [smem:$0x3FA3]  }
0x2c: {  	s7 =	sld [smem:$0x3FA4]  }
0x2d: {  	s3 =	simm.s32 $0x108;
	s8 =	sld [smem:$0x3FA5]  }
0x2e: {  	s3 =	simm.s32 @!p0 $0x1082;
	s9 =	sld [smem:$0x3FA6]  }
0x2f: {  	lr =	sadd.s32 s0, s3;
	s0 =	sld [smem:$0x3F9D]  }
0x30: {  	s3 =	sld [smem:$0x3FA0]  }
0x31: {  	[smem:$0x3FA9] =	sst s10  }
0x32: {  	s10 =	sld [smem:$0x3FA7];
	_ =	sdelay $0x3  }
0x33: {  	p0 =	seq.s32 s10, $0x1;
	s10 =	sld [smem:$0x3FA9];
	_ =	sdelay $0x3  }
0x34: {  	[smem:$0x3FA9] =	sst s10  }
0x35: {  	s10 =	sld [smem:$0x3FA8];
	_ =	sdelay $0x3  }
0x36: {  	p1 =	seq.s32 s10, $0x1;
	s10 =	sld [smem:$0x3FA9];
	_ =	sdelay $0x3  }
0x37: {  	[smem:$0x3FA9] =	sst s10  }
0x38: {  	s10 =	sld [smem:$0x3FAA]  }
0x39: {  	_ = 	snop;
	(pc) =	sbr.ind lr, $3  }
0x3a: {  	_ = 	snop  }
0x3b: {  	_ = 	snop  }
0x3c: {  	p2 =	seq.s32 s10, $0x1;
	s10 =	sld [smem:$0x3FA9]  }
0x3d: {  	_ =	shalt  }
0x3e: {  	_ =	shalt  }
0x3f: {  	_ =	shalt  }
0x40: {  	_ =	shalt  }
0x41: {  	_ =	shalt  }
0x42: {  	_ =	shalt  }
0x43: {  	_ =	shalt  }
0x44: {  	_ =	shalt  }
0x45: {  	_ =	shalt  }
0x46: {  	_ =	shalt  }
0x47: {  	_ =	shalt  }
0x48: {  	_ =	shalt  }
0x49: {  	_ =	shalt  }
0x4a: {  	_ =	shalt  }
0x4b: {  	_ =	shalt  }
0x4c: {  	_ =	shalt  }
0x4d: {  	_ =	shalt  }
0x4e: {  	_ =	shalt  }
0x4f: {  	_ =	shalt  }
0x50: {  	_ =	shalt  }
0x51: {  	_ =	shalt  }
0x52: {  	_ =	shalt  }
0x53: {  	_ =	shalt  }
0x54: {  	_ =	shalt  }
0x55: {  	_ =	shalt  }
0x56: {  	_ =	shalt  }
0x57: {  	_ =	shalt  }
0x58: {  	_ =	shalt  }
0x59: {  	_ =	shalt  }
0x5a: {  	_ =	shalt  }
0x5b: {  	_ =	shalt  }
0x5c: {  	_ =	shalt  }
0x5d: {  	_ =	shalt  }
0x5e: {  	_ =	shalt  }
0x5f: {  	_ =	shalt  }
0x60: {  	_ =	shalt  }
0x61: {  	_ =	shalt  }
0x62: {  	_ =	shalt  }
0x63: {  	_ =	shalt  }
0x64: {  	_ =	shalt  }
0x65: {  	_ =	shalt  }
0x66: {  	_ =	shalt  }
0x67: {  	_ =	shalt  }
0x68: {  	_ =	shalt  }
0x69: {  	_ =	shalt  }
0x6a: {  	_ =	shalt  }
0x6b: {  	_ =	shalt  }
0x6c: {  	_ =	shalt  }
0x6d: {  	_ =	shalt  }
0x6e: {  	_ =	shalt  }
0x6f: {  	_ =	shalt  }
0x70: {  	_ =	shalt  }
0x71: {  	_ =	shalt  }
0x72: {  	_ =	shalt  }
0x73: {  	_ =	shalt  }
0x74: {  	_ =	shalt  }
0x75: {  	_ =	shalt  }
0x76: {  	_ =	shalt  }
0x77: {  	_ =	shalt  }
0x78: {  	_ =	shalt  }
0x79: {  	_ =	shalt  }
0x7a: {  	_ =	shalt  }
0x7b: {  	_ =	shalt  }
0x7c: {  	_ =	shalt  }
0x7d: {  	_ =	shalt  }
0x7e: {  	_ =	shalt  }
0x7f: {  	_ =	shalt  }
0x80: {  	_ =	shalt  }
0x81: {  	_ =	shalt  }
0x82: {  	_ =	shalt  }
0x83: {  	_ =	shalt  }
0x84: {  	_ =	shalt  }
0x85: {  	_ =	shalt  }
0x86: {  	_ =	shalt  }
0x87: {  	_ =	shalt  }
.Lfunc_end0:
.L_simem_size_0:
called_computation_lowered:
.L_overlay_start_0:
0x88: {  	s2 =	sld [smem:$0x3FD9]  }
0x89: {  	s3 =	sld [smem:$0x3FFE];
	_ =	sdelay $0x1  }
0x8a: {  	s1 =	srdreg.scid  }
0x8b: {  	s0 =	sand.u32 $0x1, s1  }
0x8c: {  	s16 =	sshll.u32 s0, $0xA;
	s2 =	sadd.s32 s3, s2  }
0x8d: {  	s2 =	sadd.s32 s2, s16  }
0x8e: {  	[smem:$0x3FB5] =	sst s2  }
0x8f: {  	_ = 	snop  }
0x90: {  	(tm) =	ssettm $0x1  }
0x91: {  	s17 =	sld [smem:$0x3FFB];
	_ =	sdelay $0x3  }
0x92: {  	_ =	strace s17  }
0x93: {  	s2 =	sld [smem:$0x3FFC];
	_ =	sdelay $0x3  }
0x94: {  	_ =	strace s2  }
0x95: {  	s2 =	sld [smem:$0x3FFD];
	_ =	sdelay $0x3  }
0x96: {  	_ =	strace s2  }
0x97: {  	_ =	strace $0x8FFFFFFF  }
0x98: {  	s18 =	sld [smem:$0x3FDB];
	_ =	sdelay $0x1  }
0x99: {  	s19 =	simm.s32 $_scs_section_size  }
0x9a: {  	s4 =	simm.s32 $_size__tile_overlayer_lowered;
	s5 =	simm.s32 $_tile_overlayer_lowered  }
0x9b: {  	s22 =	simm.s32 $0x1BFF;
	s21 =	sshll.u32 s5, $0x1;
	s2 =	sadd.s32 s19, s18  }
0x9c: {  	s6 =	simm.s32 $0x0;
	s20 =	sshll.u32 s4, $0x1;
	s4 =	sadd.s32 s21, s2  }
0x9d: {  	[timem:s6], [sflag:s22] =	dma.local [hbm:s4], s20  }
0x9e: {  	_ =	swait.ge [sflag:s22], s20  }
0x9f: {  	s3 =	ssub.s32 $0x0, s20;
	[sflag:s22] =	ssyncset.done $0x0  }
0xa0: {  	[sflag:s22] =	ssyncadd.s32 s3;
	_ =	sdelay $0x1  }
0xa1: {  	s23 =	simm.s32 $0x1B8B  }
0xa2: {  	_ =	swait.ge [sflag:s23], $0x1  }
0xa3: {  	[sflag:s23] =	ssyncset.done $0x0  }
0xa4: {  	s25 =	simm.s32 $0x1B8E;
	s24 =	sld [smem:$0x3FFE];
	[sflag:s23] =	ssyncadd.s32 $0xFFFFFFFF  }
0xa5: {  	s26 =	simm.s32 $execute0_lowered;
	[smem:$0x3FD2] =	sst s25  }
0xa6: {  	s4 =	sshll.u32 s26, $0x1;
	_ =	strace $0x80000046;
	[dreg:$0x1] =	wrdreg $0xFFFFFFFF  }
0xa7: {  	s28 =	simm.s32 $_size_execute0_lowered;
	s2 =	sadd.s32 s2, s4;
	[dreg:$0x0] =	wrdreg $0x0  }
0xa8: {  	s4 =	sshll.u32 s28, $0x1;
	[dreg:$0x2] =	wrdreg s2  }
0xa9: {  	[dreg:$0x3] =	wrdreg s4  }
0xaa: {  	[dreg:$0x4] =	wrdreg $0xC0  }
0xab: {  	_ =	task [dreg:s6], $0x5FFFF  }
0xac: {  	[dreg:$0x1] =	wrdreg $0xFFFFFFFF  }
0xad: {  	[dreg:$0x0] =	wrdreg $0x60  }
0xae: {  	[dreg:$0x2] =	wrdreg s24  }
0xaf: {  	[dreg:$0x3] =	wrdreg $0x3800  }
0xb0: {  	[dreg:$0x4] =	wrdreg $0x9  }
0xb1: {  	_ =	task.clear_ibuf [dreg:s6], $0x5FFFF;
	_ =	strace $0x90000046  }
0xb2: {  	s29 =	simm.s32 $0x9;
	_ =	strace $0x80000048  }
0xb3: {  	_ =	swait.ge [sflag:s29], $0x1  }
0xb4: {  	[sflag:s29] =	ssyncadd.s32 $0xFFFFFFFF  }
0xb5: {  	_ =	strace $0x90000048  }
0xb6: {  	_ =	sfence  }
0xb7: {  	s30 =	sld [smem:$0x0];
	_ =	sdelay $0x2  }
0xb8: {  	s31 =	sshll.u32 s1, $0xD;
	s1 =	sshrl.u32 s1, $0x2  }
0xb9: {  	s3 =	sand.u32 $0x4000, s31;
	s1 =	sadd.s32 s1, s30  }
0xba: {  	s0 =	sor.u32 s3, s0;
	s1 =	sshll.u32 s1, $0x11  }
0xbb: {  	s0 =	sor.u32 s1, s0  }
0xbc: {  	s0 =	sadd.s32 $0x8F2B, s0  }
0xbd: {  	[sflag:s0] =	ssyncadd.remote.s32 $0x1  }
0xbe: {  	_ =	sfence.sel $0xFFFF  }
0xbf: {  	[dreg:$0x0] =	wrdreg $0xFFFFFFFF;
	(pc) =	sbr.abs _section_cstart, $3  }
0xc0: {  	[dreg:$0x1] =	wrdreg $0xFFFFFFFF  }
0xc1: {  	_ =	task.clear_ibuf [dreg:s6], $0x2FFFF;
	_ =	strace $0x9FFFFFFF  }
0xc2: {  	(tm) =	ssettm $0x7FFFFFFF  }
0xc3: {  	_ =	shalt  }
tec
execute0_lowered:
.L_overlay_start_1:
0x0: {  	(tag) =	ssettag $0x1  }
0x1: {  	s6 =	rddreg [dreg:$0x0]  }
0x2: {  	s2 =	rddreg [dreg:$0x1]  }
0x3: {  	s0 =	rddreg [dreg:$0x2]  }
0x4: {  	s4 =	srdreg.scid;
	s1 =	stileid.u32;
	s3 =	simm.s32 $0x0  }
0x5: {  	s12 =	simm.s32 $0x80;
	s15 =	simm.s32 $0x20;
	s16 =	simm.s32 $0x10  }
0x6: {  	s17 =	simm.s32 $0x0;
	s7 =	sand.u32 $0x1, s4;
	s30 =	smul.u32 $0x500, s1  }
0x7: {  	[smem:$0x7FF] =	sst s3;
	s4 =	sadd.s32 $0x4A00, s6;
	s9 =	smul.u32 $0xA00, s1  }
0x8: {  	s11 =	sshll.u32 s1, $0x1;
	s13 =	sshll.u32 s1, $0x6;
	s5 =	sshll.u32 s7, $0x7  }
0x9: {  	_ =	strace $0x80000047;
	s31 =	ssub.s32 $0x2, s7;
	s7 =	sor.u32 s7, s11  }
0xa: {  	s11 =	simm.s32 $0x1;
	s13 =	sor.u32 $0x1C01, s13;
	s5 =	sor.u32 s5, s30  }
0xb: {  	s10 =	sshrl.u32 s31, $0x1;
	s9 =	sshrl.u32 s9, $0x2;
	s7 =	smul.u32 $0x2800, s7  }
0xc: {  	s8 =	sshrl.u32 s5, $0x3;
	s5 =	sadd.s32 $0xEA00, s6;
	s10 =	ssub.s32 s31, s10  }
0xd: {  	s8 =	sadd.s32 s8, s6;
	s6 =	sadd.s32 s9, s2;
	s9 =	smax.u32 s10, $0x1  }
0xe: {  	v0 =	vimm.f32 $0.0e+00;
	s10 =	simm.s32 $0x100;
	s8 =	sadd.s32 $0x18A00, s8;
	s14 =	sshrl.u32 s6, $0x3  }
.LBB2_1:
0xf: {  	[tilespmem:$0x100] =	vst v0  }
0x10: {  	[tilespmem:$0x110] =	vst v0  }
0x11: {  	[tilespmem:$0x120] =	vst v0  }
0x12: {  	[tilespmem:$0x130] =	vst v0  }
0x13: {  	[tilespmem:$0x140] =	vst v0  }
0x14: {  	[tilespmem:$0x150] =	vst v0  }
0x15: {  	[tilespmem:$0x160] =	vst v0  }
0x16: {  	[tilespmem:$0x170] =	vst v0  }
0x17: {  	[tilespmem:$0x180] =	vst v0  }
0x18: {  	[tilespmem:$0x190] =	vst v0  }
0x19: {  	[tilespmem:$0x1A0] =	vst v0  }
0x1a: {  	[tilespmem:$0x1B0] =	vst v0  }
0x1b: {  	[tilespmem:$0x1C0] =	vst v0  }
0x1c: {  	[tilespmem:$0x1D0] =	vst v0  }
0x1d: {  	[tilespmem:$0x1E0] =	vst v0  }
0x1e: {  	[tilespmem:$0x1F0] =	vst v0  }
0x1f: {  	[tilespmem:$0x200] =	vst v0  }
0x20: {  	[tilespmem:$0x210] =	vst v0  }
0x21: {  	[tilespmem:$0x220] =	vst v0  }
0x22: {  	[tilespmem:$0x230] =	vst v0  }
0x23: {  	[tilespmem:$0x240] =	vst v0  }
0x24: {  	[tilespmem:$0x250] =	vst v0  }
0x25: {  	[tilespmem:$0x260] =	vst v0  }
0x26: {  	[tilespmem:$0x270] =	vst v0  }
0x27: {  	[tilespmem:$0x280] =	vst v0  }
0x28: {  	[tilespmem:$0x290] =	vst v0  }
0x29: {  	[tilespmem:$0x2A0] =	vst v0  }
0x2a: {  	[tilespmem:$0x2B0] =	vst v0  }
0x2b: {  	[tilespmem:$0x2C0] =	vst v0  }
0x2c: {  	[tilespmem:$0x2D0] =	vst v0  }
0x2d: {  	[tilespmem:$0x2E0] =	vst v0  }
0x2e: {  	[tilespmem:$0x2F0] =	vst v0  }
0x2f: {  	[tilespmem:$0x300] =	vst v0  }
0x30: {  	[tilespmem:$0x310] =	vst v0  }
0x31: {  	[tilespmem:$0x320] =	vst v0  }
0x32: {  	[tilespmem:$0x330] =	vst v0  }
0x33: {  	[tilespmem:$0x340] =	vst v0  }
0x34: {  	[tilespmem:$0x350] =	vst v0  }
0x35: {  	[tilespmem:$0x360] =	vst v0  }
0x36: {  	[tilespmem:$0x370] =	vst v0;
	s18 =	sand.u32 $0x3C00, s3  }
0x37: {  	[spmem:s6] =	stream.linear.scatter [tilespmem:s10], [sflag:$0x1], $0x280, $0x38;
	[tilespmem:$0x600] =	vst v63  }
0x38: {  	s19 =	sand.u32 $0x380, s3;
	s18 =	sadd.s32 s7, s18;
	_ =	swait.ge [sflag:s11], $0x280  }
0x39: {  	s18 =	sor.u32 s19, s18;
	[sflag:s11] =	ssyncset.done $0x0  }
0x3a: {  	s18 =	sshrl.u32 s18, $0x3;
	[sflag:s11] =	ssyncadd.s32 $0xFFFFFD80  }
0x3b: {  	s29 =	sadd.s32 s4, s18;
	[bflag:$0x0] =	sbarrier.arrive $0xFFFF  }
0x3c: {  	[tilespmem:s3], [sflag:$0x1] =	stream.linear.gather [hbm4b:s29+s3], $0x80, $0x38;
	[tilespmem:$0x600] =	vst v63  }
0x3d: {  	_ =	swait.ge [sflag:s11], $0x80  }
0x3e: {  	[sflag:s11] =	ssyncset.done $0x0  }
0x3f: {  	s18 =	sadd.s32 s5, s18;
	[sflag:s11] =	ssyncadd.s32 $0xFFFFFF80  }
0x40: {  	[tilespmem:s12], [sflag:$0x1] =	stream.linear.gather [hbm4b:s18+s3], $0x80, $0x38;
	[tilespmem:$0x600] =	vst v63  }
0x41: {  	_ =	swait.ge [sflag:s11], $0x80  }
0x42: {  	s30 =	simm.s32 $0x80;
	[sflag:s11] =	ssyncset.done $0x0  }
0x43: {  	s31 =	sand.u32 $0x3C00, s30;
	[sflag:s11] =	ssyncadd.s32 $0xFFFFFF80  }
0x44: {  	[spmem:s2] =	stream.indirect.scatter.add.f32 [tilespmem:s12], [sflag:$0x1], $0x1, s3, s12, $0xb8;
	[tilespmem:$0x600] =	vst v63  }
0x45: {  	s20 =	sand.u32 $0x380, s30;
	s19 =	sadd.s32 s7, s31;
	_ =	swait.ge [sflag:s11], $0x80  }
0x46: {  	s19 =	sor.u32 s20, s19;
	s18 =	simm.s32 $0x100;
	[sflag:s11] =	ssyncset.done $0x0  }
.LBB2_2:
0x47: {  	s19 =	sshrl.u32 s19, $0x3  }
0x48: {  	[sflag:s11] =	ssyncadd.s32 $0xFFFFFF80;
	s20 =	smov.u32 s18;
	s21 =	sadd.s32 $0x80, s18  }
0x49: {  	p0 =	sne.s32 s18, $0x2700;
	s18 =	sadd.s32 s4, s19  }
0x4a: {  	[tilespmem:s3], [sflag:$0x1] =	stream.linear.gather [hbm4b:s18+s3], $0x80, $0x38;
	[tilespmem:$0x600] =	vst v63  }
0x4b: {  	_ =	swait.ge [sflag:s11], $0x80  }
0x4c: {  	[sflag:s11] =	ssyncset.done $0x0  }
0x4d: {  	s18 =	sadd.s32 s5, s19;
	[sflag:s11] =	ssyncadd.s32 $0xFFFFFF80  }
0x4e: {  	[tilespmem:s12], [sflag:$0x1] =	stream.linear.gather [hbm4b:s18+s3], $0x80, $0x38;
	[tilespmem:$0x600] =	vst v63  }
0x4f: {  	_ =	swait.ge [sflag:s11], $0x80  }
.Ltmp0:
0x50: {  	[sflag:s11] =	ssyncset.done $0x0;
	(pc) =	sbr.rel @p0 .LBB2_2-.Ltmp0, $4  }
0x51: {  	s18 =	sand.u32 $0x3C00, s20;
	[sflag:s11] =	ssyncadd.s32 $0xFFFFFF80  }
0x52: {  	[spmem:s2] =	stream.indirect.scatter.add.f32 [tilespmem:s12], [sflag:$0x1], $0x1, s3, s12, $0xb8;
	[tilespmem:$0x600] =	vst v63  }
0x53: {  	s19 =	sand.u32 $0x380, s20;
	s18 =	sadd.s32 s7, s18;
	_ =	swait.ge [sflag:s11], $0x80  }
0x54: {  	s19 =	sor.u32 s19, s18;
	s18 =	smov.u32 s21;
	[sflag:s11] =	ssyncset.done $0x0  }
0x55: {  	s18 =	sshrl.u32 s19, $0x3  }
0x56: {  	[sflag:s11] =	ssyncadd.s32 $0xFFFFFF80;
	s19 =	sadd.s32 s4, s18  }
0x57: {  	[tilespmem:s3], [sflag:$0x1] =	stream.linear.gather [hbm4b:s19+s3], $0x80, $0x38;
	[tilespmem:$0x600] =	vst v63  }
0x58: {  	_ =	swait.ge [sflag:s11], $0x80  }
0x59: {  	[sflag:s11] =	ssyncset.done $0x0  }
0x5a: {  	s18 =	sadd.s32 s5, s18;
	[sflag:s11] =	ssyncadd.s32 $0xFFFFFF80  }
0x5b: {  	[tilespmem:s12], [sflag:$0x1] =	stream.linear.gather [hbm4b:s18+s3], $0x80, $0x38;
	[tilespmem:$0x600] =	vst v63  }
0x5c: {  	_ =	swait.ge [sflag:s11], $0x80  }
0x5d: {  	[sflag:s11] =	ssyncset.done $0x0  }
0x5e: {  	[sflag:s11] =	ssyncadd.s32 $0xFFFFFF80  }
0x5f: {  	[spmem:s2] =	stream.indirect.scatter.add.f32 [tilespmem:s12], [sflag:$0x1], $0x1, s3, s12, $0xb8;
	[tilespmem:$0x600] =	vst v63  }
0x60: {  	_ =	swait.ge [sflag:s11], $0x80  }
0x61: {  	s17 =	sadd.s32 $0x1, s17;
	[sflag:s11] =	ssyncset.done $0x0  }
0x62: {  	p0 =	sne.s32 s17, s9;
	[sflag:s11] =	ssyncadd.s32 $0xFFFFFF80  }
.Ltmp1:
0x63: {  	[bflag:$0x0] =	sbarrier.arrive $0xFFFF;
	(pc) =	sbr.rel @p0 .LBB2_1-.Ltmp1, $4  }
0x64: {  	[hbm:s8@s15], [sflag:s13] =	dma.strided [spmem:s14@s16], $0x50, s11, $0x10   }
0x65: {  	_ =	swait.ge [sflag:s11], $0x50  }
0x66: {  	[sflag:s11] =	ssyncset.done $0x0  }
0x67: {  	[sflag:s11] =	ssyncadd.s32 $0xFFFFFFB0  }
0x68: {  	_ =	sfence.sel $0x180000  }
0x69: {  	[bflag:$0x0] =	sbarrier.arrive $0xFFFF  }
0x6a: {  	p0 =	sne.s32 s1, $0x0;
	_ =	strace $0x90000047  }
0x6b: {  	s0 =	sadd.s32 @!p0 $0x100000, s0;
	[bflag:$0x2] =	sbarrier.arrive $0xFFFF  }
0x6c: {  	[sflag:s0] =	ssyncadd.tile.s32 @!p0 $0x1;
	_ =	shalt  }
.Lfunc_end2:
_tile_overlayer_lowered:
.L_overlay_start_2:
0x6d: {  	(tag) =	ssettag $0x2  }
0x6e: {  	s0 =	rddreg [dreg:$0x0];
	s2 =	stileid.u32  }
0x6f: {  	s1 =	rddreg [dreg:$0x1];
	p0 =	sne.s32 s2, $0x0  }
0x70: {  	s3 =	rddreg [dreg:$0x2];
	[bflag:$0x3] =	sbarrier.arrive $0xFFFF;
	s2 =	simm.s32 @!p0 $0x1C01  }
0x71: {  	[timem:s3], [sflag:s2] =	dma.local @!p0 [hbm:s0], s1  }
0x72: {  	s0 =	simm.s32 @!p0 $0x1  }
0x73: {  	_ =	swait.ge @!p0 [sflag:s0], s1  }
0x74: {  	s1 =	ssub.s32 @!p0 $0x0, s1;
	[sflag:s0] =	ssyncset.done @!p0 $0x0  }
0x75: {  	[sflag:s0] =	ssyncadd.s32 @!p0 s1  }
0x76: {  	[bflag:$0x3] =	sbarrier.arrive $0xFFFF  }
0x77: {  	_ =	shalt  }

// kernel: kernel.14.cloned.1.call-start
scs
__scs_entry_jumppad:
0x0: {  	(pc) =	sbr.rel $0x88, $3  }
0x1: {  	(tag) =	ssettag $0x0;
	lr =	simm.s32 $0x1  }
0x2: {  	[smem:$0x3F8E] =	sst lr;
	_ =	strace $0xD0000000  }
0x3: {  	_ = 	snop  }
0x4: {  	_ = 	snop  }
0x5: {  	_ = 	snop  }
0x6: {  	_ = 	snop  }
0x7: {  	_ = 	snop  }
__scs_overlays_trampoline_lowered:
0x8: {  	[smem:$0x3F9D] =	sst s0  }
0x9: {  	[smem:$0x3F9E] =	sst s1  }
0xa: {  	[smem:$0x3F9F] =	sst s2  }
0xb: {  	[smem:$0x3FA0] =	sst s3  }
0xc: {  	[smem:$0x3FA1] =	sst s4  }
0xd: {  	[smem:$0x3FA2] =	sst s5  }
0xe: {  	[smem:$0x3FA3] =	sst s6  }
0xf: {  	[smem:$0x3FA4] =	sst s7  }
0x10: {  	[smem:$0x3FA5] =	sst s8  }
0x11: {  	[smem:$0x3FA6] =	sst s9;
	s0 =	simm.s32 @!p0 $0x0  }
0x12: {  	s1 =	sld [smem:$0x3F8C];
	s0 =	simm.s32 @p0 $0x1  }
0x13: {  	[smem:$0x3FA7] =	sst s0;
	s0 =	simm.s32 @!p1 $0x0  }
0x14: {  	s2 =	sld [smem:$0x3F8B];
	s0 =	simm.s32 @p1 $0x1  }
0x15: {  	[smem:$0x3FA8] =	sst s0;
	s0 =	simm.s32 @!p2 $0x0  }
0x16: {  	s3 =	sld [smem:$0x3FDB];
	s0 =	simm.s32 @p2 $0x1  }
0x17: {  	s4 =	simm.s32 $0x1BF5;
	[smem:$0x3FAA] =	sst s0  }
0x18: {  	s0 =	sld [smem:$0x3F8D];
	_ =	swait.ge [sflag:s4], $0x0  }
0x19: {  	s7 =	sld [smem:$0x3F8E]  }
0x1a: {  	s8 =	sadd.s32 $0xFFFFE003, lr  }
0x1b: {  	s9 =	sadd.s32 $0xFFFFFEF7, lr;
	s5 =	simm.s32 $0xFFFFFFFF;
	p2 =	slt.u32 s8, $0xFFFFF086  }
0x1c: {  	p1 =	slt.u32 s9, $0xF7A;
	s5 =	simm.s32 @!p2 $0x0  }
0x1d: {  	s5 =	simm.s32 @p1 $0x1;
	p0 =	seq.s32 s7, s2  }
0x1e: {  	s7 =	smul.u32 @!p0 $0xF7A, s2;
	p2 =	seq.s32 @!p0 s5, $0x0  }
0x1f: {  	s9 =	smul.u32 $0xF7A, s1;
	s8 =	simm.s32 @!p0 $0x1BF5;
	p2 =	por !p2, p0  }
0x20: {  	[sflag:s8] =	ssyncset.s32 @!p0 $0xFFFFF086;
	s6 =	sadd.s32 @!p0 s3, s7;
	s7 =	simm.s32 @!p0 $0x108  }
0x21: {  	s3 =	sadd.s32 s3, s9;
	s6 =	sadd.s32 @!p0 $0x88, s6;
	s7 =	simm.s32 @p2 $0x1082  }
0x22: {  	[simem:s7], [sflag:s8] =	dma.local @!p0 [hbm:s6], $0xF7A  }
0x23: {  	s9 =	sor.u32 $0xD0000000, s2;
	s6 =	simm.s32 $0x108;
	_ =	swait.ge @!p0 [sflag:s8], $0x0  }
0x24: {  	s3 =	sadd.s32 $0x88, s3;
	s6 =	simm.s32 @!p1 $0x1082;
	[sflag:s4] =	ssyncset.s32 $0xFFFFF086  }
0x25: {  	[simem:s6], [sflag:s4] =	dma.local [hbm:s3], $0xF7A  }
0x26: {  	[smem:$0x3F8E] =	sst s1;
	(tag) =	ssettag s2;
	_ =	strace s9  }
0x27: {  	s1 =	sld [smem:$0x3F9E]  }
0x28: {  	s2 =	sld [smem:$0x3F9F]  }
0x29: {  	s4 =	sld [smem:$0x3FA1]  }
0x2a: {  	p0 =	seq.s32 s5, $0x0;
	s5 =	sld [smem:$0x3FA2]  }
0x2b: {  	s6 =	sld [smem:$0x3FA3]  }
0x2c: {  	s7 =	sld [smem:$0x3FA4]  }
0x2d: {  	s3 =	simm.s32 $0x108;
	s8 =	sld [smem:$0x3FA5]  }
0x2e: {  	s3 =	simm.s32 @!p0 $0x1082;
	s9 =	sld [smem:$0x3FA6]  }
0x2f: {  	lr =	sadd.s32 s0, s3;
	s0 =	sld [smem:$0x3F9D]  }
0x30: {  	s3 =	sld [smem:$0x3FA0]  }
0x31: {  	[smem:$0x3FA9] =	sst s10  }
0x32: {  	s10 =	sld [smem:$0x3FA7];
	_ =	sdelay $0x3  }
0x33: {  	p0 =	seq.s32 s10, $0x1;
	s10 =	sld [smem:$0x3FA9];
	_ =	sdelay $0x3  }
0x34: {  	[smem:$0x3FA9] =	sst s10  }
0x35: {  	s10 =	sld [smem:$0x3FA8];
	_ =	sdelay $0x3  }
0x36: {  	p1 =	seq.s32 s10, $0x1;
	s10 =	sld [smem:$0x3FA9];
	_ =	sdelay $0x3  }
0x37: {  	[smem:$0x3FA9] =	sst s10  }
0x38: {  	s10 =	sld [smem:$0x3FAA]  }
0x39: {  	_ = 	snop;
	(pc) =	sbr.ind lr, $3  }
0x3a: {  	_ = 	snop  }
0x3b: {  	_ = 	snop  }
0x3c: {  	p2 =	seq.s32 s10, $0x1;
	s10 =	sld [smem:$0x3FA9]  }
0x3d: {  	_ =	shalt  }
0x3e: {  	_ =	shalt  }
0x3f: {  	_ =	shalt  }
0x40: {  	_ =	shalt  }
0x41: {  	_ =	shalt  }
0x42: {  	_ =	shalt  }
0x43: {  	_ =	shalt  }
0x44: {  	_ =	shalt  }
0x45: {  	_ =	shalt  }
0x46: {  	_ =	shalt  }
0x47: {  	_ =	shalt  }
0x48: {  	_ =	shalt  }
0x49: {  	_ =	shalt  }
0x4a: {  	_ =	shalt  }
0x4b: {  	_ =	shalt  }
0x4c: {  	_ =	shalt  }
0x4d: {  	_ =	shalt  }
0x4e: {  	_ =	shalt  }
0x4f: {  	_ =	shalt  }
0x50: {  	_ =	shalt  }
0x51: {  	_ =	shalt  }
0x52: {  	_ =	shalt  }
0x53: {  	_ =	shalt  }
0x54: {  	_ =	shalt  }
0x55: {  	_ =	shalt  }
0x56: {  	_ =	shalt  }
0x57: {  	_ =	shalt  }
0x58: {  	_ =	shalt  }
0x59: {  	_ =	shalt  }
0x5a: {  	_ =	shalt  }
0x5b: {  	_ =	shalt  }
0x5c: {  	_ =	shalt  }
0x5d: {  	_ =	shalt  }
0x5e: {  	_ =	shalt  }
0x5f: {  	_ =	shalt  }
0x60: {  	_ =	shalt  }
0x61: {  	_ =	shalt  }
0x62: {  	_ =	shalt  }
0x63: {  	_ =	shalt  }
0x64: {  	_ =	shalt  }
0x65: {  	_ =	shalt  }
0x66: {  	_ =	shalt  }
0x67: {  	_ =	shalt  }
0x68: {  	_ =	shalt  }
0x69: {  	_ =	shalt  }
0x6a: {  	_ =	shalt  }
0x6b: {  	_ =	shalt  }
0x6c: {  	_ =	shalt  }
0x6d: {  	_ =	shalt  }
0x6e: {  	_ =	shalt  }
0x6f: {  	_ =	shalt  }
0x70: {  	_ =	shalt  }
0x71: {  	_ =	shalt  }
0x72: {  	_ =	shalt  }
0x73: {  	_ =	shalt  }
0x74: {  	_ =	shalt  }
0x75: {  	_ =	shalt  }
0x76: {  	_ =	shalt  }
0x77: {  	_ =	shalt  }
0x78: {  	_ =	shalt  }
0x79: {  	_ =	shalt  }
0x7a: {  	_ =	shalt  }
0x7b: {  	_ =	shalt  }
0x7c: {  	_ =	shalt  }
0x7d: {  	_ =	shalt  }
0x7e: {  	_ =	shalt  }
0x7f: {  	_ =	shalt  }
0x80: {  	_ =	shalt  }
0x81: {  	_ =	shalt  }
0x82: {  	_ =	shalt  }
0x83: {  	_ =	shalt  }
0x84: {  	_ =	shalt  }
0x85: {  	_ =	shalt  }
0x86: {  	_ =	shalt  }
0x87: {  	_ =	shalt  }
.Lfunc_end0:
.L_simem_size_0:
called_computation.1_lowered:
.L_overlay_start_0:
0x88: {  	s2 =	sld [smem:$0x3FD9]  }
0x89: {  	s3 =	sld [smem:$0x3FFE];
	_ =	sdelay $0x1  }
0x8a: {  	s1 =	srdreg.scid  }
0x8b: {  	s0 =	sand.u32 $0x1, s1  }
0x8c: {  	s17 =	sshll.u32 s0, $0xA;
	s2 =	sadd.s32 s3, s2  }
0x8d: {  	s2 =	sadd.s32 s2, s17  }
0x8e: {  	[smem:$0x3FB5] =	sst s2  }
0x8f: {  	_ = 	snop  }
0x90: {  	s2 =	sld [smem:$0x3FD0];
	(tm) =	ssettm $0x1  }
0x91: {  	s18 =	sld [smem:$0x3FFB];
	_ =	sdelay $0x3  }
0x92: {  	_ =	strace s18  }
0x93: {  	s3 =	sld [smem:$0x3FFC];
	_ =	sdelay $0x3  }
0x94: {  	_ =	strace s3  }
0x95: {  	s3 =	sld [smem:$0x3FFD];
	_ =	sdelay $0x3  }
0x96: {  	_ =	strace s3  }
0x97: {  	_ =	strace $0x8FFFFFFF  }
0x98: {  	s19 =	sld [smem:$0x3FDB];
	_ =	sdelay $0x1  }
0x99: {  	s4 =	simm.s32 $_scs_section_size  }
0x9a: {  	s5 =	simm.s32 $_size__tile_overlayer_lowered;
	s6 =	simm.s32 $_tile_overlayer_lowered  }
0x9b: {  	s22 =	simm.s32 $0x1BFF;
	s21 =	sshll.u32 s6, $0x1;
	s3 =	sadd.s32 s4, s19  }
0x9c: {  	s7 =	simm.s32 $0x0;
	s20 =	sshll.u32 s5, $0x1;
	s5 =	sadd.s32 s21, s3  }
0x9d: {  	[timem:s7], [sflag:s22] =	dma.local [hbm:s5], s20  }
0x9e: {  	_ =	swait.ge [sflag:s22], s20  }
0x9f: {  	s4 =	ssub.s32 $0x0, s20;
	[sflag:s22] =	ssyncset.done $0x0  }
0xa0: {  	[sflag:s22] =	ssyncadd.s32 s4;
	_ =	sdelay $0x1  }
0xa1: {  	s23 =	simm.s32 $0x1B8B  }
0xa2: {  	_ =	swait.ge [sflag:s23], $0x1  }
0xa3: {  	[sflag:s23] =	ssyncset.done $0x0  }
0xa4: {  	s25 =	simm.s32 $0x1B8E;
	s24 =	sld [smem:$0x3FFE];
	[sflag:s23] =	ssyncadd.s32 $0xFFFFFFFF  }
0xa5: {  	s26 =	simm.s32 $execute0_lowered;
	[smem:$0x3FD2] =	sst s25  }
0xa6: {  	s5 =	sshll.u32 s26, $0x1;
	_ =	strace $0x80000049;
	[dreg:$0x1] =	wrdreg $0xFFFFFFFF  }
0xa7: {  	s28 =	simm.s32 $_size_execute0_lowered;
	s3 =	sadd.s32 s3, s5;
	[dreg:$0x0] =	wrdreg $0x0  }
0xa8: {  	s5 =	sshll.u32 s28, $0x1;
	[dreg:$0x2] =	wrdreg s3  }
0xa9: {  	[dreg:$0x3] =	wrdreg s5  }
0xaa: {  	[dreg:$0x4] =	wrdreg $0xC0  }
0xab: {  	_ =	task [dreg:s7], $0x5FFFF  }
0xac: {  	[dreg:$0x1] =	wrdreg $0xFFFFFFFF  }
0xad: {  	[dreg:$0x0] =	wrdreg $0x60  }
0xae: {  	[dreg:$0x2] =	wrdreg s24  }
0xaf: {  	[dreg:$0x3] =	wrdreg s2  }
0xb0: {  	[dreg:$0x4] =	wrdreg $0x41800  }
0xb1: {  	[dreg:$0x5] =	wrdreg $0x9  }
0xb2: {  	_ =	task.clear_ibuf [dreg:s7], $0x6FFFF;
	_ =	strace $0x90000049  }
0xb3: {  	s29 =	simm.s32 $0x9;
	_ =	strace $0x8000004B  }
0xb4: {  	_ =	swait.ge [sflag:s29], $0x1  }
0xb5: {  	[sflag:s29] =	ssyncadd.s32 $0xFFFFFFFF  }
0xb6: {  	_ =	strace $0x9000004B  }
0xb7: {  	_ =	sfence  }
0xb8: {  	s30 =	sld [smem:$0x0];
	_ =	sdelay $0x2  }
0xb9: {  	s31 =	sshll.u32 s1, $0xD;
	s1 =	sshrl.u32 s1, $0x2  }
0xba: {  	s3 =	sand.u32 $0x4000, s31;
	s1 =	sadd.s32 s1, s30  }
0xbb: {  	s0 =	sor.u32 s3, s0;
	s1 =	sshll.u32 s1, $0x11  }
0xbc: {  	s0 =	sor.u32 s1, s0  }
0xbd: {  	s0 =	sadd.s32 $0x8F2B, s0  }
0xbe: {  	[sflag:s0] =	ssyncadd.remote.s32 $0x1  }
0xbf: {  	_ =	sfence.sel $0xFFFF  }
0xc0: {  	[dreg:$0x0] =	wrdreg $0xFFFFFFFF;
	(pc) =	sbr.abs _section_cstart, $3  }
0xc1: {  	[dreg:$0x1] =	wrdreg $0xFFFFFFFF  }
0xc2: {  	_ =	task.clear_ibuf [dreg:s7], $0x2FFFF;
	_ =	strace $0x9FFFFFFF  }
0xc3: {  	(tm) =	ssettm $0x7FFFFFFF  }
tec
execute0_lowered:
.L_overlay_start_1:
0x0: {  	(tag) =	ssettag $0x1  }
0x1: {  	s0 =	rddreg [dreg:$0x0]  }
0x2: {  	s1 =	rddreg [dreg:$0x1]  }
0x3: {  	s2 =	rddreg [dreg:$0x2]  }
0x4: {  	s3 =	simm.s32 $0x0;
	s30 =	srdreg.scid;
	s4 =	stileid.u32  }
0x5: {  	s22 =	simm.s32 $0x2;
	s23 =	simm.s32 $0x180;
	s24 =	simm.s32 $0x80  }
0x6: {  	s25 =	simm.s32 $0x100;
	s26 =	simm.s32 $0x1;
	s28 =	simm.s32 $0x0  }
0x7: {  	s29 =	simm.s32 $0x0;
	[smem:$0x7FF] =	sst s3;
	s5 =	sadd.s32 $0x19400, s0  }
0x8: {  	s6 =	sadd.s32 $0x4A00, s0;
	s3 =	sand.u32 $0x1, s30;
	s7 =	sadd.s32 $0xEA00, s0  }
0x9: {  	s10 =	smul.u32 $0x50000, s4;
	s8 =	sadd.s32 $0x18A00, s0;
	s0 =	sadd.s32 $0x23400, s0  }
0xa: {  	s12 =	sshll.u32 s4, $0x1;
	s13 =	smul.u32 $0x14000, s4;
	_ =	strace $0x8000004A  }
0xb: {  	s9 =	ssub.s32 $0x2, s3;
	s14 =	sor.u32 s3, s12;
	s3 =	smul.u32 $0x140000, s3  }
0xc: {  	s11 =	sshrl.u32 s9, $0x1;
	s10 =	sshrl.u32 s10, $0x2;
	s15 =	sadd.s32 $0x4000, s13  }
0xd: {  	s17 =	sadd.s32 $0x8000, s13;
	s18 =	sadd.s32 $0xC000, s13;
	s19 =	sadd.s32 $0x10000, s13  }
0xe: {  	s14 =	smul.u32 $0x2800, s14;
	s20 =	ssub.s32 s9, s11;
	s9 =	sadd.s32 s10, s2  }
0xf: {  	s10 =	sadd.s32 s15, s2;
	s11 =	sadd.s32 s17, s2;
	s12 =	sadd.s32 s18, s2  }
0x10: {  	s16 =	sadd.s32 s13, s3;
	s13 =	sadd.s32 s19, s2;
	s21 =	sadd.s32 s3, s15  }
0x11: {  	s17 =	sadd.s32 s3, s17;
	s18 =	sadd.s32 s3, s18;
	s3 =	sadd.s32 s3, s19  }
0x12: {  	s16 =	sshrl.u32 s16, $0x3;
	s31 =	sshrl.u32 s21, $0x3;
	s17 =	sshrl.u32 s17, $0x3  }
0x13: {  	s18 =	sshrl.u32 s18, $0x3;
	s3 =	sshrl.u32 s3, $0x3;
	s20 =	smax.u32 s20, $0x1  }
0x14: {  	s21 =	simm.s32 $0x18180;
	s15 =	sadd.s32 s0, s16;
	s16 =	sadd.s32 s0, s31  }
0x15: {  	v0 =	vimm.f32 $0.0e+00;
	s17 =	sadd.s32 s0, s17;
	s18 =	sadd.s32 s0, s18;
	s19 =	sadd.s32 s0, s3  }
.LBB2_1:
0x16: {  	s0 =	simm.s32 $0x0  }
0x17: {  	[tilespmem:s21], [sflag:$0x2] =	stream.linear.gather [hbm4b:s8+s0], $0x2800, $0x38;
	[tilespmem:$0x1A980] =	vst v63  }
0x18: {  	_ =	swait.ge [sflag:s22], $0x2800  }
0x19: {  	[sflag:s22] =	ssyncset.done $0x0  }
0x1a: {  	s3 =	simm.s32 $0x200;
	s0 =	simm.s32 $0x0;
	[sflag:s22] =	ssyncadd.s32 $0xFFFFD800  }
.LBB2_2:
0x1b: {  	p0 =	sne.s32 s3, $0xFE00;
	[tilespmem:s0+$0x1F0] =	vst v0  }
0x1c: {  	[tilespmem:s0+$0x180] =	vst v0  }
0x1d: {  	[tilespmem:s0+$0x190] =	vst v0  }
.Ltmp0:
0x1e: {  	[tilespmem:s0+$0x1A0] =	vst v0;
	(pc) =	sbr.rel @p0 .LBB2_2-.Ltmp0, $4  }
0x1f: {  	[tilespmem:s0+$0x1B0] =	vst v0  }
0x20: {  	[tilespmem:s0+$0x1C0] =	vst v0  }
0x21: {  	[tilespmem:s0+$0x1D0] =	vst v0  }
0x22: {  	[tilespmem:s0+$0x1E0] =	vst v0;
	s0 =	sshra.s32 s3, $0x2;
	s3 =	sadd.s32 $0x200, s3  }
0x23: {  	[tilespmem:s0+$0x1F0] =	vst v0  }
0x24: {  	[tilespmem:s0+$0x180] =	vst v0  }
0x25: {  	[tilespmem:s0+$0x190] =	vst v0  }
0x26: {  	[tilespmem:s0+$0x1A0] =	vst v0  }
0x27: {  	[tilespmem:s0+$0x1B0] =	vst v0  }
0x28: {  	[tilespmem:s0+$0x1C0] =	vst v0  }
0x29: {  	[tilespmem:s0+$0x1D0] =	vst v0  }
0x2a: {  	[tilespmem:s0+$0x1E0] =	vst v0  }
0x2b: {  	[spmem:s9] =	stream.linear.scatter [tilespmem:s23], [sflag:$0x2], $0x4000, $0x38;
	[tilespmem:$0x1A980] =	vst v63  }
0x2c: {  	_ =	swait.ge [sflag:s22], $0x4000  }
0x2d: {  	[sflag:s22] =	ssyncset.done $0x0  }
0x2e: {  	[sflag:s22] =	ssyncadd.s32 $0xFFFFC000  }
0x2f: {  	[spmem:s10] =	stream.linear.scatter [tilespmem:s23], [sflag:$0x2], $0x4000, $0x38;
	[tilespmem:$0x1A980] =	vst v63  }
0x30: {  	_ =	swait.ge [sflag:s22], $0x4000  }
0x31: {  	[sflag:s22] =	ssyncset.done $0x0  }
0x32: {  	[sflag:s22] =	ssyncadd.s32 $0xFFFFC000  }
0x33: {  	[spmem:s11] =	stream.linear.scatter [tilespmem:s23], [sflag:$0x2], $0x4000, $0x38;
	[tilespmem:$0x1A980] =	vst v63  }
0x34: {  	_ =	swait.ge [sflag:s22], $0x4000  }
0x35: {  	[sflag:s22] =	ssyncset.done $0x0  }
0x36: {  	[sflag:s22] =	ssyncadd.s32 $0xFFFFC000  }
0x37: {  	[spmem:s12] =	stream.linear.scatter [tilespmem:s23], [sflag:$0x2], $0x4000, $0x38;
	[tilespmem:$0x1A980] =	vst v63  }
0x38: {  	_ =	swait.ge [sflag:s22], $0x4000  }
0x39: {  	[sflag:s22] =	ssyncset.done $0x0  }
0x3a: {  	[sflag:s22] =	ssyncadd.s32 $0xFFFFC000  }
0x3b: {  	[spmem:s13] =	stream.linear.scatter [tilespmem:s23], [sflag:$0x2], $0x4000, $0x38;
	[tilespmem:$0x1A980] =	vst v63  }
0x3c: {  	_ =	swait.ge [sflag:s22], $0x4000  }
0x3d: {  	[sflag:s22] =	ssyncset.done $0x0  }
0x3e: {  	[sflag:s22] =	ssyncadd.s32 $0xFFFFC000  }
0x3f: {  	s30 =	simm.s32 $0x0;
	[bflag:$0x0] =	sbarrier.arrive $0xFFFF  }
.LBB2_4:
0x40: {  	s0 =	sshll.u32 s30, $0x7  }
0x41: {  	s3 =	sand.u32 $0x3C00, s0  }
0x42: {  	s0 =	sand.u32 $0x380, s0;
	s3 =	sadd.s32 s14, s3  }
0x43: {  	s0 =	sor.u32 s0, s3  }
0x44: {  	s0 =	sshrl.u32 s0, $0x3  }
0x45: {  	s4 =	sadd.s32 s5, s0  }
0x46: {  	[tilespmem:s29], [sflag:$0x2] =	stream.linear.gather [hbm4b:s4+s29], $0x80, $0x38;
	[tilespmem:$0x1A980] =	vst v63  }
0x47: {  	_ =	swait.ge [sflag:s22], $0x80  }
0x48: {  	[sflag:s22] =	ssyncset.done $0x0  }
0x49: {  	s4 =	sadd.s32 s6, s0;
	[sflag:s22] =	ssyncadd.s32 $0xFFFFFF80  }
0x4a: {  	[tilespmem:s24], [sflag:$0x2] =	stream.linear.gather [hbm4b:s4+s29], $0x80, $0x38;
	[tilespmem:$0x1A980] =	vst v63  }
0x4b: {  	_ =	swait.ge [sflag:s22], $0x80  }
0x4c: {  	[sflag:s22] =	ssyncset.done $0x0  }
0x4d: {  	s0 =	sadd.s32 s7, s0;
	[sflag:s22] =	ssyncadd.s32 $0xFFFFFF80  }
0x4e: {  	[tilespmem:s25], [sflag:$0x2] =	stream.linear.gather [hbm4b:s0+s29], $0x80, $0x38;
	[tilespmem:$0x1A980] =	vst v63  }
0x4f: {  	_ =	swait.ge [sflag:s22], $0x80  }
0x50: {  	[sflag:s22] =	ssyncset.done $0x0  }
0x51: {  	[sflag:s22] =	ssyncadd.s32 $0xFFFFFF80  }
0x52: {  	v1 =	vld [tilespmem:$0x0];
	_ =	sdelay $0x1  }
0x53: {  	v2 =	vld [tilespmem:$0x80];
	_ =	sdelay $0x4  }
0x54: {  	v3 =	vld [tilespmem:$0x100]  }
0x55: {  	v1 =	vld.idx.msk [tilespmem:v1+s21+$0x0], $0xffff  }
0x56: {  	v4 =	vld [tilespmem:$0x10]  }
0x57: {  	v2 =	vld.idx.msk [tilespmem:v2+s21+$0x0], $0xffff  }
0x58: {  	v5 =	vld [tilespmem:$0x90];
	_ =	sdelay $0x1  }
0x59: {  	v1 =	vmul.f32 v3, v1;
	_ =	sdelay $0x1  }
0x5a: {  	v1 =	vmul.f32 v1, v2;
	_ =	sdelay $0x1  }
0x5b: {  	v2 =	vld [tilespmem:$0x110];
	[tilespmem:$0x100] =	vst v1  }
0x5c: {  	v1 =	vld.idx.msk [tilespmem:v4+s21+$0x0], $0xffff  }
0x5d: {  	v3 =	vld.idx.msk [tilespmem:v5+s21+$0x0], $0xffff  }
0x5e: {  	v4 =	vld [tilespmem:$0x20]  }
0x5f: {  	v5 =	vld [tilespmem:$0xA0];
	_ =	sdelay $0x1  }
0x60: {  	v1 =	vmul.f32 v2, v1;
	_ =	sdelay $0x1  }
0x61: {  	v1 =	vmul.f32 v1, v3;
	_ =	sdelay $0x1  }
0x62: {  	v2 =	vld [tilespmem:$0x120];
	[tilespmem:$0x110] =	vst v1  }
0x63: {  	v1 =	vld.idx.msk [tilespmem:v4+s21+$0x0], $0xffff  }
0x64: {  	v3 =	vld.idx.msk [tilespmem:v5+s21+$0x0], $0xffff  }
0x65: {  	v4 =	vld [tilespmem:$0x30]  }
0x66: {  	v5 =	vld [tilespmem:$0xB0];
	_ =	sdelay $0x1  }
0x67: {  	v1 =	vmul.f32 v2, v1;
	_ =	sdelay $0x1  }
0x68: {  	v1 =	vmul.f32 v1, v3;
	_ =	sdelay $0x1  }
0x69: {  	v2 =	vld [tilespmem:$0x130];
	[tilespmem:$0x120] =	vst v1  }
0x6a: {  	v1 =	vld.idx.msk [tilespmem:v4+s21+$0x0], $0xffff  }
0x6b: {  	v3 =	vld.idx.msk [tilespmem:v5+s21+$0x0], $0xffff  }
0x6c: {  	v4 =	vld [tilespmem:$0x40]  }
0x6d: {  	v5 =	vld [tilespmem:$0xC0];
	_ =	sdelay $0x1  }
0x6e: {  	v1 =	vmul.f32 v2, v1;
	_ =	sdelay $0x1  }
0x6f: {  	v1 =	vmul.f32 v1, v3;
	_ =	sdelay $0x1  }
0x70: {  	v2 =	vld [tilespmem:$0x140];
	[tilespmem:$0x130] =	vst v1  }
0x71: {  	v1 =	vld.idx.msk [tilespmem:v4+s21+$0x0], $0xffff  }
0x72: {  	v3 =	vld.idx.msk [tilespmem:v5+s21+$0x0], $0xffff  }
0x73: {  	v4 =	vld [tilespmem:$0x50]  }
0x74: {  	v5 =	vld [tilespmem:$0xD0];
	_ =	sdelay $0x1  }
0x75: {  	v1 =	vmul.f32 v2, v1;
	_ =	sdelay $0x1  }
0x76: {  	v1 =	vmul.f32 v1, v3;
	_ =	sdelay $0x1  }
0x77: {  	v2 =	vld [tilespmem:$0x150];
	[tilespmem:$0x140] =	vst v1  }
0x78: {  	v1 =	vld.idx.msk [tilespmem:v4+s21+$0x0], $0xffff  }
0x79: {  	v3 =	vld.idx.msk [tilespmem:v5+s21+$0x0], $0xffff  }
0x7a: {  	v4 =	vld [tilespmem:$0x60];
	_ =	sdelay $0x1  }
0x7b: {  	v5 =	vld [tilespmem:$0xE0]  }
0x7c: {  	v1 =	vmul.f32 v2, v1;
	_ =	sdelay $0x1  }
0x7d: {  	v1 =	vmul.f32 v1, v3;
	_ =	sdelay $0x1  }
0x7e: {  	v2 =	vld [tilespmem:$0x160];
	[tilespmem:$0x150] =	vst v1  }
0x7f: {  	v1 =	vld.idx.msk [tilespmem:v4+s21+$0x0], $0xffff;
	_ =	sdelay $0x1  }
0x80: {  	v3 =	vld.idx.msk [tilespmem:v5+s21+$0x0], $0xffff  }
0x81: {  	v4 =	vld [tilespmem:$0x70];
	_ =	sdelay $0x1  }
0x82: {  	v1 =	vmul.f32 v2, v1;
	v2 =	vld [tilespmem:$0xF0];
	_ =	sdelay $0x2  }
0x83: {  	v1 =	vmul.f32 v1, v3;
	_ =	sdelay $0x1  }
0x84: {  	v3 =	vld [tilespmem:$0x170];
	[tilespmem:$0x160] =	vst v1  }
0x85: {  	v1 =	vld.idx.msk [tilespmem:v4+s21+$0x0], $0xffff;
	_ =	sdelay $0x1  }
0x86: {  	v2 =	vld.idx.msk [tilespmem:v2+s21+$0x0], $0xffff;
	_ =	sdelay $0x2  }
0x87: {  	v1 =	vmul.f32 v3, v1;
	_ =	sdelay $0x1  }
0x88: {  	v1 =	vmul.f32 v1, v2;
	_ =	sdelay $0x1  }
0x89: {  	[tilespmem:$0x170] =	vst v1  }
0x8a: {  	[tilespmem:s23], [sflag:$0x1] =	stream.indirect.gather [hbm4b:s1+s24], $0x80, s29, s24, $0xb8;
	[tilespmem:$0x1A980] =	vst v63  }
0x8b: {  	_ =	swait.ge [sflag:s26], $0x4000  }
0x8c: {  	v1 =	vmov s29;
	[sflag:s26] =	ssyncset.done $0x0  }
0x8d: {  	s31 =	simm.s32 $0x1C0;
	[sflag:s26] =	ssyncadd.s32 $0xFFFFC000  }
0x8e: {  	v5 =	vld [tilespmem:s31+$0x30]  }
0x8f: {  	v8 =	vld [tilespmem:s31+$0x10]  }
0x90: {  	v6 =	vld [tilespmem:s31+$0xFFFFFFC0]  }
0x91: {  	v2 =	vld.idx.msk [tilespmem:v1+s25+$0x0], $0xffff  }
0x92: {  	v10 =	vld [tilespmem:s31+$0xFFFFFFE0]  }
0x93: {  	v1 =	vld [tilespmem:s31+$0xFFFFFFF0]  }
0x94: {  	v3 =	vld [tilespmem:s31+$0x20]  }
0x95: {  	v4 =	vld [tilespmem:s31+$0xFFFFFFD0]  }
0x96: {  	v9 =	vmul.f32 v5, v2;
	v5 =	vld [tilespmem:s31+$0x0]  }
0x97: {  	v7 =	vmul.f32 v6, v2  }
0x98: {  	s3 =	simm.s32 $0x1C0;
	s0 =	simm.s32 $0x1;
	v6 =	vmul.f32 v10, v2;
	v8 =	vmul.f32 v8, v2  }
.LBB2_5:
0x99: {  	p0 =	sne.s32 s0, $0x7F  }
0x9a: {  	v4 =	vmul.f32 v4, v2;
	v3 =	vmul.f32 v3, v2;
	[tilespmem:s31+$0x30] =	vst v9;
	s3 =	sadd.s32 $0x80, s3;
	s4 =	smov.u32 s0;
	s0 =	sadd.s32 $0x1, s0  }
0x9b: {  	[tilespmem:s31+$0xFFFFFFC0] =	vst v7;
	v7 =	vmul.f32 v1, v2;
	v2 =	vmul.f32 v5, v2  }
0x9c: {  	[tilespmem:s31+$0x10] =	vst v8  }
0x9d: {  	v5 =	vmov s4;
	[tilespmem:s31+$0xFFFFFFE0] =	vst v6  }
0x9e: {  	v1 =	vld [tilespmem:s3+$0xFFFFFFF0];
	[tilespmem:s31+$0xFFFFFFF0] =	vst v7  }
0x9f: {  	v6 =	vld [tilespmem:s3+$0x30];
	[tilespmem:s31+$0x0] =	vst v2  }
0xa0: {  	v8 =	vld [tilespmem:s3+$0x10];
	[tilespmem:s31+$0x20] =	vst v3  }
0xa1: {  	v7 =	vld [tilespmem:s3+$0xFFFFFFC0];
	[tilespmem:s31+$0xFFFFFFD0] =	vst v4;
	s31 =	smov.u32 s3  }
0xa2: {  	v2 =	vld.idx.msk [tilespmem:v5+s25+$0x0], $0xffff  }
0xa3: {  	v10 =	vld [tilespmem:s3+$0xFFFFFFE0]  }
0xa4: {  	v3 =	vld [tilespmem:s3+$0x20]  }
.Ltmp1:
0xa5: {  	v4 =	vld [tilespmem:s3+$0xFFFFFFD0];
	(pc) =	sbr.rel @p0 .LBB2_5-.Ltmp1, $3  }
0xa6: {  	v5 =	vld [tilespmem:s3+$0x0];
	_ =	sdelay $0x1  }
0xa7: {  	v7 =	vmul.f32 v7, v2;
	v9 =	vmul.f32 v6, v2  }
0xa8: {  	v8 =	vmul.f32 v8, v2;
	v6 =	vmul.f32 v10, v2  }
0xa9: {  	[tilespmem:s31+$0x30] =	vst v9  }
0xaa: {  	[tilespmem:s31+$0xFFFFFFC0] =	vst v7  }
0xab: {  	v1 =	vmul.f32 v1, v2;
	[tilespmem:s31+$0x10] =	vst v8  }
0xac: {  	v3 =	vmul.f32 v3, v2;
	[tilespmem:s31+$0xFFFFFFE0] =	vst v6  }
0xad: {  	v5 =	vmul.f32 v5, v2;
	[tilespmem:s31+$0xFFFFFFF0] =	vst v1  }
0xae: {  	s30 =	sadd.s32 $0x1, s30;
	v1 =	vmul.f32 v4, v2;
	[tilespmem:s31+$0x20] =	vst v3  }
0xaf: {  	p0 =	sne.s32 s30, $0x4F;
	[tilespmem:s31+$0x0] =	vst v5  }
.Ltmp2:
0xb0: {  	[tilespmem:s31+$0xFFFFFFD0] =	vst v1;
	(pc) =	sbr.rel @p0 .LBB2_4-.Ltmp2, $4  }
0xb1: {  	[spmem:s2] =	stream.indirect.scatter.add.f32 [tilespmem:s23], [sflag:$0x2], $0x80, s24, s24, $0xb8;
	[tilespmem:$0x1A980] =	vst v63  }
0xb2: {  	_ =	swait.ge [sflag:s22], $0x4000  }
0xb3: {  	[sflag:s22] =	ssyncset.done $0x0  }
0xb4: {  	[sflag:s22] =	ssyncadd.s32 $0xFFFFC000  }
0xb5: {  	s0 =	stileid.u32  }
0xb6: {  	s0 =	sshll.u32 s0, $0x6  }
0xb7: {  	[bflag:$0x0] =	sbarrier.arrive $0xFFFF;
	s3 =	sshrl.u32 s9, $0x3;
	s0 =	sor.u32 $0x1C02, s0  }
0xb8: {  	[hbm:s15], [sflag:s0] =	dma.local [spmem:s3], $0x800  }
0xb9: {  	_ =	swait.ge [sflag:s22], $0x800  }
0xba: {  	[sflag:s22] =	ssyncset.done $0x0  }
0xbb: {  	s31 =	sshrl.u32 s10, $0x3;
	[sflag:s22] =	ssyncadd.s32 $0xFFFFF800  }
0xbc: {  	[hbm:s16], [sflag:s0] =	dma.local [spmem:s31], $0x800  }
0xbd: {  	_ =	swait.ge [sflag:s22], $0x800  }
0xbe: {  	[sflag:s22] =	ssyncset.done $0x0  }
0xbf: {  	s4 =	sshrl.u32 s11, $0x3;
	[sflag:s22] =	ssyncadd.s32 $0xFFFFF800  }
0xc0: {  	[hbm:s17], [sflag:s0] =	dma.local [spmem:s4], $0x800  }
0xc1: {  	_ =	swait.ge [sflag:s22], $0x800  }
0xc2: {  	[sflag:s22] =	ssyncset.done $0x0  }
0xc3: {  	s30 =	sshrl.u32 s12, $0x3;
	[sflag:s22] =	ssyncadd.s32 $0xFFFFF800  }
0xc4: {  	[hbm:s18], [sflag:s0] =	dma.local [spmem:s30], $0x800  }
0xc5: {  	s28 =	sadd.s32 $0x1, s28;
	_ =	swait.ge [sflag:s22], $0x800  }
0xc6: {  	p0 =	sne.s32 s28, s20;
	[sflag:s22] =	ssyncset.done $0x0  }
.Ltmp3:
0xc7: {  	s31 =	sshrl.u32 s13, $0x3;
	[sflag:s22] =	ssyncadd.s32 $0xFFFFF800;
	(pc) =	sbr.rel @p0 .LBB2_1-.Ltmp3, $4  }
0xc8: {  	[hbm:s19], [sflag:s0] =	dma.local [spmem:s31], $0x800  }
0xc9: {  	_ =	swait.ge [sflag:s22], $0x800  }
0xca: {  	[sflag:s22] =	ssyncset.done $0x0  }
0xcb: {  	[sflag:s22] =	ssyncadd.s32 $0xFFFFF800  }
0xcc: {  	_ =	sfence.sel $0x180000  }
0xcd: {  	[bflag:$0x0] =	sbarrier.arrive $0xFFFF  }
0xce: {  	_ =	strace $0x9000004A  }
0xcf: {  	s0 =	stileid.u32;
	[bflag:$0x2] =	sbarrier.arrive $0xFFFF  }
0xd0: {  	p0 =	sne.s32 s0, $0x0;
	s0 =	rddreg [dreg:$0x3]  }
0xd1: {  	s0 =	sadd.s32 @!p0 $0x100000, s0  }
0xd2: {  	[sflag:s0] =	ssyncadd.tile.s32 @!p0 $0x1;
	_ =	shalt  }
.Lfunc_end2:
_tile_overlayer_lowered:
.L_overlay_start_2:
0xd3: {  	(tag) =	ssettag $0x2  }
0xd4: {  	s0 =	rddreg [dreg:$0x0];
	s2 =	stileid.u32  }
0xd5: {  	s1 =	rddreg [dreg:$0x1];
	p0 =	sne.s32 s2, $0x0  }
0xd6: {  	s3 =	rddreg [dreg:$0x2];
	[bflag:$0x3] =	sbarrier.arrive $0xFFFF;
	s2 =	simm.s32 @!p0 $0x1C02  }
0xd7: {  	[timem:s3], [sflag:s2] =	dma.local @!p0 [hbm:s0], s1  }
0xd8: {  	s0 =	simm.s32 @!p0 $0x2  }
0xd9: {  	_ =	swait.ge @!p0 [sflag:s0], s1  }
0xda: {  	s1 =	ssub.s32 @!p0 $0x0, s1;
	[sflag:s0] =	ssyncset.done @!p0 $0x0  }
0xdb: {  	[sflag:s0] =	ssyncadd.s32 @!p0 s1  }
0xdc: {  	[bflag:$0x3] =	sbarrier.arrive $0xFFFF  }
0xdd: {  	_ =	shalt  }

// kernel: kernel.17.cloned.1.call-start
scs
__scs_entry_jumppad:
0x0: {  	(pc) =	sbr.rel $0x88, $3  }
0x1: {  	(tag) =	ssettag $0x0;
	lr =	simm.s32 $0x1  }
0x2: {  	[smem:$0x3F8E] =	sst lr;
	_ =	strace $0xD0000000  }
0x3: {  	_ = 	snop  }
0x4: {  	_ = 	snop  }
0x5: {  	_ = 	snop  }
0x6: {  	_ = 	snop  }
0x7: {  	_ = 	snop  }
__scs_overlays_trampoline_lowered:
0x8: {  	[smem:$0x3F9D] =	sst s0  }
0x9: {  	[smem:$0x3F9E] =	sst s1  }
0xa: {  	[smem:$0x3F9F] =	sst s2  }
0xb: {  	[smem:$0x3FA0] =	sst s3  }
0xc: {  	[smem:$0x3FA1] =	sst s4  }
0xd: {  	[smem:$0x3FA2] =	sst s5  }
0xe: {  	[smem:$0x3FA3] =	sst s6  }
0xf: {  	[smem:$0x3FA4] =	sst s7  }
0x10: {  	[smem:$0x3FA5] =	sst s8  }
0x11: {  	[smem:$0x3FA6] =	sst s9;
	s0 =	simm.s32 @!p0 $0x0  }
0x12: {  	s1 =	sld [smem:$0x3F8C];
	s0 =	simm.s32 @p0 $0x1  }
0x13: {  	[smem:$0x3FA7] =	sst s0;
	s0 =	simm.s32 @!p1 $0x0  }
0x14: {  	s2 =	sld [smem:$0x3F8B];
	s0 =	simm.s32 @p1 $0x1  }
0x15: {  	[smem:$0x3FA8] =	sst s0;
	s0 =	simm.s32 @!p2 $0x0  }
0x16: {  	s3 =	sld [smem:$0x3FDB];
	s0 =	simm.s32 @p2 $0x1  }
0x17: {  	s4 =	simm.s32 $0x1BF5;
	[smem:$0x3FAA] =	sst s0  }
0x18: {  	s0 =	sld [smem:$0x3F8D];
	_ =	swait.ge [sflag:s4], $0x0  }
0x19: {  	s7 =	sld [smem:$0x3F8E]  }
0x1a: {  	s8 =	sadd.s32 $0xFFFFE003, lr  }
0x1b: {  	s9 =	sadd.s32 $0xFFFFFEF7, lr;
	s5 =	simm.s32 $0xFFFFFFFF;
	p2 =	slt.u32 s8, $0xFFFFF086  }
0x1c: {  	p1 =	slt.u32 s9, $0xF7A;
	s5 =	simm.s32 @!p2 $0x0  }
0x1d: {  	s5 =	simm.s32 @p1 $0x1;
	p0 =	seq.s32 s7, s2  }
0x1e: {  	s7 =	smul.u32 @!p0 $0xF7A, s2;
	p2 =	seq.s32 @!p0 s5, $0x0  }
0x1f: {  	s9 =	smul.u32 $0xF7A, s1;
	s8 =	simm.s32 @!p0 $0x1BF5;
	p2 =	por !p2, p0  }
0x20: {  	[sflag:s8] =	ssyncset.s32 @!p0 $0xFFFFF086;
	s6 =	sadd.s32 @!p0 s3, s7;
	s7 =	simm.s32 @!p0 $0x108  }
0x21: {  	s3 =	sadd.s32 s3, s9;
	s6 =	sadd.s32 @!p0 $0x88, s6;
	s7 =	simm.s32 @p2 $0x1082  }
0x22: {  	[simem:s7], [sflag:s8] =	dma.local @!p0 [hbm:s6], $0xF7A  }
0x23: {  	s9 =	sor.u32 $0xD0000000, s2;
	s6 =	simm.s32 $0x108;
	_ =	swait.ge @!p0 [sflag:s8], $0x0  }
0x24: {  	s3 =	sadd.s32 $0x88, s3;
	s6 =	simm.s32 @!p1 $0x1082;
	[sflag:s4] =	ssyncset.s32 $0xFFFFF086  }
0x25: {  	[simem:s6], [sflag:s4] =	dma.local [hbm:s3], $0xF7A  }
0x26: {  	[smem:$0x3F8E] =	sst s1;
	(tag) =	ssettag s2;
	_ =	strace s9  }
0x27: {  	s1 =	sld [smem:$0x3F9E]  }
0x28: {  	s2 =	sld [smem:$0x3F9F]  }
0x29: {  	s4 =	sld [smem:$0x3FA1]  }
0x2a: {  	p0 =	seq.s32 s5, $0x0;
	s5 =	sld [smem:$0x3FA2]  }
0x2b: {  	s6 =	sld [smem:$0x3FA3]  }
0x2c: {  	s7 =	sld [smem:$0x3FA4]  }
0x2d: {  	s3 =	simm.s32 $0x108;
	s8 =	sld [smem:$0x3FA5]  }
0x2e: {  	s3 =	simm.s32 @!p0 $0x1082;
	s9 =	sld [smem:$0x3FA6]  }
0x2f: {  	lr =	sadd.s32 s0, s3;
	s0 =	sld [smem:$0x3F9D]  }
0x30: {  	s3 =	sld [smem:$0x3FA0]  }
0x31: {  	[smem:$0x3FA9] =	sst s10  }
0x32: {  	s10 =	sld [smem:$0x3FA7];
	_ =	sdelay $0x3  }
0x33: {  	p0 =	seq.s32 s10, $0x1;
	s10 =	sld [smem:$0x3FA9];
	_ =	sdelay $0x3  }
0x34: {  	[smem:$0x3FA9] =	sst s10  }
0x35: {  	s10 =	sld [smem:$0x3FA8];
	_ =	sdelay $0x3  }
0x36: {  	p1 =	seq.s32 s10, $0x1;
	s10 =	sld [smem:$0x3FA9];
	_ =	sdelay $0x3  }
0x37: {  	[smem:$0x3FA9] =	sst s10  }
0x38: {  	s10 =	sld [smem:$0x3FAA]  }
0x39: {  	_ = 	snop;
	(pc) =	sbr.ind lr, $3  }
0x3a: {  	_ = 	snop  }
0x3b: {  	_ = 	snop  }
0x3c: {  	p2 =	seq.s32 s10, $0x1;
	s10 =	sld [smem:$0x3FA9]  }
0x3d: {  	_ =	shalt  }
0x3e: {  	_ =	shalt  }
0x3f: {  	_ =	shalt  }
0x40: {  	_ =	shalt  }
0x41: {  	_ =	shalt  }
0x42: {  	_ =	shalt  }
0x43: {  	_ =	shalt  }
0x44: {  	_ =	shalt  }
0x45: {  	_ =	shalt  }
0x46: {  	_ =	shalt  }
0x47: {  	_ =	shalt  }
0x48: {  	_ =	shalt  }
0x49: {  	_ =	shalt  }
0x4a: {  	_ =	shalt  }
0x4b: {  	_ =	shalt  }
0x4c: {  	_ =	shalt  }
0x4d: {  	_ =	shalt  }
0x4e: {  	_ =	shalt  }
0x4f: {  	_ =	shalt  }
0x50: {  	_ =	shalt  }
0x51: {  	_ =	shalt  }
0x52: {  	_ =	shalt  }
0x53: {  	_ =	shalt  }
0x54: {  	_ =	shalt  }
0x55: {  	_ =	shalt  }
0x56: {  	_ =	shalt  }
0x57: {  	_ =	shalt  }
0x58: {  	_ =	shalt  }
0x59: {  	_ =	shalt  }
0x5a: {  	_ =	shalt  }
0x5b: {  	_ =	shalt  }
0x5c: {  	_ =	shalt  }
0x5d: {  	_ =	shalt  }
0x5e: {  	_ =	shalt  }
0x5f: {  	_ =	shalt  }
0x60: {  	_ =	shalt  }
0x61: {  	_ =	shalt  }
0x62: {  	_ =	shalt  }
0x63: {  	_ =	shalt  }
0x64: {  	_ =	shalt  }
0x65: {  	_ =	shalt  }
0x66: {  	_ =	shalt  }
0x67: {  	_ =	shalt  }
0x68: {  	_ =	shalt  }
0x69: {  	_ =	shalt  }
0x6a: {  	_ =	shalt  }
0x6b: {  	_ =	shalt  }
0x6c: {  	_ =	shalt  }
0x6d: {  	_ =	shalt  }
0x6e: {  	_ =	shalt  }
0x6f: {  	_ =	shalt  }
0x70: {  	_ =	shalt  }
0x71: {  	_ =	shalt  }
0x72: {  	_ =	shalt  }
0x73: {  	_ =	shalt  }
0x74: {  	_ =	shalt  }
0x75: {  	_ =	shalt  }
0x76: {  	_ =	shalt  }
0x77: {  	_ =	shalt  }
0x78: {  	_ =	shalt  }
0x79: {  	_ =	shalt  }
0x7a: {  	_ =	shalt  }
0x7b: {  	_ =	shalt  }
0x7c: {  	_ =	shalt  }
0x7d: {  	_ =	shalt  }
0x7e: {  	_ =	shalt  }
0x7f: {  	_ =	shalt  }
0x80: {  	_ =	shalt  }
0x81: {  	_ =	shalt  }
0x82: {  	_ =	shalt  }
0x83: {  	_ =	shalt  }
0x84: {  	_ =	shalt  }
0x85: {  	_ =	shalt  }
0x86: {  	_ =	shalt  }
0x87: {  	_ =	shalt  }
.Lfunc_end0:
.L_simem_size_0:
called_computation.2_lowered:
.L_overlay_start_0:
0x88: {  	s2 =	sld [smem:$0x3FD9]  }
0x89: {  	s3 =	sld [smem:$0x3FFE];
	_ =	sdelay $0x1  }
0x8a: {  	s1 =	srdreg.scid  }
0x8b: {  	s0 =	sand.u32 $0x1, s1  }
0x8c: {  	s17 =	sshll.u32 s0, $0xA;
	s2 =	sadd.s32 s3, s2  }
0x8d: {  	s2 =	sadd.s32 s2, s17  }
0x8e: {  	[smem:$0x3FB5] =	sst s2  }
0x8f: {  	_ = 	snop  }
0x90: {  	s2 =	sld [smem:$0x3FD0];
	(tm) =	ssettm $0x1  }
0x91: {  	s18 =	sld [smem:$0x3FFB];
	_ =	sdelay $0x3  }
0x92: {  	_ =	strace s18  }
0x93: {  	s3 =	sld [smem:$0x3FFC];
	_ =	sdelay $0x3  }
0x94: {  	_ =	strace s3  }
0x95: {  	s3 =	sld [smem:$0x3FFD];
	_ =	sdelay $0x3  }
0x96: {  	_ =	strace s3  }
0x97: {  	_ =	strace $0x8FFFFFFF  }
0x98: {  	s19 =	sld [smem:$0x3FDB];
	_ =	sdelay $0x1  }
0x99: {  	s4 =	simm.s32 $_scs_section_size  }
0x9a: {  	s5 =	simm.s32 $_size__tile_overlayer_lowered;
	s6 =	simm.s32 $_tile_overlayer_lowered  }
0x9b: {  	s22 =	simm.s32 $0x1BFF;
	s21 =	sshll.u32 s6, $0x1;
	s3 =	sadd.s32 s4, s19  }
0x9c: {  	s7 =	simm.s32 $0x0;
	s20 =	sshll.u32 s5, $0x1;
	s5 =	sadd.s32 s21, s3  }
0x9d: {  	[timem:s7], [sflag:s22] =	dma.local [hbm:s5], s20  }
0x9e: {  	_ =	swait.ge [sflag:s22], s20  }
0x9f: {  	s4 =	ssub.s32 $0x0, s20;
	[sflag:s22] =	ssyncset.done $0x0  }
0xa0: {  	[sflag:s22] =	ssyncadd.s32 s4;
	_ =	sdelay $0x1  }
0xa1: {  	s23 =	simm.s32 $0x1B8B  }
0xa2: {  	_ =	swait.ge [sflag:s23], $0x1  }
0xa3: {  	[sflag:s23] =	ssyncset.done $0x0  }
0xa4: {  	s25 =	simm.s32 $0x1B8E;
	s24 =	sld [smem:$0x3FFE];
	[sflag:s23] =	ssyncadd.s32 $0xFFFFFFFF  }
0xa5: {  	s26 =	simm.s32 $execute0_lowered;
	[smem:$0x3FD2] =	sst s25  }
0xa6: {  	s5 =	sshll.u32 s26, $0x1;
	_ =	strace $0x8000004C;
	[dreg:$0x1] =	wrdreg $0xFFFFFFFF  }
0xa7: {  	s28 =	simm.s32 $_size_execute0_lowered;
	s3 =	sadd.s32 s3, s5;
	[dreg:$0x0] =	wrdreg $0x0  }
0xa8: {  	s5 =	sshll.u32 s28, $0x1;
	[dreg:$0x2] =	wrdreg s3  }
0xa9: {  	[dreg:$0x3] =	wrdreg s5  }
0xaa: {  	[dreg:$0x4] =	wrdreg $0xC0  }
0xab: {  	_ =	task [dreg:s7], $0x5FFFF  }
0xac: {  	[dreg:$0x1] =	wrdreg $0xFFFFFFFF  }
0xad: {  	[dreg:$0x0] =	wrdreg $0x60  }
0xae: {  	[dreg:$0x2] =	wrdreg s24  }
0xaf: {  	[dreg:$0x3] =	wrdreg s2  }
0xb0: {  	[dreg:$0x4] =	wrdreg $0x41800  }
0xb1: {  	[dreg:$0x5] =	wrdreg $0x9  }
0xb2: {  	_ =	task.clear_ibuf [dreg:s7], $0x6FFFF;
	_ =	strace $0x9000004C  }
0xb3: {  	s29 =	simm.s32 $0x9;
	_ =	strace $0x8000004E  }
0xb4: {  	_ =	swait.ge [sflag:s29], $0x1  }
0xb5: {  	[sflag:s29] =	ssyncadd.s32 $0xFFFFFFFF  }
0xb6: {  	_ =	strace $0x9000004E  }
0xb7: {  	_ =	sfence  }
0xb8: {  	s30 =	sld [smem:$0x0];
	_ =	sdelay $0x2  }
0xb9: {  	s31 =	sshll.u32 s1, $0xD;
	s1 =	sshrl.u32 s1, $0x2  }
0xba: {  	s3 =	sand.u32 $0x4000, s31;
	s1 =	sadd.s32 s1, s30  }
0xbb: {  	s0 =	sor.u32 s3, s0;
	s1 =	sshll.u32 s1, $0x11  }
0xbc: {  	s0 =	sor.u32 s1, s0  }
0xbd: {  	s0 =	sadd.s32 $0x8F2B, s0  }
0xbe: {  	[sflag:s0] =	ssyncadd.remote.s32 $0x1  }
0xbf: {  	_ =	sfence.sel $0xFFFF  }
0xc0: {  	[dreg:$0x0] =	wrdreg $0xFFFFFFFF;
	(pc) =	sbr.abs _section_cstart, $3  }
0xc1: {  	[dreg:$0x1] =	wrdreg $0xFFFFFFFF  }
0xc2: {  	_ =	task.clear_ibuf [dreg:s7], $0x2FFFF;
	_ =	strace $0x9FFFFFFF  }
0xc3: {  	(tm) =	ssettm $0x7FFFFFFF  }
tec
execute0_lowered:
.L_overlay_start_1:
0x0: {  	(tag) =	ssettag $0x1  }
0x1: {  	s8 =	rddreg [dreg:$0x0]  }
0x2: {  	s1 =	rddreg [dreg:$0x1]  }
0x3: {  	s2 =	rddreg [dreg:$0x2]  }
0x4: {  	s0 =	rddreg [dreg:$0x3];
	s3 =	simm.s32 $0x0;
	s7 =	srdreg.scid  }
0x5: {  	s4 =	stileid.u32;
	s23 =	simm.s32 $0x100;
	s24 =	simm.s32 $0x1  }
0x6: {  	[smem:$0x7FF] =	sst s3;
	s5 =	sadd.s32 $0x19400, s8;
	s6 =	sadd.s32 $0x4A00, s8  }
0x7: {  	s9 =	sand.u32 $0x1, s7;
	s7 =	sadd.s32 $0xEA00, s8;
	s11 =	smul.u32 $0x50000, s4  }
0x8: {  	s18 =	sadd.s32 $0x4A600, s8;
	s12 =	smul.u32 $0x14000, s4;
	s30 =	sshll.u32 s4, $0x1  }
0x9: {  	_ =	strace $0x8000004D;
	s10 =	ssub.s32 $0x2, s9;
	s13 =	sor.u32 s9, s30  }
0xa: {  	s20 =	smul.u32 $0x140000, s9;
	s29 =	sshrl.u32 s10, $0x1;
	s31 =	sshrl.u32 s11, $0x2  }
0xb: {  	s14 =	sadd.s32 $0x4000, s12;
	s16 =	sadd.s32 $0x8000, s12;
	s17 =	sadd.s32 $0xC000, s12  }
0xc: {  	s21 =	sadd.s32 $0x10000, s12;
	s13 =	smul.u32 $0x2800, s13;
	s19 =	ssub.s32 s10, s29  }
0xd: {  	s8 =	sadd.s32 s31, s2;
	s9 =	sadd.s32 s14, s2;
	s10 =	sadd.s32 s16, s2  }
0xe: {  	s11 =	sadd.s32 s17, s2;
	s15 =	sadd.s32 s12, s20;
	s14 =	sadd.s32 s20, s14  }
0xf: {  	s12 =	sadd.s32 s21, s2;
	s16 =	sadd.s32 s20, s16;
	s17 =	sadd.s32 s20, s17  }
0x10: {  	s20 =	sadd.s32 s20, s21;
	s21 =	simm.s32 $0x2;
	s15 =	sshrl.u32 s15, $0x3  }
0x11: {  	s22 =	sshrl.u32 s14, $0x3;
	s16 =	sshrl.u32 s16, $0x3;
	s17 =	sshrl.u32 s17, $0x3  }
0x12: {  	s20 =	sshrl.u32 s20, $0x3;
	s19 =	smax.u32 s19, $0x1;
	s14 =	sadd.s32 s18, s15  }
0x13: {  	s15 =	sadd.s32 s18, s22;
	s16 =	sadd.s32 s18, s16;
	s17 =	sadd.s32 s18, s17  }
0x14: {  	v0 =	vimm.f32 $0.0e+00;
	s18 =	sadd.s32 s18, s20;
	s20 =	simm.s32 $0x180;
	s22 =	simm.s32 $0x80  }
.LBB2_1:
0x15: {  	s25 =	simm.s32 $0x0;
	s26 =	simm.s32 $0x200  }
.LBB2_2:
0x16: {  	p0 =	sne.s32 s26, $0xFE00;
	[tilespmem:s25+$0x1F0] =	vst v0  }
0x17: {  	[tilespmem:s25+$0x180] =	vst v0  }
0x18: {  	[tilespmem:s25+$0x190] =	vst v0  }
.Ltmp0:
0x19: {  	[tilespmem:s25+$0x1A0] =	vst v0;
	(pc) =	sbr.rel @p0 .LBB2_2-.Ltmp0, $4  }
0x1a: {  	[tilespmem:s25+$0x1B0] =	vst v0  }
0x1b: {  	[tilespmem:s25+$0x1C0] =	vst v0  }
0x1c: {  	[tilespmem:s25+$0x1D0] =	vst v0  }
0x1d: {  	[tilespmem:s25+$0x1E0] =	vst v0;
	s25 =	sshra.s32 s26, $0x2;
	s26 =	sadd.s32 $0x200, s26  }
0x1e: {  	[tilespmem:s25+$0x1F0] =	vst v0  }
0x1f: {  	[tilespmem:s25+$0x180] =	vst v0  }
0x20: {  	[tilespmem:s25+$0x190] =	vst v0  }
0x21: {  	[tilespmem:s25+$0x1A0] =	vst v0  }
0x22: {  	[tilespmem:s25+$0x1B0] =	vst v0  }
0x23: {  	[tilespmem:s25+$0x1C0] =	vst v0  }
0x24: {  	[tilespmem:s25+$0x1D0] =	vst v0  }
0x25: {  	[tilespmem:s25+$0x1E0] =	vst v0  }
0x26: {  	[spmem:s8] =	stream.linear.scatter [tilespmem:s20], [sflag:$0x2], $0x4000, $0x38;
	[tilespmem:$0x18180] =	vst v63  }
0x27: {  	_ =	swait.ge [sflag:s21], $0x4000  }
0x28: {  	[sflag:s21] =	ssyncset.done $0x0  }
0x29: {  	[sflag:s21] =	ssyncadd.s32 $0xFFFFC000  }
0x2a: {  	[spmem:s9] =	stream.linear.scatter [tilespmem:s20], [sflag:$0x2], $0x4000, $0x38;
	[tilespmem:$0x18180] =	vst v63  }
0x2b: {  	_ =	swait.ge [sflag:s21], $0x4000  }
0x2c: {  	[sflag:s21] =	ssyncset.done $0x0  }
0x2d: {  	[sflag:s21] =	ssyncadd.s32 $0xFFFFC000  }
0x2e: {  	[spmem:s10] =	stream.linear.scatter [tilespmem:s20], [sflag:$0x2], $0x4000, $0x38;
	[tilespmem:$0x18180] =	vst v63  }
0x2f: {  	_ =	swait.ge [sflag:s21], $0x4000  }
0x30: {  	[sflag:s21] =	ssyncset.done $0x0  }
0x31: {  	[sflag:s21] =	ssyncadd.s32 $0xFFFFC000  }
0x32: {  	[spmem:s11] =	stream.linear.scatter [tilespmem:s20], [sflag:$0x2], $0x4000, $0x38;
	[tilespmem:$0x18180] =	vst v63  }
0x33: {  	_ =	swait.ge [sflag:s21], $0x4000  }
0x34: {  	[sflag:s21] =	ssyncset.done $0x0  }
0x35: {  	[sflag:s21] =	ssyncadd.s32 $0xFFFFC000  }
0x36: {  	[spmem:s12] =	stream.linear.scatter [tilespmem:s20], [sflag:$0x2], $0x4000, $0x38;
	[tilespmem:$0x18180] =	vst v63  }
0x37: {  	_ =	swait.ge [sflag:s21], $0x4000  }
0x38: {  	[sflag:s21] =	ssyncset.done $0x0  }
0x39: {  	[sflag:s21] =	ssyncadd.s32 $0xFFFFC000  }
0x3a: {  	s25 =	simm.s32 $0x0;
	s26 =	simm.s32 $0x0;
	[bflag:$0x0] =	sbarrier.arrive $0xFFFF  }
.LBB2_4:
0x3b: {  	s28 =	sshll.u32 s26, $0x7  }
0x3c: {  	s29 =	sand.u32 $0x3C00, s28  }
0x3d: {  	s28 =	sand.u32 $0x380, s28;
	s29 =	sadd.s32 s13, s29  }
0x3e: {  	s28 =	sor.u32 s28, s29  }
0x3f: {  	s28 =	sshrl.u32 s28, $0x3  }
0x40: {  	s29 =	sadd.s32 s5, s28  }
0x41: {  	[tilespmem:s25], [sflag:$0x2] =	stream.linear.gather [hbm4b:s29+s25], $0x80, $0x38;
	[tilespmem:$0x18180] =	vst v63  }
0x42: {  	_ =	swait.ge [sflag:s21], $0x80  }
0x43: {  	[sflag:s21] =	ssyncset.done $0x0  }
0x44: {  	s29 =	sadd.s32 s6, s28;
	[sflag:s21] =	ssyncadd.s32 $0xFFFFFF80  }
0x45: {  	[tilespmem:s22], [sflag:$0x2] =	stream.linear.gather [hbm4b:s29+s25], $0x80, $0x38;
	[tilespmem:$0x18180] =	vst v63  }
0x46: {  	_ =	swait.ge [sflag:s21], $0x80  }
0x47: {  	[sflag:s21] =	ssyncset.done $0x0  }
0x48: {  	s28 =	sadd.s32 s7, s28;
	[sflag:s21] =	ssyncadd.s32 $0xFFFFFF80  }
0x49: {  	[tilespmem:s23], [sflag:$0x2] =	stream.linear.gather [hbm4b:s28+s25], $0x80, $0x38;
	[tilespmem:$0x18180] =	vst v63  }
0x4a: {  	_ =	swait.ge [sflag:s21], $0x80  }
0x4b: {  	[sflag:s21] =	ssyncset.done $0x0  }
0x4c: {  	[sflag:s21] =	ssyncadd.s32 $0xFFFFFF80  }
0x4d: {  	[tilespmem:s20], [sflag:$0x1] =	stream.indirect.gather [hbm4b:s1+s22], $0x80, s25, s22, $0xb8;
	[tilespmem:$0x18180] =	vst v63  }
0x4e: {  	_ =	swait.ge [sflag:s24], $0x4000  }
0x4f: {  	v1 =	vmov s25;
	[sflag:s24] =	ssyncset.done $0x0  }
0x50: {  	s28 =	simm.s32 $0x1C0;
	[sflag:s24] =	ssyncadd.s32 $0xFFFFC000  }
0x51: {  	v5 =	vld [tilespmem:s28+$0x30]  }
0x52: {  	v8 =	vld [tilespmem:s28+$0x10]  }
0x53: {  	v6 =	vld [tilespmem:s28+$0xFFFFFFC0]  }
0x54: {  	v2 =	vld.idx.msk [tilespmem:v1+s23+$0x0], $0xffff  }
0x55: {  	v10 =	vld [tilespmem:s28+$0xFFFFFFE0]  }
0x56: {  	v1 =	vld [tilespmem:s28+$0xFFFFFFF0]  }
0x57: {  	v3 =	vld [tilespmem:s28+$0x20]  }
0x58: {  	v4 =	vld [tilespmem:s28+$0xFFFFFFD0]  }
0x59: {  	v9 =	vmul.f32 v5, v2;
	v5 =	vld [tilespmem:s28+$0x0]  }
0x5a: {  	v7 =	vmul.f32 v6, v2  }
0x5b: {  	s30 =	simm.s32 $0x1C0;
	s29 =	simm.s32 $0x1;
	v6 =	vmul.f32 v10, v2;
	v8 =	vmul.f32 v8, v2  }
.LBB2_5:
0x5c: {  	p0 =	sne.s32 s29, $0x7F  }
0x5d: {  	v4 =	vmul.f32 v4, v2;
	v3 =	vmul.f32 v3, v2;
	[tilespmem:s28+$0x30] =	vst v9;
	s30 =	sadd.s32 $0x80, s30;
	s31 =	smov.u32 s29;
	s29 =	sadd.s32 $0x1, s29  }
0x5e: {  	[tilespmem:s28+$0xFFFFFFC0] =	vst v7;
	v7 =	vmul.f32 v1, v2;
	v2 =	vmul.f32 v5, v2  }
0x5f: {  	[tilespmem:s28+$0x10] =	vst v8  }
0x60: {  	v5 =	vmov s31;
	[tilespmem:s28+$0xFFFFFFE0] =	vst v6  }
0x61: {  	v1 =	vld [tilespmem:s30+$0xFFFFFFF0];
	[tilespmem:s28+$0xFFFFFFF0] =	vst v7  }
0x62: {  	v6 =	vld [tilespmem:s30+$0x30];
	[tilespmem:s28+$0x0] =	vst v2  }
0x63: {  	v8 =	vld [tilespmem:s30+$0x10];
	[tilespmem:s28+$0x20] =	vst v3  }
0x64: {  	v7 =	vld [tilespmem:s30+$0xFFFFFFC0];
	[tilespmem:s28+$0xFFFFFFD0] =	vst v4;
	s28 =	smov.u32 s30  }
0x65: {  	v2 =	vld.idx.msk [tilespmem:v5+s23+$0x0], $0xffff  }
0x66: {  	v10 =	vld [tilespmem:s30+$0xFFFFFFE0]  }
0x67: {  	v3 =	vld [tilespmem:s30+$0x20]  }
.Ltmp1:
0x68: {  	v4 =	vld [tilespmem:s30+$0xFFFFFFD0];
	(pc) =	sbr.rel @p0 .LBB2_5-.Ltmp1, $3  }
0x69: {  	v5 =	vld [tilespmem:s30+$0x0];
	_ =	sdelay $0x1  }
0x6a: {  	v7 =	vmul.f32 v7, v2;
	v9 =	vmul.f32 v6, v2  }
0x6b: {  	v8 =	vmul.f32 v8, v2;
	v6 =	vmul.f32 v10, v2  }
0x6c: {  	[tilespmem:s28+$0x30] =	vst v9  }
0x6d: {  	[tilespmem:s28+$0xFFFFFFC0] =	vst v7  }
0x6e: {  	v1 =	vmul.f32 v1, v2;
	[tilespmem:s28+$0x10] =	vst v8  }
0x6f: {  	v3 =	vmul.f32 v3, v2;
	[tilespmem:s28+$0xFFFFFFE0] =	vst v6  }
0x70: {  	v5 =	vmul.f32 v5, v2;
	[tilespmem:s28+$0xFFFFFFF0] =	vst v1  }
0x71: {  	s26 =	sadd.s32 $0x1, s26;
	v1 =	vmul.f32 v4, v2;
	[tilespmem:s28+$0x20] =	vst v3  }
0x72: {  	p0 =	sne.s32 s26, $0x4F;
	[tilespmem:s28+$0x0] =	vst v5  }
.Ltmp2:
0x73: {  	[tilespmem:s28+$0xFFFFFFD0] =	vst v1;
	(pc) =	sbr.rel @p0 .LBB2_4-.Ltmp2, $4  }
0x74: {  	[spmem:s2] =	stream.indirect.scatter.add.f32 [tilespmem:s20], [sflag:$0x2], $0x80, s22, s22, $0xb8;
	[tilespmem:$0x18180] =	vst v63  }
0x75: {  	_ =	swait.ge [sflag:s21], $0x4000  }
0x76: {  	[sflag:s21] =	ssyncset.done $0x0  }
0x77: {  	[sflag:s21] =	ssyncadd.s32 $0xFFFFC000  }
0x78: {  	s25 =	sshll.u32 s4, $0x6  }
0x79: {  	[bflag:$0x0] =	sbarrier.arrive $0xFFFF;
	s26 =	sshrl.u32 s8, $0x3;
	s25 =	sor.u32 $0x1C02, s25  }
0x7a: {  	[hbm:s14], [sflag:s25] =	dma.local [spmem:s26], $0x800  }
0x7b: {  	_ =	swait.ge [sflag:s21], $0x800  }
0x7c: {  	[sflag:s21] =	ssyncset.done $0x0  }
0x7d: {  	s28 =	sshrl.u32 s9, $0x3;
	[sflag:s21] =	ssyncadd.s32 $0xFFFFF800  }
0x7e: {  	[hbm:s15], [sflag:s25] =	dma.local [spmem:s28], $0x800  }
0x7f: {  	_ =	swait.ge [sflag:s21], $0x800  }
0x80: {  	[sflag:s21] =	ssyncset.done $0x0  }
0x81: {  	s29 =	sshrl.u32 s10, $0x3;
	[sflag:s21] =	ssyncadd.s32 $0xFFFFF800  }
0x82: {  	[hbm:s16], [sflag:s25] =	dma.local [spmem:s29], $0x800  }
0x83: {  	_ =	swait.ge [sflag:s21], $0x800  }
0x84: {  	[sflag:s21] =	ssyncset.done $0x0  }
0x85: {  	s30 =	sshrl.u32 s11, $0x3;
	[sflag:s21] =	ssyncadd.s32 $0xFFFFF800  }
0x86: {  	[hbm:s17], [sflag:s25] =	dma.local [spmem:s30], $0x800  }
0x87: {  	s3 =	sadd.s32 $0x1, s3;
	_ =	swait.ge [sflag:s21], $0x800  }
0x88: {  	p0 =	sne.s32 s3, s19;
	[sflag:s21] =	ssyncset.done $0x0  }
.Ltmp3:
0x89: {  	s31 =	sshrl.u32 s12, $0x3;
	[sflag:s21] =	ssyncadd.s32 $0xFFFFF800;
	(pc) =	sbr.rel @p0 .LBB2_1-.Ltmp3, $4  }
0x8a: {  	[hbm:s18], [sflag:s25] =	dma.local [spmem:s31], $0x800  }
0x8b: {  	_ =	swait.ge [sflag:s21], $0x800  }
0x8c: {  	[sflag:s21] =	ssyncset.done $0x0  }
0x8d: {  	[sflag:s21] =	ssyncadd.s32 $0xFFFFF800  }
0x8e: {  	_ =	sfence.sel $0x180000  }
0x8f: {  	[bflag:$0x0] =	sbarrier.arrive $0xFFFF  }
0x90: {  	p0 =	sne.s32 s4, $0x0;
	_ =	strace $0x9000004D  }
0x91: {  	s0 =	sadd.s32 @!p0 $0x100000, s0;
	[bflag:$0x2] =	sbarrier.arrive $0xFFFF  }
0x92: {  	[sflag:s0] =	ssyncadd.tile.s32 @!p0 $0x1;
	_ =	shalt  }
.Lfunc_end2:
_tile_overlayer_lowered:
.L_overlay_start_2:
0x93: {  	(tag) =	ssettag $0x2  }
0x94: {  	s0 =	rddreg [dreg:$0x0];
	s2 =	stileid.u32  }
0x95: {  	s1 =	rddreg [dreg:$0x1];
	p0 =	sne.s32 s2, $0x0  }
0x96: {  	s3 =	rddreg [dreg:$0x2];
	[bflag:$0x3] =	sbarrier.arrive $0xFFFF;
	s2 =	simm.s32 @!p0 $0x1C02  }
0x97: {  	[timem:s3], [sflag:s2] =	dma.local @!p0 [hbm:s0], s1  }
0x98: {  	s0 =	simm.s32 @!p0 $0x2  }
0x99: {  	_ =	swait.ge @!p0 [sflag:s0], s1  }
0x9a: {  	s1 =	ssub.s32 @!p0 $0x0, s1;
	[sflag:s0] =	ssyncset.done @!p0 $0x0  }
0x9b: {  	[sflag:s0] =	ssyncadd.s32 @!p0 s1  }
0x9c: {  	[bflag:$0x3] =	sbarrier.arrive $0xFFFF  }
0x9d: {  	_ =	shalt  }

// kernel: kernel.20.cloned.1.call-start
scs
__scs_entry_jumppad:
0x0: {  	(pc) =	sbr.rel $0x88, $3  }
0x1: {  	(tag) =	ssettag $0x0;
	lr =	simm.s32 $0x1  }
0x2: {  	[smem:$0x3F8E] =	sst lr;
	_ =	strace $0xD0000000  }
0x3: {  	_ = 	snop  }
0x4: {  	_ = 	snop  }
0x5: {  	_ = 	snop  }
0x6: {  	_ = 	snop  }
0x7: {  	_ = 	snop  }
__scs_overlays_trampoline_lowered:
0x8: {  	[smem:$0x3F9D] =	sst s0  }
0x9: {  	[smem:$0x3F9E] =	sst s1  }
0xa: {  	[smem:$0x3F9F] =	sst s2  }
0xb: {  	[smem:$0x3FA0] =	sst s3  }
0xc: {  	[smem:$0x3FA1] =	sst s4  }
0xd: {  	[smem:$0x3FA2] =	sst s5  }
0xe: {  	[smem:$0x3FA3] =	sst s6  }
0xf: {  	[smem:$0x3FA4] =	sst s7  }
0x10: {  	[smem:$0x3FA5] =	sst s8  }
0x11: {  	[smem:$0x3FA6] =	sst s9;
	s0 =	simm.s32 @!p0 $0x0  }
0x12: {  	s1 =	sld [smem:$0x3F8C];
	s0 =	simm.s32 @p0 $0x1  }
0x13: {  	[smem:$0x3FA7] =	sst s0;
	s0 =	simm.s32 @!p1 $0x0  }
0x14: {  	s2 =	sld [smem:$0x3F8B];
	s0 =	simm.s32 @p1 $0x1  }
0x15: {  	[smem:$0x3FA8] =	sst s0;
	s0 =	simm.s32 @!p2 $0x0  }
0x16: {  	s3 =	sld [smem:$0x3FDB];
	s0 =	simm.s32 @p2 $0x1  }
0x17: {  	s4 =	simm.s32 $0x1BF5;
	[smem:$0x3FAA] =	sst s0  }
0x18: {  	s0 =	sld [smem:$0x3F8D];
	_ =	swait.ge [sflag:s4], $0x0  }
0x19: {  	s7 =	sld [smem:$0x3F8E]  }
0x1a: {  	s8 =	sadd.s32 $0xFFFFE003, lr  }
0x1b: {  	s9 =	sadd.s32 $0xFFFFFEF7, lr;
	s5 =	simm.s32 $0xFFFFFFFF;
	p2 =	slt.u32 s8, $0xFFFFF086  }
0x1c: {  	p1 =	slt.u32 s9, $0xF7A;
	s5 =	simm.s32 @!p2 $0x0  }
0x1d: {  	s5 =	simm.s32 @p1 $0x1;
	p0 =	seq.s32 s7, s2  }
0x1e: {  	s7 =	smul.u32 @!p0 $0xF7A, s2;
	p2 =	seq.s32 @!p0 s5, $0x0  }
0x1f: {  	s9 =	smul.u32 $0xF7A, s1;
	s8 =	simm.s32 @!p0 $0x1BF5;
	p2 =	por !p2, p0  }
0x20: {  	[sflag:s8] =	ssyncset.s32 @!p0 $0xFFFFF086;
	s6 =	sadd.s32 @!p0 s3, s7;
	s7 =	simm.s32 @!p0 $0x108  }
0x21: {  	s3 =	sadd.s32 s3, s9;
	s6 =	sadd.s32 @!p0 $0x88, s6;
	s7 =	simm.s32 @p2 $0x1082  }
0x22: {  	[simem:s7], [sflag:s8] =	dma.local @!p0 [hbm:s6], $0xF7A  }
0x23: {  	s9 =	sor.u32 $0xD0000000, s2;
	s6 =	simm.s32 $0x108;
	_ =	swait.ge @!p0 [sflag:s8], $0x0  }
0x24: {  	s3 =	sadd.s32 $0x88, s3;
	s6 =	simm.s32 @!p1 $0x1082;
	[sflag:s4] =	ssyncset.s32 $0xFFFFF086  }
0x25: {  	[simem:s6], [sflag:s4] =	dma.local [hbm:s3], $0xF7A  }
0x26: {  	[smem:$0x3F8E] =	sst s1;
	(tag) =	ssettag s2;
	_ =	strace s9  }
0x27: {  	s1 =	sld [smem:$0x3F9E]  }
0x28: {  	s2 =	sld [smem:$0x3F9F]  }
0x29: {  	s4 =	sld [smem:$0x3FA1]  }
0x2a: {  	p0 =	seq.s32 s5, $0x0;
	s5 =	sld [smem:$0x3FA2]  }
0x2b: {  	s6 =	sld [smem:$0x3FA3]  }
0x2c: {  	s7 =	sld [smem:$0x3FA4]  }
0x2d: {  	s3 =	simm.s32 $0x108;
	s8 =	sld [smem:$0x3FA5]  }
0x2e: {  	s3 =	simm.s32 @!p0 $0x1082;
	s9 =	sld [smem:$0x3FA6]  }
0x2f: {  	lr =	sadd.s32 s0, s3;
	s0 =	sld [smem:$0x3F9D]  }
0x30: {  	s3 =	sld [smem:$0x3FA0]  }
0x31: {  	[smem:$0x3FA9] =	sst s10  }
0x32: {  	s10 =	sld [smem:$0x3FA7];
	_ =	sdelay $0x3  }
0x33: {  	p0 =	seq.s32 s10, $0x1;
	s10 =	sld [smem:$0x3FA9];
	_ =	sdelay $0x3  }
0x34: {  	[smem:$0x3FA9] =	sst s10  }
0x35: {  	s10 =	sld [smem:$0x3FA8];
	_ =	sdelay $0x3  }
0x36: {  	p1 =	seq.s32 s10, $0x1;
	s10 =	sld [smem:$0x3FA9];
	_ =	sdelay $0x3  }
0x37: {  	[smem:$0x3FA9] =	sst s10  }
0x38: {  	s10 =	sld [smem:$0x3FAA]  }
0x39: {  	_ = 	snop;
	(pc) =	sbr.ind lr, $3  }
0x3a: {  	_ = 	snop  }
0x3b: {  	_ = 	snop  }
0x3c: {  	p2 =	seq.s32 s10, $0x1;
	s10 =	sld [smem:$0x3FA9]  }
0x3d: {  	_ =	shalt  }
0x3e: {  	_ =	shalt  }
0x3f: {  	_ =	shalt  }
0x40: {  	_ =	shalt  }
0x41: {  	_ =	shalt  }
0x42: {  	_ =	shalt  }
0x43: {  	_ =	shalt  }
0x44: {  	_ =	shalt  }
0x45: {  	_ =	shalt  }
0x46: {  	_ =	shalt  }
0x47: {  	_ =	shalt  }
0x48: {  	_ =	shalt  }
0x49: {  	_ =	shalt  }
0x4a: {  	_ =	shalt  }
0x4b: {  	_ =	shalt  }
0x4c: {  	_ =	shalt  }
0x4d: {  	_ =	shalt  }
0x4e: {  	_ =	shalt  }
0x4f: {  	_ =	shalt  }
0x50: {  	_ =	shalt  }
0x51: {  	_ =	shalt  }
0x52: {  	_ =	shalt  }
0x53: {  	_ =	shalt  }
0x54: {  	_ =	shalt  }
0x55: {  	_ =	shalt  }
0x56: {  	_ =	shalt  }
0x57: {  	_ =	shalt  }
0x58: {  	_ =	shalt  }
0x59: {  	_ =	shalt  }
0x5a: {  	_ =	shalt  }
0x5b: {  	_ =	shalt  }
0x5c: {  	_ =	shalt  }
0x5d: {  	_ =	shalt  }
0x5e: {  	_ =	shalt  }
0x5f: {  	_ =	shalt  }
0x60: {  	_ =	shalt  }
0x61: {  	_ =	shalt  }
0x62: {  	_ =	shalt  }
0x63: {  	_ =	shalt  }
0x64: {  	_ =	shalt  }
0x65: {  	_ =	shalt  }
0x66: {  	_ =	shalt  }
0x67: {  	_ =	shalt  }
0x68: {  	_ =	shalt  }
0x69: {  	_ =	shalt  }
0x6a: {  	_ =	shalt  }
0x6b: {  	_ =	shalt  }
0x6c: {  	_ =	shalt  }
0x6d: {  	_ =	shalt  }
0x6e: {  	_ =	shalt  }
0x6f: {  	_ =	shalt  }
0x70: {  	_ =	shalt  }
0x71: {  	_ =	shalt  }
0x72: {  	_ =	shalt  }
0x73: {  	_ =	shalt  }
0x74: {  	_ =	shalt  }
0x75: {  	_ =	shalt  }
0x76: {  	_ =	shalt  }
0x77: {  	_ =	shalt  }
0x78: {  	_ =	shalt  }
0x79: {  	_ =	shalt  }
0x7a: {  	_ =	shalt  }
0x7b: {  	_ =	shalt  }
0x7c: {  	_ =	shalt  }
0x7d: {  	_ =	shalt  }
0x7e: {  	_ =	shalt  }
0x7f: {  	_ =	shalt  }
0x80: {  	_ =	shalt  }
0x81: {  	_ =	shalt  }
0x82: {  	_ =	shalt  }
0x83: {  	_ =	shalt  }
0x84: {  	_ =	shalt  }
0x85: {  	_ =	shalt  }
0x86: {  	_ =	shalt  }
0x87: {  	_ =	shalt  }
.Lfunc_end0:
.L_simem_size_0:
called_computation.3_lowered:
.L_overlay_start_0:
0x88: {  	s2 =	sld [smem:$0x3FD9]  }
0x89: {  	s3 =	sld [smem:$0x3FFE];
	_ =	sdelay $0x1  }
0x8a: {  	s1 =	srdreg.scid  }
0x8b: {  	s0 =	sand.u32 $0x1, s1  }
0x8c: {  	s17 =	sshll.u32 s0, $0xA;
	s2 =	sadd.s32 s3, s2  }
0x8d: {  	s2 =	sadd.s32 s2, s17  }
0x8e: {  	[smem:$0x3FB5] =	sst s2  }
0x8f: {  	_ = 	snop  }
0x90: {  	s2 =	sld [smem:$0x3FD0];
	(tm) =	ssettm $0x1  }
0x91: {  	s18 =	sld [smem:$0x3FFB];
	_ =	sdelay $0x3  }
0x92: {  	_ =	strace s18  }
0x93: {  	s3 =	sld [smem:$0x3FFC];
	_ =	sdelay $0x3  }
0x94: {  	_ =	strace s3  }
0x95: {  	s3 =	sld [smem:$0x3FFD];
	_ =	sdelay $0x3  }
0x96: {  	_ =	strace s3  }
0x97: {  	_ =	strace $0x8FFFFFFF  }
0x98: {  	s19 =	sld [smem:$0x3FDB];
	_ =	sdelay $0x1  }
0x99: {  	s4 =	simm.s32 $_scs_section_size  }
0x9a: {  	s5 =	simm.s32 $_size__tile_overlayer_lowered;
	s6 =	simm.s32 $_tile_overlayer_lowered  }
0x9b: {  	s22 =	simm.s32 $0x1BFF;
	s21 =	sshll.u32 s6, $0x1;
	s3 =	sadd.s32 s4, s19  }
0x9c: {  	s7 =	simm.s32 $0x0;
	s20 =	sshll.u32 s5, $0x1;
	s5 =	sadd.s32 s21, s3  }
0x9d: {  	[timem:s7], [sflag:s22] =	dma.local [hbm:s5], s20  }
0x9e: {  	_ =	swait.ge [sflag:s22], s20  }
0x9f: {  	s4 =	ssub.s32 $0x0, s20;
	[sflag:s22] =	ssyncset.done $0x0  }
0xa0: {  	[sflag:s22] =	ssyncadd.s32 s4;
	_ =	sdelay $0x1  }
0xa1: {  	s23 =	simm.s32 $0x1B8B  }
0xa2: {  	_ =	swait.ge [sflag:s23], $0x1  }
0xa3: {  	[sflag:s23] =	ssyncset.done $0x0  }
0xa4: {  	s25 =	simm.s32 $0x1B8E;
	s24 =	sld [smem:$0x3FFE];
	[sflag:s23] =	ssyncadd.s32 $0xFFFFFFFF  }
0xa5: {  	s26 =	simm.s32 $execute0_lowered;
	[smem:$0x3FD2] =	sst s25  }
0xa6: {  	s5 =	sshll.u32 s26, $0x1;
	_ =	strace $0x8000004F;
	[dreg:$0x1] =	wrdreg $0xFFFFFFFF  }
0xa7: {  	s28 =	simm.s32 $_size_execute0_lowered;
	s3 =	sadd.s32 s3, s5;
	[dreg:$0x0] =	wrdreg $0x0  }
0xa8: {  	s5 =	sshll.u32 s28, $0x1;
	[dreg:$0x2] =	wrdreg s3  }
0xa9: {  	[dreg:$0x3] =	wrdreg s5  }
0xaa: {  	[dreg:$0x4] =	wrdreg $0xC0  }
0xab: {  	_ =	task [dreg:s7], $0x5FFFF  }
0xac: {  	[dreg:$0x1] =	wrdreg $0xFFFFFFFF  }
0xad: {  	[dreg:$0x0] =	wrdreg $0x60  }
0xae: {  	[dreg:$0x2] =	wrdreg s24  }
0xaf: {  	[dreg:$0x3] =	wrdreg s2  }
0xb0: {  	[dreg:$0x4] =	wrdreg $0x41800  }
0xb1: {  	[dreg:$0x5] =	wrdreg $0x9  }
0xb2: {  	_ =	task.clear_ibuf [dreg:s7], $0x6FFFF;
	_ =	strace $0x9000004F  }
0xb3: {  	s29 =	simm.s32 $0x9;
	_ =	strace $0x80000051  }
0xb4: {  	_ =	swait.ge [sflag:s29], $0x1  }
0xb5: {  	[sflag:s29] =	ssyncadd.s32 $0xFFFFFFFF  }
0xb6: {  	_ =	strace $0x90000051  }
0xb7: {  	_ =	sfence  }
0xb8: {  	s30 =	sld [smem:$0x0];
	_ =	sdelay $0x2  }
0xb9: {  	s31 =	sshll.u32 s1, $0xD;
	s1 =	sshrl.u32 s1, $0x2  }
0xba: {  	s3 =	sand.u32 $0x4000, s31;
	s1 =	sadd.s32 s1, s30  }
0xbb: {  	s0 =	sor.u32 s3, s0;
	s1 =	sshll.u32 s1, $0x11  }
0xbc: {  	s0 =	sor.u32 s1, s0  }
0xbd: {  	s0 =	sadd.s32 $0x8F2B, s0  }
0xbe: {  	[sflag:s0] =	ssyncadd.remote.s32 $0x1  }
0xbf: {  	_ =	sfence.sel $0xFFFF  }
0xc0: {  	[dreg:$0x0] =	wrdreg $0xFFFFFFFF;
	(pc) =	sbr.abs _section_cstart, $3  }
0xc1: {  	[dreg:$0x1] =	wrdreg $0xFFFFFFFF  }
0xc2: {  	_ =	task.clear_ibuf [dreg:s7], $0x2FFFF;
	_ =	strace $0x9FFFFFFF  }
0xc3: {  	(tm) =	ssettm $0x7FFFFFFF  }
tec
execute0_lowered:
.L_overlay_start_1:
0x0: {  	(tag) =	ssettag $0x1  }
0x1: {  	s8 =	rddreg [dreg:$0x0]  }
0x2: {  	s1 =	rddreg [dreg:$0x1]  }
0x3: {  	s2 =	rddreg [dreg:$0x2]  }
0x4: {  	s0 =	rddreg [dreg:$0x3];
	s3 =	simm.s32 $0x0;
	s7 =	srdreg.scid  }
0x5: {  	s4 =	stileid.u32;
	s23 =	simm.s32 $0x100;
	s24 =	simm.s32 $0x1  }
0x6: {  	[smem:$0x7FF] =	sst s3;
	s5 =	sadd.s32 $0x19400, s8;
	s6 =	sadd.s32 $0x4A00, s8  }
0x7: {  	s9 =	sand.u32 $0x1, s7;
	s7 =	sadd.s32 $0xEA00, s8;
	s11 =	smul.u32 $0x50000, s4  }
0x8: {  	s18 =	sadd.s32 $0x23400, s8;
	s12 =	smul.u32 $0x14000, s4;
	s30 =	sshll.u32 s4, $0x1  }
0x9: {  	_ =	strace $0x80000050;
	s10 =	ssub.s32 $0x2, s9;
	s13 =	sor.u32 s9, s30  }
0xa: {  	s20 =	smul.u32 $0x140000, s9;
	s29 =	sshrl.u32 s10, $0x1;
	s31 =	sshrl.u32 s11, $0x2  }
0xb: {  	s14 =	sadd.s32 $0x4000, s12;
	s16 =	sadd.s32 $0x8000, s12;
	s17 =	sadd.s32 $0xC000, s12  }
0xc: {  	s21 =	sadd.s32 $0x10000, s12;
	s13 =	smul.u32 $0x2800, s13;
	s19 =	ssub.s32 s10, s29  }
0xd: {  	s8 =	sadd.s32 s31, s2;
	s9 =	sadd.s32 s14, s2;
	s10 =	sadd.s32 s16, s2  }
0xe: {  	s11 =	sadd.s32 s17, s2;
	s15 =	sadd.s32 s12, s20;
	s14 =	sadd.s32 s20, s14  }
0xf: {  	s12 =	sadd.s32 s21, s2;
	s16 =	sadd.s32 s20, s16;
	s17 =	sadd.s32 s20, s17  }
0x10: {  	s20 =	sadd.s32 s20, s21;
	s21 =	simm.s32 $0x2;
	s15 =	sshrl.u32 s15, $0x3  }
0x11: {  	s22 =	sshrl.u32 s14, $0x3;
	s16 =	sshrl.u32 s16, $0x3;
	s17 =	sshrl.u32 s17, $0x3  }
0x12: {  	s20 =	sshrl.u32 s20, $0x3;
	s19 =	smax.u32 s19, $0x1;
	s14 =	sadd.s32 s18, s15  }
0x13: {  	s15 =	sadd.s32 s18, s22;
	s16 =	sadd.s32 s18, s16;
	s17 =	sadd.s32 s18, s17  }
0x14: {  	v0 =	vimm.f32 $0.0e+00;
	s18 =	sadd.s32 s18, s20;
	s20 =	simm.s32 $0x180;
	s22 =	simm.s32 $0x80  }
.LBB2_1:
0x15: {  	s25 =	simm.s32 $0x0;
	s26 =	simm.s32 $0x200  }
.LBB2_2:
0x16: {  	p0 =	sne.s32 s26, $0xFE00;
	[tilespmem:s25+$0x1F0] =	vst v0  }
0x17: {  	[tilespmem:s25+$0x180] =	vst v0  }
0x18: {  	[tilespmem:s25+$0x190] =	vst v0  }
.Ltmp0:
0x19: {  	[tilespmem:s25+$0x1A0] =	vst v0;
	(pc) =	sbr.rel @p0 .LBB2_2-.Ltmp0, $4  }
0x1a: {  	[tilespmem:s25+$0x1B0] =	vst v0  }
0x1b: {  	[tilespmem:s25+$0x1C0] =	vst v0  }
0x1c: {  	[tilespmem:s25+$0x1D0] =	vst v0  }
0x1d: {  	[tilespmem:s25+$0x1E0] =	vst v0;
	s25 =	sshra.s32 s26, $0x2;
	s26 =	sadd.s32 $0x200, s26  }
0x1e: {  	[tilespmem:s25+$0x1F0] =	vst v0  }
0x1f: {  	[tilespmem:s25+$0x180] =	vst v0  }
0x20: {  	[tilespmem:s25+$0x190] =	vst v0  }
0x21: {  	[tilespmem:s25+$0x1A0] =	vst v0  }
0x22: {  	[tilespmem:s25+$0x1B0] =	vst v0  }
0x23: {  	[tilespmem:s25+$0x1C0] =	vst v0  }
0x24: {  	[tilespmem:s25+$0x1D0] =	vst v0  }
0x25: {  	[tilespmem:s25+$0x1E0] =	vst v0  }
0x26: {  	[spmem:s8] =	stream.linear.scatter [tilespmem:s20], [sflag:$0x2], $0x4000, $0x38;
	[tilespmem:$0x18180] =	vst v63  }
0x27: {  	_ =	swait.ge [sflag:s21], $0x4000  }
0x28: {  	[sflag:s21] =	ssyncset.done $0x0  }
0x29: {  	[sflag:s21] =	ssyncadd.s32 $0xFFFFC000  }
0x2a: {  	[spmem:s9] =	stream.linear.scatter [tilespmem:s20], [sflag:$0x2], $0x4000, $0x38;
	[tilespmem:$0x18180] =	vst v63  }
0x2b: {  	_ =	swait.ge [sflag:s21], $0x4000  }
0x2c: {  	[sflag:s21] =	ssyncset.done $0x0  }
0x2d: {  	[sflag:s21] =	ssyncadd.s32 $0xFFFFC000  }
0x2e: {  	[spmem:s10] =	stream.linear.scatter [tilespmem:s20], [sflag:$0x2], $0x4000, $0x38;
	[tilespmem:$0x18180] =	vst v63  }
0x2f: {  	_ =	swait.ge [sflag:s21], $0x4000  }
0x30: {  	[sflag:s21] =	ssyncset.done $0x0  }
0x31: {  	[sflag:s21] =	ssyncadd.s32 $0xFFFFC000  }
0x32: {  	[spmem:s11] =	stream.linear.scatter [tilespmem:s20], [sflag:$0x2], $0x4000, $0x38;
	[tilespmem:$0x18180] =	vst v63  }
0x33: {  	_ =	swait.ge [sflag:s21], $0x4000  }
0x34: {  	[sflag:s21] =	ssyncset.done $0x0  }
0x35: {  	[sflag:s21] =	ssyncadd.s32 $0xFFFFC000  }
0x36: {  	[spmem:s12] =	stream.linear.scatter [tilespmem:s20], [sflag:$0x2], $0x4000, $0x38;
	[tilespmem:$0x18180] =	vst v63  }
0x37: {  	_ =	swait.ge [sflag:s21], $0x4000  }
0x38: {  	[sflag:s21] =	ssyncset.done $0x0  }
0x39: {  	[sflag:s21] =	ssyncadd.s32 $0xFFFFC000  }
0x3a: {  	s25 =	simm.s32 $0x0;
	s26 =	simm.s32 $0x0;
	[bflag:$0x0] =	sbarrier.arrive $0xFFFF  }
.LBB2_4:
0x3b: {  	s28 =	sshll.u32 s26, $0x7  }
0x3c: {  	s29 =	sand.u32 $0x3C00, s28  }
0x3d: {  	s28 =	sand.u32 $0x380, s28;
	s29 =	sadd.s32 s13, s29  }
0x3e: {  	s28 =	sor.u32 s28, s29  }
0x3f: {  	s28 =	sshrl.u32 s28, $0x3  }
0x40: {  	s29 =	sadd.s32 s5, s28  }
0x41: {  	[tilespmem:s25], [sflag:$0x2] =	stream.linear.gather [hbm4b:s29+s25], $0x80, $0x38;
	[tilespmem:$0x18180] =	vst v63  }
0x42: {  	_ =	swait.ge [sflag:s21], $0x80  }
0x43: {  	[sflag:s21] =	ssyncset.done $0x0  }
0x44: {  	s29 =	sadd.s32 s6, s28;
	[sflag:s21] =	ssyncadd.s32 $0xFFFFFF80  }
0x45: {  	[tilespmem:s22], [sflag:$0x2] =	stream.linear.gather [hbm4b:s29+s25], $0x80, $0x38;
	[tilespmem:$0x18180] =	vst v63  }
0x46: {  	_ =	swait.ge [sflag:s21], $0x80  }
0x47: {  	[sflag:s21] =	ssyncset.done $0x0  }
0x48: {  	s28 =	sadd.s32 s7, s28;
	[sflag:s21] =	ssyncadd.s32 $0xFFFFFF80  }
0x49: {  	[tilespmem:s23], [sflag:$0x2] =	stream.linear.gather [hbm4b:s28+s25], $0x80, $0x38;
	[tilespmem:$0x18180] =	vst v63  }
0x4a: {  	_ =	swait.ge [sflag:s21], $0x80  }
0x4b: {  	[sflag:s21] =	ssyncset.done $0x0  }
0x4c: {  	[sflag:s21] =	ssyncadd.s32 $0xFFFFFF80  }
0x4d: {  	[tilespmem:s20], [sflag:$0x1] =	stream.indirect.gather [hbm4b:s1+s22], $0x80, s25, s22, $0xb8;
	[tilespmem:$0x18180] =	vst v63  }
0x4e: {  	_ =	swait.ge [sflag:s24], $0x4000  }
0x4f: {  	v1 =	vmov s25;
	[sflag:s24] =	ssyncset.done $0x0  }
0x50: {  	s28 =	simm.s32 $0x1C0;
	[sflag:s24] =	ssyncadd.s32 $0xFFFFC000  }
0x51: {  	v5 =	vld [tilespmem:s28+$0x30]  }
0x52: {  	v8 =	vld [tilespmem:s28+$0x10]  }
0x53: {  	v6 =	vld [tilespmem:s28+$0xFFFFFFC0]  }
0x54: {  	v2 =	vld.idx.msk [tilespmem:v1+s23+$0x0], $0xffff  }
0x55: {  	v10 =	vld [tilespmem:s28+$0xFFFFFFE0]  }
0x56: {  	v1 =	vld [tilespmem:s28+$0xFFFFFFF0]  }
0x57: {  	v3 =	vld [tilespmem:s28+$0x20]  }
0x58: {  	v4 =	vld [tilespmem:s28+$0xFFFFFFD0]  }
0x59: {  	v9 =	vmul.f32 v5, v2;
	v5 =	vld [tilespmem:s28+$0x0]  }
0x5a: {  	v7 =	vmul.f32 v6, v2  }
0x5b: {  	s30 =	simm.s32 $0x1C0;
	s29 =	simm.s32 $0x1;
	v6 =	vmul.f32 v10, v2;
	v8 =	vmul.f32 v8, v2  }
.LBB2_5:
0x5c: {  	p0 =	sne.s32 s29, $0x7F  }
0x5d: {  	v4 =	vmul.f32 v4, v2;
	v3 =	vmul.f32 v3, v2;
	[tilespmem:s28+$0x30] =	vst v9;
	s30 =	sadd.s32 $0x80, s30;
	s31 =	smov.u32 s29;
	s29 =	sadd.s32 $0x1, s29  }
0x5e: {  	[tilespmem:s28+$0xFFFFFFC0] =	vst v7;
	v7 =	vmul.f32 v1, v2;
	v2 =	vmul.f32 v5, v2  }
0x5f: {  	[tilespmem:s28+$0x10] =	vst v8  }
0x60: {  	v5 =	vmov s31;
	[tilespmem:s28+$0xFFFFFFE0] =	vst v6  }
0x61: {  	v1 =	vld [tilespmem:s30+$0xFFFFFFF0];
	[tilespmem:s28+$0xFFFFFFF0] =	vst v7  }
0x62: {  	v6 =	vld [tilespmem:s30+$0x30];
	[tilespmem:s28+$0x0] =	vst v2  }
0x63: {  	v8 =	vld [tilespmem:s30+$0x10];
	[tilespmem:s28+$0x20] =	vst v3  }
0x64: {  	v7 =	vld [tilespmem:s30+$0xFFFFFFC0];
	[tilespmem:s28+$0xFFFFFFD0] =	vst v4;
	s28 =	smov.u32 s30  }
0x65: {  	v2 =	vld.idx.msk [tilespmem:v5+s23+$0x0], $0xffff  }
0x66: {  	v10 =	vld [tilespmem:s30+$0xFFFFFFE0]  }
0x67: {  	v3 =	vld [tilespmem:s30+$0x20]  }
.Ltmp1:
0x68: {  	v4 =	vld [tilespmem:s30+$0xFFFFFFD0];
	(pc) =	sbr.rel @p0 .LBB2_5-.Ltmp1, $3  }
0x69: {  	v5 =	vld [tilespmem:s30+$0x0];
	_ =	sdelay $0x1  }
0x6a: {  	v7 =	vmul.f32 v7, v2;
	v9 =	vmul.f32 v6, v2  }
0x6b: {  	v8 =	vmul.f32 v8, v2;
	v6 =	vmul.f32 v10, v2  }
0x6c: {  	[tilespmem:s28+$0x30] =	vst v9  }
0x6d: {  	[tilespmem:s28+$0xFFFFFFC0] =	vst v7  }
0x6e: {  	v1 =	vmul.f32 v1, v2;
	[tilespmem:s28+$0x10] =	vst v8  }
0x6f: {  	v3 =	vmul.f32 v3, v2;
	[tilespmem:s28+$0xFFFFFFE0] =	vst v6  }
0x70: {  	v5 =	vmul.f32 v5, v2;
	[tilespmem:s28+$0xFFFFFFF0] =	vst v1  }
0x71: {  	s26 =	sadd.s32 $0x1, s26;
	v1 =	vmul.f32 v4, v2;
	[tilespmem:s28+$0x20] =	vst v3  }
0x72: {  	p0 =	sne.s32 s26, $0x4F;
	[tilespmem:s28+$0x0] =	vst v5  }
.Ltmp2:
0x73: {  	[tilespmem:s28+$0xFFFFFFD0] =	vst v1;
	(pc) =	sbr.rel @p0 .LBB2_4-.Ltmp2, $4  }
0x74: {  	[spmem:s2] =	stream.indirect.scatter.add.f32 [tilespmem:s20], [sflag:$0x2], $0x80, s22, s22, $0xb8;
	[tilespmem:$0x18180] =	vst v63  }
0x75: {  	_ =	swait.ge [sflag:s21], $0x4000  }
0x76: {  	[sflag:s21] =	ssyncset.done $0x0  }
0x77: {  	[sflag:s21] =	ssyncadd.s32 $0xFFFFC000  }
0x78: {  	s25 =	sshll.u32 s4, $0x6  }
0x79: {  	[bflag:$0x0] =	sbarrier.arrive $0xFFFF;
	s26 =	sshrl.u32 s8, $0x3;
	s25 =	sor.u32 $0x1C02, s25  }
0x7a: {  	[hbm:s14], [sflag:s25] =	dma.local [spmem:s26], $0x800  }
0x7b: {  	_ =	swait.ge [sflag:s21], $0x800  }
0x7c: {  	[sflag:s21] =	ssyncset.done $0x0  }
0x7d: {  	s28 =	sshrl.u32 s9, $0x3;
	[sflag:s21] =	ssyncadd.s32 $0xFFFFF800  }
0x7e: {  	[hbm:s15], [sflag:s25] =	dma.local [spmem:s28], $0x800  }
0x7f: {  	_ =	swait.ge [sflag:s21], $0x800  }
0x80: {  	[sflag:s21] =	ssyncset.done $0x0  }
0x81: {  	s29 =	sshrl.u32 s10, $0x3;
	[sflag:s21] =	ssyncadd.s32 $0xFFFFF800  }
0x82: {  	[hbm:s16], [sflag:s25] =	dma.local [spmem:s29], $0x800  }
0x83: {  	_ =	swait.ge [sflag:s21], $0x800  }
0x84: {  	[sflag:s21] =	ssyncset.done $0x0  }
0x85: {  	s30 =	sshrl.u32 s11, $0x3;
	[sflag:s21] =	ssyncadd.s32 $0xFFFFF800  }
0x86: {  	[hbm:s17], [sflag:s25] =	dma.local [spmem:s30], $0x800  }
0x87: {  	s3 =	sadd.s32 $0x1, s3;
	_ =	swait.ge [sflag:s21], $0x800  }
0x88: {  	p0 =	sne.s32 s3, s19;
	[sflag:s21] =	ssyncset.done $0x0  }
.Ltmp3:
0x89: {  	s31 =	sshrl.u32 s12, $0x3;
	[sflag:s21] =	ssyncadd.s32 $0xFFFFF800;
	(pc) =	sbr.rel @p0 .LBB2_1-.Ltmp3, $4  }
0x8a: {  	[hbm:s18], [sflag:s25] =	dma.local [spmem:s31], $0x800  }
0x8b: {  	_ =	swait.ge [sflag:s21], $0x800  }
0x8c: {  	[sflag:s21] =	ssyncset.done $0x0  }
0x8d: {  	[sflag:s21] =	ssyncadd.s32 $0xFFFFF800  }
0x8e: {  	_ =	sfence.sel $0x180000  }
0x8f: {  	[bflag:$0x0] =	sbarrier.arrive $0xFFFF  }
0x90: {  	p0 =	sne.s32 s4, $0x0;
	_ =	strace $0x90000050  }
0x91: {  	s0 =	sadd.s32 @!p0 $0x100000, s0;
	[bflag:$0x2] =	sbarrier.arrive $0xFFFF  }
0x92: {  	[sflag:s0] =	ssyncadd.tile.s32 @!p0 $0x1;
	_ =	shalt  }
.Lfunc_end2:
_tile_overlayer_lowered:
.L_overlay_start_2:
0x93: {  	(tag) =	ssettag $0x2  }
0x94: {  	s0 =	rddreg [dreg:$0x0];
	s2 =	stileid.u32  }
0x95: {  	s1 =	rddreg [dreg:$0x1];
	p0 =	sne.s32 s2, $0x0  }
0x96: {  	s3 =	rddreg [dreg:$0x2];
	[bflag:$0x3] =	sbarrier.arrive $0xFFFF;
	s2 =	simm.s32 @!p0 $0x1C02  }
0x97: {  	[timem:s3], [sflag:s2] =	dma.local @!p0 [hbm:s0], s1  }
0x98: {  	s0 =	simm.s32 @!p0 $0x2  }
0x99: {  	_ =	swait.ge @!p0 [sflag:s0], s1  }
0x9a: {  	s1 =	ssub.s32 @!p0 $0x0, s1;
	[sflag:s0] =	ssyncset.done @!p0 $0x0  }
0x9b: {  	[sflag:s0] =	ssyncadd.s32 @!p0 s1  }
0x9c: {  	[bflag:$0x3] =	sbarrier.arrive $0xFFFF  }
0x9d: {  	_ =	shalt  }

</sc_bundles>
